<compile_context>
chip_gen: v7x
topology: tpu7x:2x2x1
jax: 0.10.2.dev20260603
libtpu: 0.0.44.dev20260713+nightly
codegen_flags: <defaults>
</compile_context>

<pallas_src>
import functools

import jax
import jax.numpy as jnp
from jax import lax
from jax.experimental import pallas as pl
from jax.experimental.pallas import tpu as pltpu
from jax.experimental.pallas import tpu_sc as plsc

F32 = jnp.float32
I32 = jnp.int32

NS = 16
NC = 2
NW = NC * NS
K = 64
D = 128
AW = 144
BLK = 512



def _proj_body(x_ref, wl_ref, wr_ref, xl_ref, xr_ref):
    xb = x_ref[...]
    dn = (((1,), (1,)), ((), ()))
    xl_ref[...] = lax.dot_general(xb, wl_ref[...], dn,
                                  preferred_element_type=F32)
    xr_ref[...] = lax.dot_general(xb, wr_ref[...], dn,
                                  preferred_element_type=F32)


def _proj(xpad, wl, wr):
    np_rows = xpad.shape[0]
    return pl.pallas_call(
        _proj_body,
        grid=(np_rows // BLK,),
        in_specs=[
            pl.BlockSpec((BLK, D), lambda i: (i, 0)),
            pl.BlockSpec((D, D), lambda i: (0, 0)),
            pl.BlockSpec((D, D), lambda i: (0, 0)),
        ],
        out_specs=[
            pl.BlockSpec((BLK, D), lambda i: (i, 0)),
            pl.BlockSpec((BLK, D), lambda i: (i, 0)),
        ],
        out_shape=[
            jax.ShapeDtypeStruct((np_rows, D), F32),
            jax.ShapeDtypeStruct((np_rows, D), F32),
        ],
    )(xpad, wl, wr)


def _combine(acc_ref, den_ref, ch):
    w = acc_ref[0] + acc_ref[1]
    d = den_ref[0] + den_ref[1]
    col_head = lax.broadcasted_iota(I32, (16, D), 1) // ch
    row = lax.broadcasted_iota(I32, (16, D), 0)
    sel = (col_head == row).astype(F32)
    denom = lax.dot_general(d, sel, (((1,), (0,)), ((), ())),
                            preferred_element_type=F32)
    return w / (denom + 1e-16)


def _mid_body(ch, acc_ref, den_ref, b_ref, wl_ref, wr_ref, xl_ref, xr_ref):
    h = _combine(acc_ref, den_ref, ch) + b_ref[...]
    h = jnp.maximum(h, 0.0)
    dn = (((1,), (1,)), ((), ()))
    xl_ref[...] = lax.dot_general(h, wl_ref[...], dn,
                                  preferred_element_type=F32)
    xr_ref[...] = lax.dot_general(h, wr_ref[...], dn,
                                  preferred_element_type=F32)


def _mid(acc, den, b, wl, wr, ch):
    np_rows = acc.shape[1]
    return pl.pallas_call(
        functools.partial(_mid_body, ch),
        grid=(np_rows // BLK,),
        in_specs=[
            pl.BlockSpec((2, BLK, D), lambda i: (0, i, 0)),
            pl.BlockSpec((2, BLK, 16), lambda i: (0, i, 0)),
            pl.BlockSpec((1, D), lambda i: (0, 0)),
            pl.BlockSpec((D, D), lambda i: (0, 0)),
            pl.BlockSpec((D, D), lambda i: (0, 0)),
        ],
        out_specs=[
            pl.BlockSpec((BLK, D), lambda i: (i, 0)),
            pl.BlockSpec((BLK, D), lambda i: (i, 0)),
        ],
        out_shape=[
            jax.ShapeDtypeStruct((np_rows, D), F32),
            jax.ShapeDtypeStruct((np_rows, D), F32),
        ],
    )(acc, den, b, wl, wr)


def _final_body(ch, acc_ref, den_ref, b_ref, out_ref):
    out_ref[...] = _combine(acc_ref, den_ref, ch) + b_ref[...]


def _final(acc, den, b, ch):
    np_rows = acc.shape[1]
    return pl.pallas_call(
        functools.partial(_final_body, ch),
        grid=(np_rows // BLK,),
        in_specs=[
            pl.BlockSpec((2, BLK, D), lambda i: (0, i, 0)),
            pl.BlockSpec((2, BLK, 16), lambda i: (0, i, 0)),
            pl.BlockSpec((1, D), lambda i: (0, 0)),
        ],
        out_specs=pl.BlockSpec((BLK, D), lambda i: (i, 0)),
        out_shape=jax.ShapeDtypeStruct((np_rows, D), F32),
    )(acc, den, b)



def _lane_shuffle(v, idx):
    dn = lax.GatherDimensionNumbers(
        offset_dims=(), collapsed_slice_dims=(0,), start_index_map=(0,))
    return lax.gather(v, idx[:, None], dn, slice_sizes=(1,),
                      mode=lax.GatherScatterMode.PROMISE_IN_BOUNDS)


def _lane_sum(v, lanes):
    for sh in (1, 2, 4, 8):
        v = v + _lane_shuffle(v, lanes ^ sh)
    return v


def _make_edge_kernel(heads, np_rows, cpw):
    rpt = np_rows // NS
    vph = 8 // heads
    nfull = rpt // K

    mesh = plsc.VectorSubcoreMesh(core_axis_name="c", subcore_axis_name="s")

    npd = np_rows // 8
    rpd = npd // NS

    @functools.partial(
        pl.kernel,
        out_type=(jax.ShapeDtypeStruct((NC * np_rows, D), F32),
                  jax.ShapeDtypeStruct((NC * npd, D), F32)),
        mesh=mesh,
        scratch_types=[
            pltpu.VMEM_SHARED((np_rows, D), F32),
            pltpu.VMEM_SHARED((npd, D), F32),
            pltpu.VMEM((K,), I32),
            pltpu.VMEM((K,), I32),
            pltpu.VMEM((K,), I32),
            pltpu.VMEM((K, D), F32),
            pltpu.VMEM((K, D), F32),
            pltpu.VMEM((K, D), F32),
            pltpu.VMEM((D,), F32),
            pltpu.SemaphoreType.DMA,
            pltpu.SemaphoreType.DMA,
        ],
    )
    def edge_kernel(xl_hbm, xr_hbm, src_hbm, dst_hbm, att_hbm,
                    acc_out, den_out,
                    acc_sh, den_sh, srci, dsti, dsti8, xlr, xrr, bufd, attv,
                    sem1, sem2):
        cid = lax.axis_index("c")
        sid = lax.axis_index("s")
        wid = cid * NS + sid
        zv = jnp.zeros((16,), F32)
        lanes = lax.broadcasted_iota(I32, (16,), 0)

        @pl.loop(0, K)
        def zrow(ee):
            for i in range(8):
                xlr[ee, pl.ds(16 * i, 16)] = zv
                bufd[ee, pl.ds(16 * i, 16)] = zv

        @pl.loop(0, nfull)
        def zslab(j):
            pltpu.sync_copy(xlr, acc_sh.at[pl.ds(sid * rpt + j * K, K)])

        pltpu.sync_copy(bufd, den_sh.at[pl.ds(sid * rpd, K)])
        pltpu.sync_copy(bufd, den_sh.at[pl.ds(sid * rpd + rpd - K, K)])

        pltpu.sync_copy(att_hbm, attv)
        plsc.subcore_barrier()

        atts = [attv[pl.ds(16 * i, 16)] for i in range(8)]

        @pl.loop(0, cpw)
        def chunk(c):
            base = (wid * cpw + c) * K
            pltpu.sync_copy(src_hbm.at[pl.ds(base, K)], srci)
            pltpu.sync_copy(dst_hbm.at[pl.ds(base, K)], dsti)
            g1 = pltpu.async_copy(xl_hbm.at[srci], xlr, sem1)
            g2 = pltpu.async_copy(xr_hbm.at[dsti], xrr, sem2)
            g1.wait()
            g2.wait()

            @pl.loop(0, K // 16)
            def didx(k):
                dv = dsti[pl.ds(16 * k, 16)]
                dsti8[pl.ds(16 * k, 16)] = lax.shift_right_logical(dv, 3)

            @pl.loop(0, K)
            def edge(e):
                xls = []
                ps = []
                for i in range(8):
                    xl_i = xlr[e, pl.ds(16 * i, 16)]
                    xr_i = xrr[e, pl.ds(16 * i, 16)]
                    s = xl_i + xr_i
                    t = jnp.maximum(s, 0.2 * s)
                    xls.append(xl_i)
                    ps.append(atts[i] * t)
                dvec = jnp.zeros((16,), F32)
                for h in range(heads):
                    q = ps[h * vph]
                    for j in range(1, vph):
                        q = q + ps[h * vph + j]
                    ev = jnp.exp(_lane_sum(q, lanes))
                    for j in range(vph):
                        i = h * vph + j
                        xlr[e, pl.ds(16 * i, 16)] = ev * xls[i]
                    dvec = jnp.where(lanes == h, ev, dvec)
                for i in range(8):
                    bufd[e, pl.ds(16 * i, 16)] = zv
                col = (dsti[pl.ds(e, 1)][0] & 7) * 16
                bufd[e, pl.ds(col, 16)] = dvec

            pltpu.sync_copy(xlr, acc_sh.at[dsti], add=True)
            pltpu.sync_copy(bufd, den_sh.at[dsti8], add=True)

        plsc.subcore_barrier()

        @pl.loop(0, nfull)
        def pub(j):
            b = sid * rpt + j * K
            pltpu.sync_copy(acc_sh.at[pl.ds(b, K)], xlr)
            pltpu.sync_copy(xlr, acc_out.at[pl.ds(cid * np_rows + b, K)])

        b1_ = sid * rpd
        pltpu.sync_copy(den_sh.at[pl.ds(b1_, K)], bufd)
        pltpu.sync_copy(bufd, den_out.at[pl.ds(cid * npd + b1_, K)])
        b2_ = sid * rpd + rpd - K
        pltpu.sync_copy(den_sh.at[pl.ds(b2_, K)], bufd)
        pltpu.sync_copy(bufd, den_out.at[pl.ds(cid * npd + b2_, K)])

    return edge_kernel



def kernel(x, edge_index, W1l, W1r, att1, b1, W2l, W2r, att2, b2):
    n = x.shape[0]
    e = edge_index.shape[1]
    heads1 = att1.shape[0]
    heads2 = att2.shape[0]

    np_rows = ((n + 1 + BLK - 1) // BLK) * BLK

    eh = e + n
    cpw = -(-eh // (NW * K))
    eh_pad = cpw * NW * K

    src0 = edge_index[0]
    dst0 = edge_index[1]
    loop = jnp.arange(n, dtype=I32)
    trash = jnp.int32(n)
    pad = eh_pad - eh
    src = jnp.concatenate(
        [src0, loop, jnp.zeros((pad,), I32)])
    dstm = jnp.concatenate(
        [jnp.where(src0 != dst0, dst0, trash), loop,
         jnp.full((pad,), trash, I32)])

    xpad = jnp.pad(x, ((0, np_rows - n), (0, 0)))
    xl1, xr1 = _proj(xpad, W1l, W1r)

    npd = np_rows // 8
    acc1, den1 = _make_edge_kernel(heads1, np_rows, cpw)(
        xl1, xr1, src, dstm, att1.reshape(-1))

    xl2, xr2 = _mid(acc1.reshape(NC, np_rows, D), den1.reshape(NC, np_rows, 16),
                    b1.reshape(1, D), W2l, W2r, D // heads1)

    acc2, den2 = _make_edge_kernel(heads2, np_rows, cpw)(
        xl2, xr2, src, dstm, att2.reshape(-1))

    out = _final(acc2.reshape(NC, np_rows, D), den2.reshape(NC, np_rows, 16),
                 b2.reshape(1, D), D // heads2)
    return out[:n]

# --- scband reference (transcript-rebuilt; emitter-appended) ---
"""Pipeline reference for scband-gatv2-block-66211215835636 (READ-ONLY COPY).

The authoritative reference and input builder live on the scoring server;
editing this copy changes nothing except your own understanding.
"""

import jax, jax.numpy as jnp
import numpy as np

N = 10000
E = 320000
IN_CH = 128
HID = 128
OUT_CH = 128
HEADS = 4


def setup_inputs(seed: int = 0) -> dict:
    key = jax.random.key(seed)
    ks = jax.random.split(key, 12)
    x = jax.random.normal(ks[0], (N, IN_CH), dtype=jnp.float32)
    edge_index = jax.random.randint(ks[1], (2, E), 0, N, dtype=jnp.int32)
    s1 = 1.0 / np.sqrt(IN_CH)
    s2 = 1.0 / np.sqrt(HID)
    W1l = jax.random.normal(ks[2], (HID, IN_CH), dtype=jnp.float32) * s1
    W1r = jax.random.normal(ks[3], (HID, IN_CH), dtype=jnp.float32) * s1
    att1 = jax.random.normal(ks[4], (HEADS, HID // HEADS), dtype=jnp.float32) * s2
    b1 = jnp.zeros((HID,), dtype=jnp.float32)
    W2l = jax.random.normal(ks[5], (OUT_CH, HID), dtype=jnp.float32) * s2
    W2r = jax.random.normal(ks[6], (OUT_CH, HID), dtype=jnp.float32) * s2
    att2 = jax.random.normal(ks[7], (1, OUT_CH), dtype=jnp.float32) * (1.0 / np.sqrt(OUT_CH))
    b2 = jnp.zeros((OUT_CH,), dtype=jnp.float32)
    return {"x": x, "edge_index": edge_index, "W1l": W1l, "W1r": W1r,
            "att1": att1, "b1": b1, "W2l": W2l, "W2r": W2r, "att2": att2, "b2": b2}


def _gatv2_conv(x, edge_index, Wl, Wr, att, bias, heads, ch):
    # Faithful to PyG GATv2Conv (share_weights=False, concat=True,
    # negative_slope=0.2, add_self_loops=True, bias=True).
    n = x.shape[0]
    src, dst = edge_index[0], edge_index[1]
    # remove existing self loops, then add one self loop per node
    valid = src != dst
    loop = jnp.arange(n, dtype=src.dtype)
    src = jnp.concatenate([src, loop])
    dst = jnp.concatenate([dst, loop])
    valid = jnp.concatenate([valid, jnp.ones((n,), dtype=bool)])
    xl = (x @ Wl.T).reshape(n, heads, ch)  # source features
    xr = (x @ Wr.T).reshape(n, heads, ch)  # target features
    xj = xl[src]                            # gather: [Eh, H, C]
    xi = xr[dst]
    e = jax.nn.leaky_relu(xi + xj, 0.2)
    score = jnp.sum(e * att, axis=-1)       # [Eh, H]
    score = jnp.where(valid[:, None], score, -jnp.inf)
    # numerically stable softmax over incoming edges of each dst node
    smax = jax.ops.segment_max(score, dst, num_segments=n)
    smax = jax.lax.stop_gradient(smax)
    escore = jnp.exp(score - smax[dst])
    denom = jax.ops.segment_sum(escore, dst, num_segments=n)
    alpha = escore / (denom[dst] + 1e-16)
    out = jax.ops.segment_sum(xj * alpha[..., None], dst, num_segments=n)
    return out.reshape(n, heads * ch) + bias


def reference(x, edge_index, W1l, W1r, att1, b1, W2l, W2r, att2, b2):
    h = _gatv2_conv(x, edge_index, W1l, W1r, att1, b1, HEADS, HID // HEADS)
    h = jax.nn.relu(h)
    return _gatv2_conv(h, edge_index, W2l, W2r, att2, b2, 1, OUT_CH)

if __name__ == "__main__":
    import jax
    _d = setup_inputs()
    print(jax.jit(kernel)(*tuple(_d.values())))

</pallas_src>

<mosaic_0001>
#map = affine_map<(d0, d1) -> (0, 0)>
#map1 = affine_map<(d0, d1) -> (0)>
module attributes {stable_mosaic.version = 14 : i64} {
  func.func @edge_kernel(%arg0: i32, %arg1: i32, %arg2: memref<10240x128xf32, #tpu.memory_space<hbm>>, %arg3: memref<10240x128xf32, #tpu.memory_space<hbm>>, %arg4: memref<331776xi32, #tpu.memory_space<hbm>>, %arg5: memref<331776xi32, #tpu.memory_space<hbm>>, %arg6: memref<128xf32, #tpu.memory_space<hbm>>, %arg7: memref<20480x128xf32, #tpu.memory_space<hbm>>, %arg8: memref<2560x128xf32, #tpu.memory_space<hbm>>, %arg9: memref<10240x128xf32, #tpu.memory_space<vmem_shared>>, %arg10: memref<1280x128xf32, #tpu.memory_space<vmem_shared>>, %arg11: memref<64xi32, #tpu.memory_space<vmem>>, %arg12: memref<64xi32, #tpu.memory_space<vmem>>, %arg13: memref<64xi32, #tpu.memory_space<vmem>>, %arg14: memref<64x128xf32, #tpu.memory_space<vmem>>, %arg15: memref<64x128xf32, #tpu.memory_space<vmem>>, %arg16: memref<64x128xf32, #tpu.memory_space<vmem>>, %arg17: memref<128xf32, #tpu.memory_space<vmem>>, %arg18: memref<!tpu.dma_semaphore, #tpu.memory_space<semaphore_mem>>, %arg19: memref<!tpu.dma_semaphore, #tpu.memory_space<semaphore_mem>>) attributes {dimension_semantics = [#tpu.dimension_semantics<core_parallel>, #tpu.dimension_semantics<subcore_parallel>], iteration_bounds = array<i64: 2, 16>, scalar_prefetch = 0 : i64, scratch_operands = 11 : i64, tpu.core_type = #tpu.core_type<sc_vector_subcore>, window_params = [{transform_indices = #map}, {transform_indices = #map}, {transform_indices = #map1}, {transform_indices = #map1}, {transform_indices = #map1}, {transform_indices = #map}, {transform_indices = #map}]} {
    %mul3A = arith.constant 16 : i32
    %mul3A_0 = arith.muli %arg0, %mul3A : i32
    %add3A = arith.addi %mul3A_0, %arg1 : i32
    %broadcast_in_dim3A = arith.constant 0.000000e+00 : f32
    %broadcast_in_dim3A_1 = vector.broadcast %broadcast_in_dim3A : f32 to vector<16xf32>
    %iota3A = tpu.iota {dimensions = array<i32: 0>} : vector<16xi32>
    %scan3A = arith.constant 0 : i32
    %scan3A_2 = arith.constant 64 : i32
    %scan3A_3 = arith.addi %scan3A, %scan3A_2 : i32
    %scan3A_4 = arith.constant 1 : i32
    scf.for %scan3A_66 = %scan3A to %scan3A_3 step %scan3A_4  : i32 {
      %mul3A_67 = arith.constant 1 : i32
      %mul3A_68 = arith.muli %scan3A_66, %mul3A_67 : i32
      %add3A_69 = arith.constant 0 : i32
      %add3A_70 = arith.addi %add3A_69, %mul3A_68 : i32
      %swap3A = arith.index_cast %add3A_70 : i32 to index
      %swap3A_71 = arith.constant 0 : index
      %swap3A_72 = tpu.vector_load %arg14[%swap3A, %swap3A_71] {strides = array<i32>} : memref<64x128xf32, #tpu.memory_space<vmem>>, vector<1x16xf32>,
      %swap3A_73 = vector.shape_cast %swap3A_72 : vector<1x16xf32> to vector<16xf32>
      %swap3A_74 = vector.shape_cast %broadcast_in_dim3A_1 : vector<16xf32> to vector<1x16xf32>
      tpu.vector_store %arg14[%swap3A, %swap3A_71], %swap3A_74 {strides = array<i32>} : memref<64x128xf32, #tpu.memory_space<vmem>>, vector<1x16xf32>,
      %swap3A_75 = arith.index_cast %add3A_70 : i32 to index
      %swap3A_76 = arith.constant 0 : index
      %swap3A_77 = tpu.vector_load %arg16[%swap3A_75, %swap3A_76] {strides = array<i32>} : memref<64x128xf32, #tpu.memory_space<vmem>>, vector<1x16xf32>,
      %swap3A_78 = vector.shape_cast %swap3A_77 : vector<1x16xf32> to vector<16xf32>
      %swap3A_79 = vector.shape_cast %broadcast_in_dim3A_1 : vector<16xf32> to vector<1x16xf32>
      tpu.vector_store %arg16[%swap3A_75, %swap3A_76], %swap3A_79 {strides = array<i32>} : memref<64x128xf32, #tpu.memory_space<vmem>>, vector<1x16xf32>,
      %swap3A_80 = arith.index_cast %add3A_70 : i32 to index
      %swap3A_81 = arith.constant 16 : index
      %swap3A_82 = tpu.vector_load %arg14[%swap3A_80, %swap3A_81] {strides = array<i32>} : memref<64x128xf32, #tpu.memory_space<vmem>>, vector<1x16xf32>,
      %swap3A_83 = vector.shape_cast %swap3A_82 : vector<1x16xf32> to vector<16xf32>
      %swap3A_84 = vector.shape_cast %broadcast_in_dim3A_1 : vector<16xf32> to vector<1x16xf32>
      tpu.vector_store %arg14[%swap3A_80, %swap3A_81], %swap3A_84 {strides = array<i32>} : memref<64x128xf32, #tpu.memory_space<vmem>>, vector<1x16xf32>,
      %swap3A_85 = arith.index_cast %add3A_70 : i32 to index
      %swap3A_86 = arith.constant 16 : index
      %swap3A_87 = tpu.vector_load %arg16[%swap3A_85, %swap3A_86] {strides = array<i32>} : memref<64x128xf32, #tpu.memory_space<vmem>>, vector<1x16xf32>,
      %swap3A_88 = vector.shape_cast %swap3A_87 : vector<1x16xf32> to vector<16xf32>
      %swap3A_89 = vector.shape_cast %broadcast_in_dim3A_1 : vector<16xf32> to vector<1x16xf32>
      tpu.vector_store %arg16[%swap3A_85, %swap3A_86], %swap3A_89 {strides = array<i32>} : memref<64x128xf32, #tpu.memory_space<vmem>>, vector<1x16xf32>,
      %swap3A_90 = arith.index_cast %add3A_70 : i32 to index
      %swap3A_91 = arith.constant 32 : index
      %swap3A_92 = tpu.vector_load %arg14[%swap3A_90, %swap3A_91] {strides = array<i32>} : memref<64x128xf32, #tpu.memory_space<vmem>>, vector<1x16xf32>,
      %swap3A_93 = vector.shape_cast %swap3A_92 : vector<1x16xf32> to vector<16xf32>
      %swap3A_94 = vector.shape_cast %broadcast_in_dim3A_1 : vector<16xf32> to vector<1x16xf32>
      tpu.vector_store %arg14[%swap3A_90, %swap3A_91], %swap3A_94 {strides = array<i32>} : memref<64x128xf32, #tpu.memory_space<vmem>>, vector<1x16xf32>,
      %swap3A_95 = arith.index_cast %add3A_70 : i32 to index
      %swap3A_96 = arith.constant 32 : index
      %swap3A_97 = tpu.vector_load %arg16[%swap3A_95, %swap3A_96] {strides = array<i32>} : memref<64x128xf32, #tpu.memory_space<vmem>>, vector<1x16xf32>,
      %swap3A_98 = vector.shape_cast %swap3A_97 : vector<1x16xf32> to vector<16xf32>
      %swap3A_99 = vector.shape_cast %broadcast_in_dim3A_1 : vector<16xf32> to vector<1x16xf32>
      tpu.vector_store %arg16[%swap3A_95, %swap3A_96], %swap3A_99 {strides = array<i32>} : memref<64x128xf32, #tpu.memory_space<vmem>>, vector<1x16xf32>,
      %swap3A_100 = arith.index_cast %add3A_70 : i32 to index
      %swap3A_101 = arith.constant 48 : index
      %swap3A_102 = tpu.vector_load %arg14[%swap3A_100, %swap3A_101] {strides = array<i32>} : memref<64x128xf32, #tpu.memory_space<vmem>>, vector<1x16xf32>,
      %swap3A_103 = vector.shape_cast %swap3A_102 : vector<1x16xf32> to vector<16xf32>
      %swap3A_104 = vector.shape_cast %broadcast_in_dim3A_1 : vector<16xf32> to vector<1x16xf32>
      tpu.vector_store %arg14[%swap3A_100, %swap3A_101], %swap3A_104 {strides = array<i32>} : memref<64x128xf32, #tpu.memory_space<vmem>>, vector<1x16xf32>,
      %swap3A_105 = arith.index_cast %add3A_70 : i32 to index
      %swap3A_106 = arith.constant 48 : index
      %swap3A_107 = tpu.vector_load %arg16[%swap3A_105, %swap3A_106] {strides = array<i32>} : memref<64x128xf32, #tpu.memory_space<vmem>>, vector<1x16xf32>,
      %swap3A_108 = vector.shape_cast %swap3A_107 : vector<1x16xf32> to vector<16xf32>
      %swap3A_109 = vector.shape_cast %broadcast_in_dim3A_1 : vector<16xf32> to vector<1x16xf32>
      tpu.vector_store %arg16[%swap3A_105, %swap3A_106], %swap3A_109 {strides = array<i32>} : memref<64x128xf32, #tpu.memory_space<vmem>>, vector<1x16xf32>,
      %swap3A_110 = arith.index_cast %add3A_70 : i32 to index
      %swap3A_111 = arith.constant 64 : index
      %swap3A_112 = tpu.vector_load %arg14[%swap3A_110, %swap3A_111] {strides = array<i32>} : memref<64x128xf32, #tpu.memory_space<vmem>>, vector<1x16xf32>,
      %swap3A_113 = vector.shape_cast %swap3A_112 : vector<1x16xf32> to vector<16xf32>
      %swap3A_114 = vector.shape_cast %broadcast_in_dim3A_1 : vector<16xf32> to vector<1x16xf32>
      tpu.vector_store %arg14[%swap3A_110, %swap3A_111], %swap3A_114 {strides = array<i32>} : memref<64x128xf32, #tpu.memory_space<vmem>>, vector<1x16xf32>,
      %swap3A_115 = arith.index_cast %add3A_70 : i32 to index
      %swap3A_116 = arith.constant 64 : index
      %swap3A_117 = tpu.vector_load %arg16[%swap3A_115, %swap3A_116] {strides = array<i32>} : memref<64x128xf32, #tpu.memory_space<vmem>>, vector<1x16xf32>,
      %swap3A_118 = vector.shape_cast %swap3A_117 : vector<1x16xf32> to vector<16xf32>
      %swap3A_119 = vector.shape_cast %broadcast_in_dim3A_1 : vector<16xf32> to vector<1x16xf32>
      tpu.vector_store %arg16[%swap3A_115, %swap3A_116], %swap3A_119 {strides = array<i32>} : memref<64x128xf32, #tpu.memory_space<vmem>>, vector<1x16xf32>,
      %swap3A_120 = arith.index_cast %add3A_70 : i32 to index
      %swap3A_121 = arith.constant 80 : index
      %swap3A_122 = tpu.vector_load %arg14[%swap3A_120, %swap3A_121] {strides = array<i32>} : memref<64x128xf32, #tpu.memory_space<vmem>>, vector<1x16xf32>,
      %swap3A_123 = vector.shape_cast %swap3A_122 : vector<1x16xf32> to vector<16xf32>
      %swap3A_124 = vector.shape_cast %broadcast_in_dim3A_1 : vector<16xf32> to vector<1x16xf32>
      tpu.vector_store %arg14[%swap3A_120, %swap3A_121], %swap3A_124 {strides = array<i32>} : memref<64x128xf32, #tpu.memory_space<vmem>>, vector<1x16xf32>,
      %swap3A_125 = arith.index_cast %add3A_70 : i32 to index
      %swap3A_126 = arith.constant 80 : index
      %swap3A_127 = tpu.vector_load %arg16[%swap3A_125, %swap3A_126] {strides = array<i32>} : memref<64x128xf32, #tpu.memory_space<vmem>>, vector<1x16xf32>,
      %swap3A_128 = vector.shape_cast %swap3A_127 : vector<1x16xf32> to vector<16xf32>
      %swap3A_129 = vector.shape_cast %broadcast_in_dim3A_1 : vector<16xf32> to vector<1x16xf32>
      tpu.vector_store %arg16[%swap3A_125, %swap3A_126], %swap3A_129 {strides = array<i32>} : memref<64x128xf32, #tpu.memory_space<vmem>>, vector<1x16xf32>,
      %swap3A_130 = arith.index_cast %add3A_70 : i32 to index
      %swap3A_131 = arith.constant 96 : index
      %swap3A_132 = tpu.vector_load %arg14[%swap3A_130, %swap3A_131] {strides = array<i32>} : memref<64x128xf32, #tpu.memory_space<vmem>>, vector<1x16xf32>,
      %swap3A_133 = vector.shape_cast %swap3A_132 : vector<1x16xf32> to vector<16xf32>
      %swap3A_134 = vector.shape_cast %broadcast_in_dim3A_1 : vector<16xf32> to vector<1x16xf32>
      tpu.vector_store %arg14[%swap3A_130, %swap3A_131], %swap3A_134 {strides = array<i32>} : memref<64x128xf32, #tpu.memory_space<vmem>>, vector<1x16xf32>,
      %swap3A_135 = arith.index_cast %add3A_70 : i32 to index
      %swap3A_136 = arith.constant 96 : index
      %swap3A_137 = tpu.vector_load %arg16[%swap3A_135, %swap3A_136] {strides = array<i32>} : memref<64x128xf32, #tpu.memory_space<vmem>>, vector<1x16xf32>,
      %swap3A_138 = vector.shape_cast %swap3A_137 : vector<1x16xf32> to vector<16xf32>
      %swap3A_139 = vector.shape_cast %broadcast_in_dim3A_1 : vector<16xf32> to vector<1x16xf32>
      tpu.vector_store %arg16[%swap3A_135, %swap3A_136], %swap3A_139 {strides = array<i32>} : memref<64x128xf32, #tpu.memory_space<vmem>>, vector<1x16xf32>,
      %swap3A_140 = arith.index_cast %add3A_70 : i32 to index
      %swap3A_141 = arith.constant 112 : index
      %swap3A_142 = tpu.vector_load %arg14[%swap3A_140, %swap3A_141] {strides = array<i32>} : memref<64x128xf32, #tpu.memory_space<vmem>>, vector<1x16xf32>,
      %swap3A_143 = vector.shape_cast %swap3A_142 : vector<1x16xf32> to vector<16xf32>
      %swap3A_144 = vector.shape_cast %broadcast_in_dim3A_1 : vector<16xf32> to vector<1x16xf32>
      tpu.vector_store %arg14[%swap3A_140, %swap3A_141], %swap3A_144 {strides = array<i32>} : memref<64x128xf32, #tpu.memory_space<vmem>>, vector<1x16xf32>,
      %swap3A_145 = arith.index_cast %add3A_70 : i32 to index
      %swap3A_146 = arith.constant 112 : index
      %swap3A_147 = tpu.vector_load %arg16[%swap3A_145, %swap3A_146] {strides = array<i32>} : memref<64x128xf32, #tpu.memory_space<vmem>>, vector<1x16xf32>,
      %swap3A_148 = vector.shape_cast %swap3A_147 : vector<1x16xf32> to vector<16xf32>
      %swap3A_149 = vector.shape_cast %broadcast_in_dim3A_1 : vector<16xf32> to vector<1x16xf32>
      tpu.vector_store %arg16[%swap3A_145, %swap3A_146], %swap3A_149 {strides = array<i32>} : memref<64x128xf32, #tpu.memory_space<vmem>>, vector<1x16xf32>,
    }
    %scan3A_5 = arith.constant 64 : i32
    %scan3A_6 = arith.constant 0 : i32
    %scan3A_7 = arith.constant 10 : i32
    %scan3A_8 = arith.addi %scan3A_6, %scan3A_7 : i32
    %scan3A_9 = arith.constant 1 : i32
    scf.for %scan3A_66 = %scan3A_6 to %scan3A_8 step %scan3A_9  : i32 {
      %mul3A_67 = arith.constant 1 : i32
      %mul3A_68 = arith.muli %scan3A_66, %mul3A_67 : i32
      %add3A_69 = arith.constant 0 : i32
      %add3A_70 = arith.addi %add3A_69, %mul3A_68 : i32
      %mul3A_71 = arith.constant 640 : i32
      %mul3A_72 = arith.muli %arg1, %mul3A_71 : i32
      %mul3A_73 = arith.constant 64 : i32
      %mul3A_74 = arith.muli %add3A_70, %mul3A_73 : i32
      %add3A_75 = arith.addi %mul3A_72, %mul3A_74 : i32
      "tpu.region"() ({
        %run_scoped3A = tpu.sem_alloc : memref<!tpu.dma_semaphore, #tpu.memory_space<semaphore_mem>>
        %dma_start3A = arith.constant 0 : i32
        %dma_start3A_76 = tpu.memref_slice %arg9[%add3A_75, %dma_start3A] : memref<10240x128xf32, #tpu.memory_space<vmem_shared>> -> memref<64x128xf32, #tpu.memory_space<vmem_shared>>
        %dma_start3A_77 = arith.constant 0 : i32
        %dma_start3A_78 = tpu.memref_slice %arg9[%add3A_75, %dma_start3A_77] : memref<10240x128xf32, #tpu.memory_space<vmem_shared>> -> memref<64x128xf32, #tpu.memory_space<vmem_shared>>
        tpu.enqueue_dma source(%arg14 : memref<64x128xf32, #tpu.memory_space<vmem>>) target(%dma_start3A_78 : memref<64x128xf32, #tpu.memory_space<vmem_shared>>) target_semaphore(%run_scoped3A : memref<!tpu.dma_semaphore, #tpu.memory_space<semaphore_mem>>)
        %dma_wait3A = arith.constant 0 : i32
        %dma_wait3A_79 = tpu.memref_slice %arg9[%add3A_75, %dma_wait3A] : memref<10240x128xf32, #tpu.memory_space<vmem_shared>> -> memref<64x128xf32, #tpu.memory_space<vmem_shared>>
        %dma_wait3A_80 = arith.constant 0 : i32
        %dma_wait3A_81 = tpu.memref_slice %arg9[%add3A_75, %dma_wait3A_80] : memref<10240x128xf32, #tpu.memory_space<vmem_shared>> -> memref<64x128xf32, #tpu.memory_space<vmem_shared>>
        tpu.wait_dma2 semaphore(%run_scoped3A : memref<!tpu.dma_semaphore, #tpu.memory_space<semaphore_mem>>) src(%arg14 : memref<64x128xf32, #tpu.memory_space<vmem>>) dst(%dma_wait3A_81 : memref<64x128xf32, #tpu.memory_space<vmem_shared>>)
        tpu.yield
      }) : () -> ()
    }
    %scan3A_10 = arith.constant 10 : i32
    %mul3A_11 = arith.constant 80 : i32
    %mul3A_12 = arith.muli %arg1, %mul3A_11 : i32
    "tpu.region"() ({
      %run_scoped3A = tpu.sem_alloc : memref<!tpu.dma_semaphore, #tpu.memory_space<semaphore_mem>>
      %dma_start3A = arith.constant 0 : i32
      %dma_start3A_66 = tpu.memref_slice %arg10[%mul3A_12, %dma_start3A] : memref<1280x128xf32, #tpu.memory_space<vmem_shared>> -> memref<64x128xf32, #tpu.memory_space<vmem_shared>>
      %dma_start3A_67 = arith.constant 0 : i32
      %dma_start3A_68 = tpu.memref_slice %arg10[%mul3A_12, %dma_start3A_67] : memref<1280x128xf32, #tpu.memory_space<vmem_shared>> -> memref<64x128xf32, #tpu.memory_space<vmem_shared>>
      tpu.enqueue_dma source(%arg16 : memref<64x128xf32, #tpu.memory_space<vmem>>) target(%dma_start3A_68 : memref<64x128xf32, #tpu.memory_space<vmem_shared>>) target_semaphore(%run_scoped3A : memref<!tpu.dma_semaphore, #tpu.memory_space<semaphore_mem>>)
      %dma_wait3A = arith.constant 0 : i32
      %dma_wait3A_69 = tpu.memref_slice %arg10[%mul3A_12, %dma_wait3A] : memref<1280x128xf32, #tpu.memory_space<vmem_shared>> -> memref<64x128xf32, #tpu.memory_space<vmem_shared>>
      %dma_wait3A_70 = arith.constant 0 : i32
      %dma_wait3A_71 = tpu.memref_slice %arg10[%mul3A_12, %dma_wait3A_70] : memref<1280x128xf32, #tpu.memory_space<vmem_shared>> -> memref<64x128xf32, #tpu.memory_space<vmem_shared>>
      tpu.wait_dma2 semaphore(%run_scoped3A : memref<!tpu.dma_semaphore, #tpu.memory_space<semaphore_mem>>) src(%arg16 : memref<64x128xf32, #tpu.memory_space<vmem>>) dst(%dma_wait3A_71 : memref<64x128xf32, #tpu.memory_space<vmem_shared>>)
      tpu.yield
    }) : () -> ()
    %mul3A_13 = arith.constant 80 : i32
    %mul3A_14 = arith.muli %arg1, %mul3A_13 : i32
    %add3A_15 = arith.constant 80 : i32
    %add3A_16 = arith.addi %mul3A_14, %add3A_15 : i32
    %sub3A = arith.constant 64 : i32
    %sub3A_17 = arith.subi %add3A_16, %sub3A : i32
    "tpu.region"() ({
      %run_scoped3A = tpu.sem_alloc : memref<!tpu.dma_semaphore, #tpu.memory_space<semaphore_mem>>
      %dma_start3A = arith.constant 0 : i32
      %dma_start3A_66 = tpu.memref_slice %arg10[%sub3A_17, %dma_start3A] : memref<1280x128xf32, #tpu.memory_space<vmem_shared>> -> memref<64x128xf32, #tpu.memory_space<vmem_shared>>
      %dma_start3A_67 = arith.constant 0 : i32
      %dma_start3A_68 = tpu.memref_slice %arg10[%sub3A_17, %dma_start3A_67] : memref<1280x128xf32, #tpu.memory_space<vmem_shared>> -> memref<64x128xf32, #tpu.memory_space<vmem_shared>>
      tpu.enqueue_dma source(%arg16 : memref<64x128xf32, #tpu.memory_space<vmem>>) target(%dma_start3A_68 : memref<64x128xf32, #tpu.memory_space<vmem_shared>>) target_semaphore(%run_scoped3A : memref<!tpu.dma_semaphore, #tpu.memory_space<semaphore_mem>>)
      %dma_wait3A = arith.constant 0 : i32
      %dma_wait3A_69 = tpu.memref_slice %arg10[%sub3A_17, %dma_wait3A] : memref<1280x128xf32, #tpu.memory_space<vmem_shared>> -> memref<64x128xf32, #tpu.memory_space<vmem_shared>>
      %dma_wait3A_70 = arith.constant 0 : i32
      %dma_wait3A_71 = tpu.memref_slice %arg10[%sub3A_17, %dma_wait3A_70] : memref<1280x128xf32, #tpu.memory_space<vmem_shared>> -> memref<64x128xf32, #tpu.memory_space<vmem_shared>>
      tpu.wait_dma2 semaphore(%run_scoped3A : memref<!tpu.dma_semaphore, #tpu.memory_space<semaphore_mem>>) src(%arg16 : memref<64x128xf32, #tpu.memory_space<vmem>>) dst(%dma_wait3A_71 : memref<64x128xf32, #tpu.memory_space<vmem_shared>>)
      tpu.yield
    }) : () -> ()
    "tpu.region"() ({
      %run_scoped3A = tpu.sem_alloc : memref<!tpu.dma_semaphore, #tpu.memory_space<semaphore_mem>>
      tpu.enqueue_dma source(%arg6 : memref<128xf32, #tpu.memory_space<hbm>>) target(%arg17 : memref<128xf32, #tpu.memory_space<vmem>>) target_semaphore(%run_scoped3A : memref<!tpu.dma_semaphore, #tpu.memory_space<semaphore_mem>>)
      tpu.wait_dma2 semaphore(%run_scoped3A : memref<!tpu.dma_semaphore, #tpu.memory_space<semaphore_mem>>) src(%arg6 : memref<128xf32, #tpu.memory_space<hbm>>) dst(%arg17 : memref<128xf32, #tpu.memory_space<vmem>>)
      tpu.yield
    }) : () -> ()
    %barrier3A = arith.constant 0 : index
    tpu.barrier barrier_id(%barrier3A)
    %get3A = arith.constant 0 : index
    %get3A_18 = tpu.vector_load %arg17[%get3A] {strides = array<i32>} : memref<128xf32, #tpu.memory_space<vmem>>, vector<16xf32>,
    %get3A_19 = vector.shape_cast %get3A_18 : vector<16xf32> to vector<16xf32>
    %get3A_20 = arith.constant 16 : index
    %get3A_21 = tpu.vector_load %arg17[%get3A_20] {strides = array<i32>} : memref<128xf32, #tpu.memory_space<vmem>>, vector<16xf32>,
    %get3A_22 = vector.shape_cast %get3A_21 : vector<16xf32> to vector<16xf32>
    %get3A_23 = arith.constant 32 : index
    %get3A_24 = tpu.vector_load %arg17[%get3A_23] {strides = array<i32>} : memref<128xf32, #tpu.memory_space<vmem>>, vector<16xf32>,
    %get3A_25 = vector.shape_cast %get3A_24 : vector<16xf32> to vector<16xf32>
    %get3A_26 = arith.constant 48 : index
    %get3A_27 = tpu.vector_load %arg17[%get3A_26] {strides = array<i32>} : memref<128xf32, #tpu.memory_space<vmem>>, vector<16xf32>,
    %get3A_28 = vector.shape_cast %get3A_27 : vector<16xf32> to vector<16xf32>
    %get3A_29 = arith.constant 64 : index
    %get3A_30 = tpu.vector_load %arg17[%get3A_29] {strides = array<i32>} : memref<128xf32, #tpu.memory_space<vmem>>, vector<16xf32>,
    %get3A_31 = vector.shape_cast %get3A_30 : vector<16xf32> to vector<16xf32>
    %get3A_32 = arith.constant 80 : index
    %get3A_33 = tpu.vector_load %arg17[%get3A_32] {strides = array<i32>} : memref<128xf32, #tpu.memory_space<vmem>>, vector<16xf32>,
    %get3A_34 = vector.shape_cast %get3A_33 : vector<16xf32> to vector<16xf32>
    %get3A_35 = arith.constant 96 : index
    %get3A_36 = tpu.vector_load %arg17[%get3A_35] {strides = array<i32>} : memref<128xf32, #tpu.memory_space<vmem>>, vector<16xf32>,
    %get3A_37 = vector.shape_cast %get3A_36 : vector<16xf32> to vector<16xf32>
    %get3A_38 = arith.constant 112 : index
    %get3A_39 = tpu.vector_load %arg17[%get3A_38] {strides = array<i32>} : memref<128xf32, #tpu.memory_space<vmem>>, vector<16xf32>,
    %get3A_40 = vector.shape_cast %get3A_39 : vector<16xf32> to vector<16xf32>
    %scan3A_41 = arith.constant 0 : i32
    %scan3A_42 = arith.constant 162 : i32
    %scan3A_43 = arith.addi %scan3A_41, %scan3A_42 : i32
    %scan3A_44 = arith.constant 1 : i32
    scf.for %scan3A_66 = %scan3A_41 to %scan3A_43 step %scan3A_44  : i32 {
      %mul3A_67 = arith.constant 1 : i32
      %mul3A_68 = arith.muli %scan3A_66, %mul3A_67 : i32
      %add3A_69 = arith.constant 0 : i32
      %add3A_70 = arith.addi %add3A_69, %mul3A_68 : i32
      %mul3A_71 = arith.constant 162 : i32
      %mul3A_72 = arith.muli %add3A, %mul3A_71 : i32
      %add3A_73 = arith.addi %mul3A_72, %add3A_70 : i32
      %mul3A_74 = arith.constant 64 : i32
      %mul3A_75 = arith.muli %add3A_73, %mul3A_74 : i32
      "tpu.region"() ({
        %run_scoped3A = tpu.sem_alloc : memref<!tpu.dma_semaphore, #tpu.memory_space<semaphore_mem>>
        %dma_start3A_96 = tpu.memref_slice %arg4[%mul3A_75] : memref<331776xi32, #tpu.memory_space<hbm>> -> memref<64xi32, #tpu.memory_space<hbm>>
        %dma_start3A_97 = tpu.memref_slice %arg4[%mul3A_75] : memref<331776xi32, #tpu.memory_space<hbm>> -> memref<64xi32, #tpu.memory_space<hbm>>
        tpu.enqueue_dma source(%dma_start3A_97 : memref<64xi32, #tpu.memory_space<hbm>>) target(%arg11 : memref<64xi32, #tpu.memory_space<vmem>>) target_semaphore(%run_scoped3A : memref<!tpu.dma_semaphore, #tpu.memory_space<semaphore_mem>>)
        %dma_wait3A_98 = tpu.memref_slice %arg4[%mul3A_75] : memref<331776xi32, #tpu.memory_space<hbm>> -> memref<64xi32, #tpu.memory_space<hbm>>
        %dma_wait3A_99 = tpu.memref_slice %arg4[%mul3A_75] : memref<331776xi32, #tpu.memory_space<hbm>> -> memref<64xi32, #tpu.memory_space<hbm>>
        tpu.wait_dma2 semaphore(%run_scoped3A : memref<!tpu.dma_semaphore, #tpu.memory_space<semaphore_mem>>) src(%dma_wait3A_99 : memref<64xi32, #tpu.memory_space<hbm>>) dst(%arg11 : memref<64xi32, #tpu.memory_space<vmem>>)
        tpu.yield
      }) : () -> ()
      "tpu.region"() ({
        %run_scoped3A = tpu.sem_alloc : memref<!tpu.dma_semaphore, #tpu.memory_space<semaphore_mem>>
        %dma_start3A_96 = tpu.memref_slice %arg5[%mul3A_75] : memref<331776xi32, #tpu.memory_space<hbm>> -> memref<64xi32, #tpu.memory_space<hbm>>
        %dma_start3A_97 = tpu.memref_slice %arg5[%mul3A_75] : memref<331776xi32, #tpu.memory_space<hbm>> -> memref<64xi32, #tpu.memory_space<hbm>>
        tpu.enqueue_dma source(%dma_start3A_97 : memref<64xi32, #tpu.memory_space<hbm>>) target(%arg12 : memref<64xi32, #tpu.memory_space<vmem>>) target_semaphore(%run_scoped3A : memref<!tpu.dma_semaphore, #tpu.memory_space<semaphore_mem>>)
        %dma_wait3A_98 = tpu.memref_slice %arg5[%mul3A_75] : memref<331776xi32, #tpu.memory_space<hbm>> -> memref<64xi32, #tpu.memory_space<hbm>>
        %dma_wait3A_99 = tpu.memref_slice %arg5[%mul3A_75] : memref<331776xi32, #tpu.memory_space<hbm>> -> memref<64xi32, #tpu.memory_space<hbm>>
        tpu.wait_dma2 semaphore(%run_scoped3A : memref<!tpu.dma_semaphore, #tpu.memory_space<semaphore_mem>>) src(%dma_wait3A_99 : memref<64xi32, #tpu.memory_space<hbm>>) dst(%arg12 : memref<64xi32, #tpu.memory_space<vmem>>)
        tpu.yield
      }) : () -> ()
      %dma_start3A = arith.constant 0 : i32
      %dma_start3A_76 = arith.constant 0 : i32
      %dma_start3A_77 = tpu.memref_slice %arg2[%dma_start3A, %dma_start3A_76] : memref<10240x128xf32, #tpu.memory_space<hbm>> -> memref<10240x128xf32, #tpu.memory_space<hbm>>
      tpu.enqueue_indirect_dma source(%dma_start3A_77 : memref<10240x128xf32, #tpu.memory_space<hbm>>) target(%arg14 : memref<64x128xf32, #tpu.memory_space<vmem>>) offsets(%arg11 : memref<64xi32, #tpu.memory_space<vmem>>) semaphore(%arg18 : memref<!tpu.dma_semaphore, #tpu.memory_space<semaphore_mem>>)
      %dma_start3A_78 = arith.constant 0 : i32
      %dma_start3A_79 = arith.constant 0 : i32
      %dma_start3A_80 = tpu.memref_slice %arg3[%dma_start3A_78, %dma_start3A_79] : memref<10240x128xf32, #tpu.memory_space<hbm>> -> memref<10240x128xf32, #tpu.memory_space<hbm>>
      tpu.enqueue_indirect_dma source(%dma_start3A_80 : memref<10240x128xf32, #tpu.memory_space<hbm>>) target(%arg15 : memref<64x128xf32, #tpu.memory_space<vmem>>) offsets(%arg12 : memref<64xi32, #tpu.memory_space<vmem>>) semaphore(%arg19 : memref<!tpu.dma_semaphore, #tpu.memory_space<semaphore_mem>>)
      %dma_wait3A = arith.constant 0 : i32
      %dma_wait3A_81 = arith.constant 0 : i32
      %dma_wait3A_82 = tpu.memref_slice %arg2[%dma_wait3A, %dma_wait3A_81] : memref<10240x128xf32, #tpu.memory_space<hbm>> -> memref<10240x128xf32, #tpu.memory_space<hbm>>
      tpu.wait_indirect_dma semaphore(%arg18 : memref<!tpu.dma_semaphore, #tpu.memory_space<semaphore_mem>>) src(%dma_wait3A_82 : memref<10240x128xf32, #tpu.memory_space<hbm>>) dst(%arg14 : memref<64x128xf32, #tpu.memory_space<vmem>>)
      %dma_wait3A_83 = arith.constant 0 : i32
      %dma_wait3A_84 = arith.constant 0 : i32
      %dma_wait3A_85 = tpu.memref_slice %arg3[%dma_wait3A_83, %dma_wait3A_84] : memref<10240x128xf32, #tpu.memory_space<hbm>> -> memref<10240x128xf32, #tpu.memory_space<hbm>>
      tpu.wait_indirect_dma semaphore(%arg19 : memref<!tpu.dma_semaphore, #tpu.memory_space<semaphore_mem>>) src(%dma_wait3A_85 : memref<10240x128xf32, #tpu.memory_space<hbm>>) dst(%arg15 : memref<64x128xf32, #tpu.memory_space<vmem>>)
      %scan3A_86 = arith.constant 0 : i32
      %scan3A_87 = arith.constant 4 : i32
      %scan3A_88 = arith.addi %scan3A_86, %scan3A_87 : i32
      %scan3A_89 = arith.constant 1 : i32
      scf.for %scan3A_96 = %scan3A_86 to %scan3A_88 step %scan3A_89  : i32 {
        %mul3A_97 = arith.constant 1 : i32
        %mul3A_98 = arith.muli %scan3A_96, %mul3A_97 : i32
        %add3A_99 = arith.constant 0 : i32
        %add3A_100 = arith.addi %add3A_99, %mul3A_98 : i32
        %mul3A_101 = arith.constant 16 : i32
        %mul3A_102 = arith.muli %mul3A_101, %add3A_100 : i32
        %get3A_103 = arith.index_cast %mul3A_102 : i32 to index
        %get3A_104 = tpu.vector_load %arg12[%get3A_103] {strides = array<i32>} : memref<64xi32, #tpu.memory_space<vmem>>, vector<16xi32>,
        %get3A_105 = vector.shape_cast %get3A_104 : vector<16xi32> to vector<16xi32>
        %shift_right_logical3A = arith.constant 3 : i32
        %shift_right_logical3A_106 = vector.broadcast %shift_right_logical3A : i32 to vector<16xi32>
        %shift_right_logical3A_107 = arith.shrui %get3A_105, %shift_right_logical3A_106 : vector<16xi32>
        %mul3A_108 = arith.constant 16 : i32
        %mul3A_109 = arith.muli %mul3A_108, %add3A_100 : i32
        %swap3A = arith.index_cast %mul3A_109 : i32 to index
        %swap3A_110 = tpu.vector_load %arg13[%swap3A] {strides = array<i32>} : memref<64xi32, #tpu.memory_space<vmem>>, vector<16xi32>,
        %swap3A_111 = vector.shape_cast %swap3A_110 : vector<16xi32> to vector<16xi32>
        %swap3A_112 = vector.shape_cast %shift_right_logical3A_107 : vector<16xi32> to vector<16xi32>
        tpu.vector_store %arg13[%swap3A], %swap3A_112 {strides = array<i32>} : memref<64xi32, #tpu.memory_space<vmem>>, vector<16xi32>,
      }
      %scan3A_90 = arith.constant 4 : i32
      %scan3A_91 = arith.constant 0 : i32
      %scan3A_92 = arith.constant 64 : i32
      %scan3A_93 = arith.addi %scan3A_91, %scan3A_92 : i32
      %scan3A_94 = arith.constant 1 : i32
      scf.for %scan3A_96 = %scan3A_91 to %scan3A_93 step %scan3A_94  : i32 {
        %mul3A_97 = arith.constant 1 : i32
        %mul3A_98 = arith.muli %scan3A_96, %mul3A_97 : i32
        %add3A_99 = arith.constant 0 : i32
        %add3A_100 = arith.addi %add3A_99, %mul3A_98 : i32
        %get3A_101 = arith.index_cast %add3A_100 : i32 to index
        %get3A_102 = arith.constant 0 : index
        %get3A_103 = tpu.vector_load %arg14[%get3A_101, %get3A_102] {strides = array<i32>} : memref<64x128xf32, #tpu.memory_space<vmem>>, vector<1x16xf32>,
        %get3A_104 = vector.shape_cast %get3A_103 : vector<1x16xf32> to vector<16xf32>
        %get3A_105 = arith.index_cast %add3A_100 : i32 to index
        %get3A_106 = arith.constant 0 : index
        %get3A_107 = tpu.vector_load %arg15[%get3A_105, %get3A_106] {strides = array<i32>} : memref<64x128xf32, #tpu.memory_space<vmem>>, vector<1x16xf32>,
        %get3A_108 = vector.shape_cast %get3A_107 : vector<1x16xf32> to vector<16xf32>
        %add3A_109 = arith.addf %get3A_104, %get3A_108 : vector<16xf32>
        %mul3A_110 = arith.constant 2.000000e-01 : f32
        %mul3A_111 = vector.broadcast %mul3A_110 : f32 to vector<16xf32>
        %mul3A_112 = arith.mulf %mul3A_111, %add3A_109 : vector<16xf32>
        %max3A = arith.maximumf %add3A_109, %mul3A_112 : vector<16xf32>
        %mul3A_113 = arith.mulf %get3A_19, %max3A : vector<16xf32>
        %get3A_114 = arith.index_cast %add3A_100 : i32 to index
        %get3A_115 = arith.constant 16 : index
        %get3A_116 = tpu.vector_load %arg14[%get3A_114, %get3A_115] {strides = array<i32>} : memref<64x128xf32, #tpu.memory_space<vmem>>, vector<1x16xf32>,
        %get3A_117 = vector.shape_cast %get3A_116 : vector<1x16xf32> to vector<16xf32>
        %get3A_118 = arith.index_cast %add3A_100 : i32 to index
        %get3A_119 = arith.constant 16 : index
        %get3A_120 = tpu.vector_load %arg15[%get3A_118, %get3A_119] {strides = array<i32>} : memref<64x128xf32, #tpu.memory_space<vmem>>, vector<1x16xf32>,
        %get3A_121 = vector.shape_cast %get3A_120 : vector<1x16xf32> to vector<16xf32>
        %add3A_122 = arith.addf %get3A_117, %get3A_121 : vector<16xf32>
        %mul3A_123 = arith.constant 2.000000e-01 : f32
        %mul3A_124 = vector.broadcast %mul3A_123 : f32 to vector<16xf32>
        %mul3A_125 = arith.mulf %mul3A_124, %add3A_122 : vector<16xf32>
        %max3A_126 = arith.maximumf %add3A_122, %mul3A_125 : vector<16xf32>
        %mul3A_127 = arith.mulf %get3A_22, %max3A_126 : vector<16xf32>
        %get3A_128 = arith.index_cast %add3A_100 : i32 to index
        %get3A_129 = arith.constant 32 : index
        %get3A_130 = tpu.vector_load %arg14[%get3A_128, %get3A_129] {strides = array<i32>} : memref<64x128xf32, #tpu.memory_space<vmem>>, vector<1x16xf32>,
        %get3A_131 = vector.shape_cast %get3A_130 : vector<1x16xf32> to vector<16xf32>
        %get3A_132 = arith.index_cast %add3A_100 : i32 to index
        %get3A_133 = arith.constant 32 : index
        %get3A_134 = tpu.vector_load %arg15[%get3A_132, %get3A_133] {strides = array<i32>} : memref<64x128xf32, #tpu.memory_space<vmem>>, vector<1x16xf32>,
        %get3A_135 = vector.shape_cast %get3A_134 : vector<1x16xf32> to vector<16xf32>
        %add3A_136 = arith.addf %get3A_131, %get3A_135 : vector<16xf32>
        %mul3A_137 = arith.constant 2.000000e-01 : f32
        %mul3A_138 = vector.broadcast %mul3A_137 : f32 to vector<16xf32>
        %mul3A_139 = arith.mulf %mul3A_138, %add3A_136 : vector<16xf32>
        %max3A_140 = arith.maximumf %add3A_136, %mul3A_139 : vector<16xf32>
        %mul3A_141 = arith.mulf %get3A_25, %max3A_140 : vector<16xf32>
        %get3A_142 = arith.index_cast %add3A_100 : i32 to index
        %get3A_143 = arith.constant 48 : index
        %get3A_144 = tpu.vector_load %arg14[%get3A_142, %get3A_143] {strides = array<i32>} : memref<64x128xf32, #tpu.memory_space<vmem>>, vector<1x16xf32>,
        %get3A_145 = vector.shape_cast %get3A_144 : vector<1x16xf32> to vector<16xf32>
        %get3A_146 = arith.index_cast %add3A_100 : i32 to index
        %get3A_147 = arith.constant 48 : index
        %get3A_148 = tpu.vector_load %arg15[%get3A_146, %get3A_147] {strides = array<i32>} : memref<64x128xf32, #tpu.memory_space<vmem>>, vector<1x16xf32>,
        %get3A_149 = vector.shape_cast %get3A_148 : vector<1x16xf32> to vector<16xf32>
        %add3A_150 = arith.addf %get3A_145, %get3A_149 : vector<16xf32>
        %mul3A_151 = arith.constant 2.000000e-01 : f32
        %mul3A_152 = vector.broadcast %mul3A_151 : f32 to vector<16xf32>
        %mul3A_153 = arith.mulf %mul3A_152, %add3A_150 : vector<16xf32>
        %max3A_154 = arith.maximumf %add3A_150, %mul3A_153 : vector<16xf32>
        %mul3A_155 = arith.mulf %get3A_28, %max3A_154 : vector<16xf32>
        %get3A_156 = arith.index_cast %add3A_100 : i32 to index
        %get3A_157 = arith.constant 64 : index
        %get3A_158 = tpu.vector_load %arg14[%get3A_156, %get3A_157] {strides = array<i32>} : memref<64x128xf32, #tpu.memory_space<vmem>>, vector<1x16xf32>,
        %get3A_159 = vector.shape_cast %get3A_158 : vector<1x16xf32> to vector<16xf32>
        %get3A_160 = arith.index_cast %add3A_100 : i32 to index
        %get3A_161 = arith.constant 64 : index
        %get3A_162 = tpu.vector_load %arg15[%get3A_160, %get3A_161] {strides = array<i32>} : memref<64x128xf32, #tpu.memory_space<vmem>>, vector<1x16xf32>,
        %get3A_163 = vector.shape_cast %get3A_162 : vector<1x16xf32> to vector<16xf32>
        %add3A_164 = arith.addf %get3A_159, %get3A_163 : vector<16xf32>
        %mul3A_165 = arith.constant 2.000000e-01 : f32
        %mul3A_166 = vector.broadcast %mul3A_165 : f32 to vector<16xf32>
        %mul3A_167 = arith.mulf %mul3A_166, %add3A_164 : vector<16xf32>
        %max3A_168 = arith.maximumf %add3A_164, %mul3A_167 : vector<16xf32>
        %mul3A_169 = arith.mulf %get3A_31, %max3A_168 : vector<16xf32>
        %get3A_170 = arith.index_cast %add3A_100 : i32 to index
        %get3A_171 = arith.constant 80 : index
        %get3A_172 = tpu.vector_load %arg14[%get3A_170, %get3A_171] {strides = array<i32>} : memref<64x128xf32, #tpu.memory_space<vmem>>, vector<1x16xf32>,
        %get3A_173 = vector.shape_cast %get3A_172 : vector<1x16xf32> to vector<16xf32>
        %get3A_174 = arith.index_cast %add3A_100 : i32 to index
        %get3A_175 = arith.constant 80 : index
        %get3A_176 = tpu.vector_load %arg15[%get3A_174, %get3A_175] {strides = array<i32>} : memref<64x128xf32, #tpu.memory_space<vmem>>, vector<1x16xf32>,
        %get3A_177 = vector.shape_cast %get3A_176 : vector<1x16xf32> to vector<16xf32>
        %add3A_178 = arith.addf %get3A_173, %get3A_177 : vector<16xf32>
        %mul3A_179 = arith.constant 2.000000e-01 : f32
        %mul3A_180 = vector.broadcast %mul3A_179 : f32 to vector<16xf32>
        %mul3A_181 = arith.mulf %mul3A_180, %add3A_178 : vector<16xf32>
        %max3A_182 = arith.maximumf %add3A_178, %mul3A_181 : vector<16xf32>
        %mul3A_183 = arith.mulf %get3A_34, %max3A_182 : vector<16xf32>
        %get3A_184 = arith.index_cast %add3A_100 : i32 to index
        %get3A_185 = arith.constant 96 : index
        %get3A_186 = tpu.vector_load %arg14[%get3A_184, %get3A_185] {strides = array<i32>} : memref<64x128xf32, #tpu.memory_space<vmem>>, vector<1x16xf32>,
        %get3A_187 = vector.shape_cast %get3A_186 : vector<1x16xf32> to vector<16xf32>
        %get3A_188 = arith.index_cast %add3A_100 : i32 to index
        %get3A_189 = arith.constant 96 : index
        %get3A_190 = tpu.vector_load %arg15[%get3A_188, %get3A_189] {strides = array<i32>} : memref<64x128xf32, #tpu.memory_space<vmem>>, vector<1x16xf32>,
        %get3A_191 = vector.shape_cast %get3A_190 : vector<1x16xf32> to vector<16xf32>
        %add3A_192 = arith.addf %get3A_187, %get3A_191 : vector<16xf32>
        %mul3A_193 = arith.constant 2.000000e-01 : f32
        %mul3A_194 = vector.broadcast %mul3A_193 : f32 to vector<16xf32>
        %mul3A_195 = arith.mulf %mul3A_194, %add3A_192 : vector<16xf32>
        %max3A_196 = arith.maximumf %add3A_192, %mul3A_195 : vector<16xf32>
        %mul3A_197 = arith.mulf %get3A_37, %max3A_196 : vector<16xf32>
        %get3A_198 = arith.index_cast %add3A_100 : i32 to index
        %get3A_199 = arith.constant 112 : index
        %get3A_200 = tpu.vector_load %arg14[%get3A_198, %get3A_199] {strides = array<i32>} : memref<64x128xf32, #tpu.memory_space<vmem>>, vector<1x16xf32>,
        %get3A_201 = vector.shape_cast %get3A_200 : vector<1x16xf32> to vector<16xf32>
        %get3A_202 = arith.index_cast %add3A_100 : i32 to index
        %get3A_203 = arith.constant 112 : index
        %get3A_204 = tpu.vector_load %arg15[%get3A_202, %get3A_203] {strides = array<i32>} : memref<64x128xf32, #tpu.memory_space<vmem>>, vector<1x16xf32>,
        %get3A_205 = vector.shape_cast %get3A_204 : vector<1x16xf32> to vector<16xf32>
        %add3A_206 = arith.addf %get3A_201, %get3A_205 : vector<16xf32>
        %mul3A_207 = arith.constant 2.000000e-01 : f32
        %mul3A_208 = vector.broadcast %mul3A_207 : f32 to vector<16xf32>
        %mul3A_209 = arith.mulf %mul3A_208, %add3A_206 : vector<16xf32>
        %max3A_210 = arith.maximumf %add3A_206, %mul3A_209 : vector<16xf32>
        %mul3A_211 = arith.mulf %get3A_40, %max3A_210 : vector<16xf32>
        %broadcast_in_dim3A_212 = arith.constant 0.000000e+00 : f32
        %broadcast_in_dim3A_213 = vector.broadcast %broadcast_in_dim3A_212 : f32 to vector<16xf32>
        %add3A_214 = arith.addf %mul3A_113, %mul3A_127 : vector<16xf32>
        %xor3A = arith.constant 1 : i32
        %xor3A_215 = vector.broadcast %xor3A : i32 to vector<16xi32>
        %xor3A_216 = arith.xori %iota3A, %xor3A_215 : vector<16xi32>
        %broadcast_in_dim3A_217 = vector.shape_cast %xor3A_216 : vector<16xi32> to vector<16x1xi32>
        %gather3A = vector.shape_cast %broadcast_in_dim3A_217 : vector<16x1xi32> to vector<16xi32>
        %gather3A_218 = tpu.dynamic_gather %add3A_214[%gather3A] in [0] : vector<16xf32>, vector<16xi32> -> vector<16xf32>
        %add3A_219 = arith.addf %add3A_214, %gather3A_218 : vector<16xf32>
        %xor3A_220 = arith.constant 2 : i32
        %xor3A_221 = vector.broadcast %xor3A_220 : i32 to vector<16xi32>
        %xor3A_222 = arith.xori %iota3A, %xor3A_221 : vector<16xi32>
        %broadcast_in_dim3A_223 = vector.shape_cast %xor3A_222 : vector<16xi32> to vector<16x1xi32>
        %gather3A_224 = vector.shape_cast %broadcast_in_dim3A_223 : vector<16x1xi32> to vector<16xi32>
        %gather3A_225 = tpu.dynamic_gather %add3A_219[%gather3A_224] in [0] : vector<16xf32>, vector<16xi32> -> vector<16xf32>
        %add3A_226 = arith.addf %add3A_219, %gather3A_225 : vector<16xf32>
        %xor3A_227 = arith.constant 4 : i32
        %xor3A_228 = vector.broadcast %xor3A_227 : i32 to vector<16xi32>
        %xor3A_229 = arith.xori %iota3A, %xor3A_228 : vector<16xi32>
        %broadcast_in_dim3A_230 = vector.shape_cast %xor3A_229 : vector<16xi32> to vector<16x1xi32>
        %gather3A_231 = vector.shape_cast %broadcast_in_dim3A_230 : vector<16x1xi32> to vector<16xi32>
        %gather3A_232 = tpu.dynamic_gather %add3A_226[%gather3A_231] in [0] : vector<16xf32>, vector<16xi32> -> vector<16xf32>
        %add3A_233 = arith.addf %add3A_226, %gather3A_232 : vector<16xf32>
        %xor3A_234 = arith.constant 8 : i32
        %xor3A_235 = vector.broadcast %xor3A_234 : i32 to vector<16xi32>
        %xor3A_236 = arith.xori %iota3A, %xor3A_235 : vector<16xi32>
        %broadcast_in_dim3A_237 = vector.shape_cast %xor3A_236 : vector<16xi32> to vector<16x1xi32>
        %gather3A_238 = vector.shape_cast %broadcast_in_dim3A_237 : vector<16x1xi32> to vector<16xi32>
        %gather3A_239 = tpu.dynamic_gather %add3A_233[%gather3A_238] in [0] : vector<16xf32>, vector<16xi32> -> vector<16xf32>
        %add3A_240 = arith.addf %add3A_233, %gather3A_239 : vector<16xf32>
        %exp3A = math.exp %add3A_240 : vector<16xf32>
        %mul3A_241 = arith.mulf %exp3A, %get3A_104 : vector<16xf32>
        %swap3A = arith.index_cast %add3A_100 : i32 to index
        %swap3A_242 = arith.constant 0 : index
        %swap3A_243 = tpu.vector_load %arg14[%swap3A, %swap3A_242] {strides = array<i32>} : memref<64x128xf32, #tpu.memory_space<vmem>>, vector<1x16xf32>,
        %swap3A_244 = vector.shape_cast %swap3A_243 : vector<1x16xf32> to vector<16xf32>
        %swap3A_245 = vector.shape_cast %mul3A_241 : vector<16xf32> to vector<1x16xf32>
        tpu.vector_store %arg14[%swap3A, %swap3A_242], %swap3A_245 {strides = array<i32>} : memref<64x128xf32, #tpu.memory_space<vmem>>, vector<1x16xf32>,
        %mul3A_246 = arith.mulf %exp3A, %get3A_117 : vector<16xf32>
        %swap3A_247 = arith.index_cast %add3A_100 : i32 to index
        %swap3A_248 = arith.constant 16 : index
        %swap3A_249 = tpu.vector_load %arg14[%swap3A_247, %swap3A_248] {strides = array<i32>} : memref<64x128xf32, #tpu.memory_space<vmem>>, vector<1x16xf32>,
        %swap3A_250 = vector.shape_cast %swap3A_249 : vector<1x16xf32> to vector<16xf32>
        %swap3A_251 = vector.shape_cast %mul3A_246 : vector<16xf32> to vector<1x16xf32>
        tpu.vector_store %arg14[%swap3A_247, %swap3A_248], %swap3A_251 {strides = array<i32>} : memref<64x128xf32, #tpu.memory_space<vmem>>, vector<1x16xf32>,
        %eq3A = arith.constant 0 : i32
        %eq3A_252 = vector.broadcast %eq3A : i32 to vector<16xi32>
        %eq3A_253 = arith.cmpi eq, %iota3A, %eq3A_252 : vector<16xi32>
        %select_n3A = arith.select %eq3A_253, %exp3A, %broadcast_in_dim3A_213 : vector<16xi1>, vector<16xf32>
        %add3A_254 = arith.addf %mul3A_141, %mul3A_155 : vector<16xf32>
        %xor3A_255 = arith.constant 1 : i32
        %xor3A_256 = vector.broadcast %xor3A_255 : i32 to vector<16xi32>
        %xor3A_257 = arith.xori %iota3A, %xor3A_256 : vector<16xi32>
        %broadcast_in_dim3A_258 = vector.shape_cast %xor3A_257 : vector<16xi32> to vector<16x1xi32>
        %gather3A_259 = vector.shape_cast %broadcast_in_dim3A_258 : vector<16x1xi32> to vector<16xi32>
        %gather3A_260 = tpu.dynamic_gather %add3A_254[%gather3A_259] in [0] : vector<16xf32>, vector<16xi32> -> vector<16xf32>
        %add3A_261 = arith.addf %add3A_254, %gather3A_260 : vector<16xf32>
        %xor3A_262 = arith.constant 2 : i32
        %xor3A_263 = vector.broadcast %xor3A_262 : i32 to vector<16xi32>
        %xor3A_264 = arith.xori %iota3A, %xor3A_263 : vector<16xi32>
        %broadcast_in_dim3A_265 = vector.shape_cast %xor3A_264 : vector<16xi32> to vector<16x1xi32>
        %gather3A_266 = vector.shape_cast %broadcast_in_dim3A_265 : vector<16x1xi32> to vector<16xi32>
        %gather3A_267 = tpu.dynamic_gather %add3A_261[%gather3A_266] in [0] : vector<16xf32>, vector<16xi32> -> vector<16xf32>
        %add3A_268 = arith.addf %add3A_261, %gather3A_267 : vector<16xf32>
        %xor3A_269 = arith.constant 4 : i32
        %xor3A_270 = vector.broadcast %xor3A_269 : i32 to vector<16xi32>
        %xor3A_271 = arith.xori %iota3A, %xor3A_270 : vector<16xi32>
        %broadcast_in_dim3A_272 = vector.shape_cast %xor3A_271 : vector<16xi32> to vector<16x1xi32>
        %gather3A_273 = vector.shape_cast %broadcast_in_dim3A_272 : vector<16x1xi32> to vector<16xi32>
        %gather3A_274 = tpu.dynamic_gather %add3A_268[%gather3A_273] in [0] : vector<16xf32>, vector<16xi32> -> vector<16xf32>
        %add3A_275 = arith.addf %add3A_268, %gather3A_274 : vector<16xf32>
        %xor3A_276 = arith.constant 8 : i32
        %xor3A_277 = vector.broadcast %xor3A_276 : i32 to vector<16xi32>
        %xor3A_278 = arith.xori %iota3A, %xor3A_277 : vector<16xi32>
        %broadcast_in_dim3A_279 = vector.shape_cast %xor3A_278 : vector<16xi32> to vector<16x1xi32>
        %gather3A_280 = vector.shape_cast %broadcast_in_dim3A_279 : vector<16x1xi32> to vector<16xi32>
        %gather3A_281 = tpu.dynamic_gather %add3A_275[%gather3A_280] in [0] : vector<16xf32>, vector<16xi32> -> vector<16xf32>
        %add3A_282 = arith.addf %add3A_275, %gather3A_281 : vector<16xf32>
        %exp3A_283 = math.exp %add3A_282 : vector<16xf32>
        %mul3A_284 = arith.mulf %exp3A_283, %get3A_131 : vector<16xf32>
        %swap3A_285 = arith.index_cast %add3A_100 : i32 to index
        %swap3A_286 = arith.constant 32 : index
        %swap3A_287 = tpu.vector_load %arg14[%swap3A_285, %swap3A_286] {strides = array<i32>} : memref<64x128xf32, #tpu.memory_space<vmem>>, vector<1x16xf32>,
        %swap3A_288 = vector.shape_cast %swap3A_287 : vector<1x16xf32> to vector<16xf32>
        %swap3A_289 = vector.shape_cast %mul3A_284 : vector<16xf32> to vector<1x16xf32>
        tpu.vector_store %arg14[%swap3A_285, %swap3A_286], %swap3A_289 {strides = array<i32>} : memref<64x128xf32, #tpu.memory_space<vmem>>, vector<1x16xf32>,
        %mul3A_290 = arith.mulf %exp3A_283, %get3A_145 : vector<16xf32>
        %swap3A_291 = arith.index_cast %add3A_100 : i32 to index
        %swap3A_292 = arith.constant 48 : index
        %swap3A_293 = tpu.vector_load %arg14[%swap3A_291, %swap3A_292] {strides = array<i32>} : memref<64x128xf32, #tpu.memory_space<vmem>>, vector<1x16xf32>,
        %swap3A_294 = vector.shape_cast %swap3A_293 : vector<1x16xf32> to vector<16xf32>
        %swap3A_295 = vector.shape_cast %mul3A_290 : vector<16xf32> to vector<1x16xf32>
        tpu.vector_store %arg14[%swap3A_291, %swap3A_292], %swap3A_295 {strides = array<i32>} : memref<64x128xf32, #tpu.memory_space<vmem>>, vector<1x16xf32>,
        %eq3A_296 = arith.constant 1 : i32
        %eq3A_297 = vector.broadcast %eq3A_296 : i32 to vector<16xi32>
        %eq3A_298 = arith.cmpi eq, %iota3A, %eq3A_297 : vector<16xi32>
        %select_n3A_299 = arith.select %eq3A_298, %exp3A_283, %select_n3A : vector<16xi1>, vector<16xf32>
        %add3A_300 = arith.addf %mul3A_169, %mul3A_183 : vector<16xf32>
        %xor3A_301 = arith.constant 1 : i32
        %xor3A_302 = vector.broadcast %xor3A_301 : i32 to vector<16xi32>
        %xor3A_303 = arith.xori %iota3A, %xor3A_302 : vector<16xi32>
        %broadcast_in_dim3A_304 = vector.shape_cast %xor3A_303 : vector<16xi32> to vector<16x1xi32>
        %gather3A_305 = vector.shape_cast %broadcast_in_dim3A_304 : vector<16x1xi32> to vector<16xi32>
        %gather3A_306 = tpu.dynamic_gather %add3A_300[%gather3A_305] in [0] : vector<16xf32>, vector<16xi32> -> vector<16xf32>
        %add3A_307 = arith.addf %add3A_300, %gather3A_306 : vector<16xf32>
        %xor3A_308 = arith.constant 2 : i32
        %xor3A_309 = vector.broadcast %xor3A_308 : i32 to vector<16xi32>
        %xor3A_310 = arith.xori %iota3A, %xor3A_309 : vector<16xi32>
        %broadcast_in_dim3A_311 = vector.shape_cast %xor3A_310 : vector<16xi32> to vector<16x1xi32>
        %gather3A_312 = vector.shape_cast %broadcast_in_dim3A_311 : vector<16x1xi32> to vector<16xi32>
        %gather3A_313 = tpu.dynamic_gather %add3A_307[%gather3A_312] in [0] : vector<16xf32>, vector<16xi32> -> vector<16xf32>
        %add3A_314 = arith.addf %add3A_307, %gather3A_313 : vector<16xf32>
        %xor3A_315 = arith.constant 4 : i32
        %xor3A_316 = vector.broadcast %xor3A_315 : i32 to vector<16xi32>
        %xor3A_317 = arith.xori %iota3A, %xor3A_316 : vector<16xi32>
        %broadcast_in_dim3A_318 = vector.shape_cast %xor3A_317 : vector<16xi32> to vector<16x1xi32>
        %gather3A_319 = vector.shape_cast %broadcast_in_dim3A_318 : vector<16x1xi32> to vector<16xi32>
        %gather3A_320 = tpu.dynamic_gather %add3A_314[%gather3A_319] in [0] : vector<16xf32>, vector<16xi32> -> vector<16xf32>
        %add3A_321 = arith.addf %add3A_314, %gather3A_320 : vector<16xf32>
        %xor3A_322 = arith.constant 8 : i32
        %xor3A_323 = vector.broadcast %xor3A_322 : i32 to vector<16xi32>
        %xor3A_324 = arith.xori %iota3A, %xor3A_323 : vector<16xi32>
        %broadcast_in_dim3A_325 = vector.shape_cast %xor3A_324 : vector<16xi32> to vector<16x1xi32>
        %gather3A_326 = vector.shape_cast %broadcast_in_dim3A_325 : vector<16x1xi32> to vector<16xi32>
        %gather3A_327 = tpu.dynamic_gather %add3A_321[%gather3A_326] in [0] : vector<16xf32>, vector<16xi32> -> vector<16xf32>
        %add3A_328 = arith.addf %add3A_321, %gather3A_327 : vector<16xf32>
        %exp3A_329 = math.exp %add3A_328 : vector<16xf32>
        %mul3A_330 = arith.mulf %exp3A_329, %get3A_159 : vector<16xf32>
        %swap3A_331 = arith.index_cast %add3A_100 : i32 to index
        %swap3A_332 = arith.constant 64 : index
        %swap3A_333 = tpu.vector_load %arg14[%swap3A_331, %swap3A_332] {strides = array<i32>} : memref<64x128xf32, #tpu.memory_space<vmem>>, vector<1x16xf32>,
        %swap3A_334 = vector.shape_cast %swap3A_333 : vector<1x16xf32> to vector<16xf32>
        %swap3A_335 = vector.shape_cast %mul3A_330 : vector<16xf32> to vector<1x16xf32>
        tpu.vector_store %arg14[%swap3A_331, %swap3A_332], %swap3A_335 {strides = array<i32>} : memref<64x128xf32, #tpu.memory_space<vmem>>, vector<1x16xf32>,
        %mul3A_336 = arith.mulf %exp3A_329, %get3A_173 : vector<16xf32>
        %swap3A_337 = arith.index_cast %add3A_100 : i32 to index
        %swap3A_338 = arith.constant 80 : index
        %swap3A_339 = tpu.vector_load %arg14[%swap3A_337, %swap3A_338] {strides = array<i32>} : memref<64x128xf32, #tpu.memory_space<vmem>>, vector<1x16xf32>,
        %swap3A_340 = vector.shape_cast %swap3A_339 : vector<1x16xf32> to vector<16xf32>
        %swap3A_341 = vector.shape_cast %mul3A_336 : vector<16xf32> to vector<1x16xf32>
        tpu.vector_store %arg14[%swap3A_337, %swap3A_338], %swap3A_341 {strides = array<i32>} : memref<64x128xf32, #tpu.memory_space<vmem>>, vector<1x16xf32>,
        %eq3A_342 = arith.constant 2 : i32
        %eq3A_343 = vector.broadcast %eq3A_342 : i32 to vector<16xi32>
        %eq3A_344 = arith.cmpi eq, %iota3A, %eq3A_343 : vector<16xi32>
        %select_n3A_345 = arith.select %eq3A_344, %exp3A_329, %select_n3A_299 : vector<16xi1>, vector<16xf32>
        %add3A_346 = arith.addf %mul3A_197, %mul3A_211 : vector<16xf32>
        %xor3A_347 = arith.constant 1 : i32
        %xor3A_348 = vector.broadcast %xor3A_347 : i32 to vector<16xi32>
        %xor3A_349 = arith.xori %iota3A, %xor3A_348 : vector<16xi32>
        %broadcast_in_dim3A_350 = vector.shape_cast %xor3A_349 : vector<16xi32> to vector<16x1xi32>
        %gather3A_351 = vector.shape_cast %broadcast_in_dim3A_350 : vector<16x1xi32> to vector<16xi32>
        %gather3A_352 = tpu.dynamic_gather %add3A_346[%gather3A_351] in [0] : vector<16xf32>, vector<16xi32> -> vector<16xf32>
        %add3A_353 = arith.addf %add3A_346, %gather3A_352 : vector<16xf32>
        %xor3A_354 = arith.constant 2 : i32
        %xor3A_355 = vector.broadcast %xor3A_354 : i32 to vector<16xi32>
        %xor3A_356 = arith.xori %iota3A, %xor3A_355 : vector<16xi32>
        %broadcast_in_dim3A_357 = vector.shape_cast %xor3A_356 : vector<16xi32> to vector<16x1xi32>
        %gather3A_358 = vector.shape_cast %broadcast_in_dim3A_357 : vector<16x1xi32> to vector<16xi32>
        %gather3A_359 = tpu.dynamic_gather %add3A_353[%gather3A_358] in [0] : vector<16xf32>, vector<16xi32> -> vector<16xf32>
        %add3A_360 = arith.addf %add3A_353, %gather3A_359 : vector<16xf32>
        %xor3A_361 = arith.constant 4 : i32
        %xor3A_362 = vector.broadcast %xor3A_361 : i32 to vector<16xi32>
        %xor3A_363 = arith.xori %iota3A, %xor3A_362 : vector<16xi32>
        %broadcast_in_dim3A_364 = vector.shape_cast %xor3A_363 : vector<16xi32> to vector<16x1xi32>
        %gather3A_365 = vector.shape_cast %broadcast_in_dim3A_364 : vector<16x1xi32> to vector<16xi32>
        %gather3A_366 = tpu.dynamic_gather %add3A_360[%gather3A_365] in [0] : vector<16xf32>, vector<16xi32> -> vector<16xf32>
        %add3A_367 = arith.addf %add3A_360, %gather3A_366 : vector<16xf32>
        %xor3A_368 = arith.constant 8 : i32
        %xor3A_369 = vector.broadcast %xor3A_368 : i32 to vector<16xi32>
        %xor3A_370 = arith.xori %iota3A, %xor3A_369 : vector<16xi32>
        %broadcast_in_dim3A_371 = vector.shape_cast %xor3A_370 : vector<16xi32> to vector<16x1xi32>
        %gather3A_372 = vector.shape_cast %broadcast_in_dim3A_371 : vector<16x1xi32> to vector<16xi32>
        %gather3A_373 = tpu.dynamic_gather %add3A_367[%gather3A_372] in [0] : vector<16xf32>, vector<16xi32> -> vector<16xf32>
        %add3A_374 = arith.addf %add3A_367, %gather3A_373 : vector<16xf32>
        %exp3A_375 = math.exp %add3A_374 : vector<16xf32>
        %mul3A_376 = arith.mulf %exp3A_375, %get3A_187 : vector<16xf32>
        %swap3A_377 = arith.index_cast %add3A_100 : i32 to index
        %swap3A_378 = arith.constant 96 : index
        %swap3A_379 = tpu.vector_load %arg14[%swap3A_377, %swap3A_378] {strides = array<i32>} : memref<64x128xf32, #tpu.memory_space<vmem>>, vector<1x16xf32>,
        %swap3A_380 = vector.shape_cast %swap3A_379 : vector<1x16xf32> to vector<16xf32>
        %swap3A_381 = vector.shape_cast %mul3A_376 : vector<16xf32> to vector<1x16xf32>
        tpu.vector_store %arg14[%swap3A_377, %swap3A_378], %swap3A_381 {strides = array<i32>} : memref<64x128xf32, #tpu.memory_space<vmem>>, vector<1x16xf32>,
        %mul3A_382 = arith.mulf %exp3A_375, %get3A_201 : vector<16xf32>
        %swap3A_383 = arith.index_cast %add3A_100 : i32 to index
        %swap3A_384 = arith.constant 112 : index
        %swap3A_385 = tpu.vector_load %arg14[%swap3A_383, %swap3A_384] {strides = array<i32>} : memref<64x128xf32, #tpu.memory_space<vmem>>, vector<1x16xf32>,
        %swap3A_386 = vector.shape_cast %swap3A_385 : vector<1x16xf32> to vector<16xf32>
        %swap3A_387 = vector.shape_cast %mul3A_382 : vector<16xf32> to vector<1x16xf32>
        tpu.vector_store %arg14[%swap3A_383, %swap3A_384], %swap3A_387 {strides = array<i32>} : memref<64x128xf32, #tpu.memory_space<vmem>>, vector<1x16xf32>,
        %eq3A_388 = arith.constant 3 : i32
        %eq3A_389 = vector.broadcast %eq3A_388 : i32 to vector<16xi32>
        %eq3A_390 = arith.cmpi eq, %iota3A, %eq3A_389 : vector<16xi32>
        %select_n3A_391 = arith.select %eq3A_390, %exp3A_375, %select_n3A_345 : vector<16xi1>, vector<16xf32>
        %swap3A_392 = arith.index_cast %add3A_100 : i32 to index
        %swap3A_393 = arith.constant 0 : index
        %swap3A_394 = tpu.vector_load %arg16[%swap3A_392, %swap3A_393] {strides = array<i32>} : memref<64x128xf32, #tpu.memory_space<vmem>>, vector<1x16xf32>,
        %swap3A_395 = vector.shape_cast %swap3A_394 : vector<1x16xf32> to vector<16xf32>
        %swap3A_396 = vector.shape_cast %broadcast_in_dim3A_1 : vector<16xf32> to vector<1x16xf32>
        tpu.vector_store %arg16[%swap3A_392, %swap3A_393], %swap3A_396 {strides = array<i32>} : memref<64x128xf32, #tpu.memory_space<vmem>>, vector<1x16xf32>,
        %swap3A_397 = arith.index_cast %add3A_100 : i32 to index
        %swap3A_398 = arith.constant 16 : index
        %swap3A_399 = tpu.vector_load %arg16[%swap3A_397, %swap3A_398] {strides = array<i32>} : memref<64x128xf32, #tpu.memory_space<vmem>>, vector<1x16xf32>,
        %swap3A_400 = vector.shape_cast %swap3A_399 : vector<1x16xf32> to vector<16xf32>
        %swap3A_401 = vector.shape_cast %broadcast_in_dim3A_1 : vector<16xf32> to vector<1x16xf32>
        tpu.vector_store %arg16[%swap3A_397, %swap3A_398], %swap3A_401 {strides = array<i32>} : memref<64x128xf32, #tpu.memory_space<vmem>>, vector<1x16xf32>,
        %swap3A_402 = arith.index_cast %add3A_100 : i32 to index
        %swap3A_403 = arith.constant 32 : index
        %swap3A_404 = tpu.vector_load %arg16[%swap3A_402, %swap3A_403] {strides = array<i32>} : memref<64x128xf32, #tpu.memory_space<vmem>>, vector<1x16xf32>,
        %swap3A_405 = vector.shape_cast %swap3A_404 : vector<1x16xf32> to vector<16xf32>
        %swap3A_406 = vector.shape_cast %broadcast_in_dim3A_1 : vector<16xf32> to vector<1x16xf32>
        tpu.vector_store %arg16[%swap3A_402, %swap3A_403], %swap3A_406 {strides = array<i32>} : memref<64x128xf32, #tpu.memory_space<vmem>>, vector<1x16xf32>,
        %swap3A_407 = arith.index_cast %add3A_100 : i32 to index
        %swap3A_408 = arith.constant 48 : index
        %swap3A_409 = tpu.vector_load %arg16[%swap3A_407, %swap3A_408] {strides = array<i32>} : memref<64x128xf32, #tpu.memory_space<vmem>>, vector<1x16xf32>,
        %swap3A_410 = vector.shape_cast %swap3A_409 : vector<1x16xf32> to vector<16xf32>
        %swap3A_411 = vector.shape_cast %broadcast_in_dim3A_1 : vector<16xf32> to vector<1x16xf32>
        tpu.vector_store %arg16[%swap3A_407, %swap3A_408], %swap3A_411 {strides = array<i32>} : memref<64x128xf32, #tpu.memory_space<vmem>>, vector<1x16xf32>,
        %swap3A_412 = arith.index_cast %add3A_100 : i32 to index
        %swap3A_413 = arith.constant 64 : index
        %swap3A_414 = tpu.vector_load %arg16[%swap3A_412, %swap3A_413] {strides = array<i32>} : memref<64x128xf32, #tpu.memory_space<vmem>>, vector<1x16xf32>,
        %swap3A_415 = vector.shape_cast %swap3A_414 : vector<1x16xf32> to vector<16xf32>
        %swap3A_416 = vector.shape_cast %broadcast_in_dim3A_1 : vector<16xf32> to vector<1x16xf32>
        tpu.vector_store %arg16[%swap3A_412, %swap3A_413], %swap3A_416 {strides = array<i32>} : memref<64x128xf32, #tpu.memory_space<vmem>>, vector<1x16xf32>,
        %swap3A_417 = arith.index_cast %add3A_100 : i32 to index
        %swap3A_418 = arith.constant 80 : index
        %swap3A_419 = tpu.vector_load %arg16[%swap3A_417, %swap3A_418] {strides = array<i32>} : memref<64x128xf32, #tpu.memory_space<vmem>>, vector<1x16xf32>,
        %swap3A_420 = vector.shape_cast %swap3A_419 : vector<1x16xf32> to vector<16xf32>
        %swap3A_421 = vector.shape_cast %broadcast_in_dim3A_1 : vector<16xf32> to vector<1x16xf32>
        tpu.vector_store %arg16[%swap3A_417, %swap3A_418], %swap3A_421 {strides = array<i32>} : memref<64x128xf32, #tpu.memory_space<vmem>>, vector<1x16xf32>,
        %swap3A_422 = arith.index_cast %add3A_100 : i32 to index
        %swap3A_423 = arith.constant 96 : index
        %swap3A_424 = tpu.vector_load %arg16[%swap3A_422, %swap3A_423] {strides = array<i32>} : memref<64x128xf32, #tpu.memory_space<vmem>>, vector<1x16xf32>,
        %swap3A_425 = vector.shape_cast %swap3A_424 : vector<1x16xf32> to vector<16xf32>
        %swap3A_426 = vector.shape_cast %broadcast_in_dim3A_1 : vector<16xf32> to vector<1x16xf32>
        tpu.vector_store %arg16[%swap3A_422, %swap3A_423], %swap3A_426 {strides = array<i32>} : memref<64x128xf32, #tpu.memory_space<vmem>>, vector<1x16xf32>,
        %swap3A_427 = arith.index_cast %add3A_100 : i32 to index
        %swap3A_428 = arith.constant 112 : index
        %swap3A_429 = tpu.vector_load %arg16[%swap3A_427, %swap3A_428] {strides = array<i32>} : memref<64x128xf32, #tpu.memory_space<vmem>>, vector<1x16xf32>,
        %swap3A_430 = vector.shape_cast %swap3A_429 : vector<1x16xf32> to vector<16xf32>
        %swap3A_431 = vector.shape_cast %broadcast_in_dim3A_1 : vector<16xf32> to vector<1x16xf32>
        tpu.vector_store %arg16[%swap3A_427, %swap3A_428], %swap3A_431 {strides = array<i32>} : memref<64x128xf32, #tpu.memory_space<vmem>>, vector<1x16xf32>,
        %get3A_432 = arith.index_cast %add3A_100 : i32 to index
        %get3A_433 = tpu.vector_load %arg12[%get3A_432] {strides = array<i32>} : memref<64xi32, #tpu.memory_space<vmem>>, vector<1xi32>,
        %get3A_434 = vector.shape_cast %get3A_433 : vector<1xi32> to vector<1xi32>
        %squeeze3A = vector.extract %get3A_434[0] : i32 from vector<1xi32>
        %and3A = arith.constant 7 : i32
        %and3A_435 = arith.andi %squeeze3A, %and3A : i32
        %mul3A_436 = arith.constant 16 : i32
        %mul3A_437 = arith.muli %and3A_435, %mul3A_436 : i32
        %swap3A_438 = arith.index_cast %add3A_100 : i32 to index
        %swap3A_439 = arith.index_cast %mul3A_437 : i32 to index
        %swap3A_440 = tpu.vector_load %arg16[%swap3A_438, %swap3A_439] {strides = array<i32>} : memref<64x128xf32, #tpu.memory_space<vmem>>, vector<1x16xf32>,
        %swap3A_441 = vector.shape_cast %swap3A_440 : vector<1x16xf32> to vector<16xf32>
        %swap3A_442 = vector.shape_cast %select_n3A_391 : vector<16xf32> to vector<1x16xf32>
        tpu.vector_store %arg16[%swap3A_438, %swap3A_439], %swap3A_442 {strides = array<i32>} : memref<64x128xf32, #tpu.memory_space<vmem>>, vector<1x16xf32>,
      }
      %scan3A_95 = arith.constant 64 : i32
      "tpu.region"() ({
        %run_scoped3A = tpu.sem_alloc : memref<!tpu.dma_semaphore, #tpu.memory_space<semaphore_mem>>
        %dma_start3A_96 = arith.constant 0 : i32
        %dma_start3A_97 = arith.constant 0 : i32
        %dma_start3A_98 = tpu.memref_slice %arg9[%dma_start3A_96, %dma_start3A_97] : memref<10240x128xf32, #tpu.memory_space<vmem_shared>> -> memref<10240x128xf32, #tpu.memory_space<vmem_shared>>
        tpu.enqueue_indirect_dma source(%arg14 : memref<64x128xf32, #tpu.memory_space<vmem>>) target(%dma_start3A_98 : memref<10240x128xf32, #tpu.memory_space<vmem_shared>>) offsets(%arg12 : memref<64xi32, #tpu.memory_space<vmem>>) semaphore(%run_scoped3A : memref<!tpu.dma_semaphore, #tpu.memory_space<semaphore_mem>>) {add = true}
        %dma_wait3A_99 = arith.constant 0 : i32
        %dma_wait3A_100 = arith.constant 0 : i32
        %dma_wait3A_101 = tpu.memref_slice %arg9[%dma_wait3A_99, %dma_wait3A_100] : memref<10240x128xf32, #tpu.memory_space<vmem_shared>> -> memref<10240x128xf32, #tpu.memory_space<vmem_shared>>
        tpu.wait_indirect_dma semaphore(%run_scoped3A : memref<!tpu.dma_semaphore, #tpu.memory_space<semaphore_mem>>) src(%arg14 : memref<64x128xf32, #tpu.memory_space<vmem>>) dst(%dma_wait3A_101 : memref<10240x128xf32, #tpu.memory_space<vmem_shared>>)
        tpu.yield
      }) : () -> ()
      "tpu.region"() ({
        %run_scoped3A = tpu.sem_alloc : memref<!tpu.dma_semaphore, #tpu.memory_space<semaphore_mem>>
        %dma_start3A_96 = arith.constant 0 : i32
        %dma_start3A_97 = arith.constant 0 : i32
        %dma_start3A_98 = tpu.memref_slice %arg10[%dma_start3A_96, %dma_start3A_97] : memref<1280x128xf32, #tpu.memory_space<vmem_shared>> -> memref<1280x128xf32, #tpu.memory_space<vmem_shared>>
        tpu.enqueue_indirect_dma source(%arg16 : memref<64x128xf32, #tpu.memory_space<vmem>>) target(%dma_start3A_98 : memref<1280x128xf32, #tpu.memory_space<vmem_shared>>) offsets(%arg13 : memref<64xi32, #tpu.memory_space<vmem>>) semaphore(%run_scoped3A : memref<!tpu.dma_semaphore, #tpu.memory_space<semaphore_mem>>) {add = true}
        %dma_wait3A_99 = arith.constant 0 : i32
        %dma_wait3A_100 = arith.constant 0 : i32
        %dma_wait3A_101 = tpu.memref_slice %arg10[%dma_wait3A_99, %dma_wait3A_100] : memref<1280x128xf32, #tpu.memory_space<vmem_shared>> -> memref<1280x128xf32, #tpu.memory_space<vmem_shared>>
        tpu.wait_indirect_dma semaphore(%run_scoped3A : memref<!tpu.dma_semaphore, #tpu.memory_space<semaphore_mem>>) src(%arg16 : memref<64x128xf32, #tpu.memory_space<vmem>>) dst(%dma_wait3A_101 : memref<1280x128xf32, #tpu.memory_space<vmem_shared>>)
        tpu.yield
      }) : () -> ()
    }
    %scan3A_45 = arith.constant 162 : i32
    %barrier3A_46 = arith.constant 0 : index
    tpu.barrier barrier_id(%barrier3A_46)
    %scan3A_47 = arith.constant 0 : i32
    %scan3A_48 = arith.constant 10 : i32
    %scan3A_49 = arith.addi %scan3A_47, %scan3A_48 : i32
    %scan3A_50 = arith.constant 1 : i32
    scf.for %scan3A_66 = %scan3A_47 to %scan3A_49 step %scan3A_50  : i32 {
      %mul3A_67 = arith.constant 1 : i32
      %mul3A_68 = arith.muli %scan3A_66, %mul3A_67 : i32
      %add3A_69 = arith.constant 0 : i32
      %add3A_70 = arith.addi %add3A_69, %mul3A_68 : i32
      %mul3A_71 = arith.constant 640 : i32
      %mul3A_72 = arith.muli %arg1, %mul3A_71 : i32
      %mul3A_73 = arith.constant 64 : i32
      %mul3A_74 = arith.muli %add3A_70, %mul3A_73 : i32
      %add3A_75 = arith.addi %mul3A_72, %mul3A_74 : i32
      "tpu.region"() ({
        %run_scoped3A = tpu.sem_alloc : memref<!tpu.dma_semaphore, #tpu.memory_space<semaphore_mem>>
        %dma_start3A = arith.constant 0 : i32
        %dma_start3A_79 = tpu.memref_slice %arg9[%add3A_75, %dma_start3A] : memref<10240x128xf32, #tpu.memory_space<vmem_shared>> -> memref<64x128xf32, #tpu.memory_space<vmem_shared>>
        %dma_start3A_80 = arith.constant 0 : i32
        %dma_start3A_81 = tpu.memref_slice %arg9[%add3A_75, %dma_start3A_80] : memref<10240x128xf32, #tpu.memory_space<vmem_shared>> -> memref<64x128xf32, #tpu.memory_space<vmem_shared>>
        tpu.enqueue_dma source(%dma_start3A_81 : memref<64x128xf32, #tpu.memory_space<vmem_shared>>) target(%arg14 : memref<64x128xf32, #tpu.memory_space<vmem>>) target_semaphore(%run_scoped3A : memref<!tpu.dma_semaphore, #tpu.memory_space<semaphore_mem>>)
        %dma_wait3A = arith.constant 0 : i32
        %dma_wait3A_82 = tpu.memref_slice %arg9[%add3A_75, %dma_wait3A] : memref<10240x128xf32, #tpu.memory_space<vmem_shared>> -> memref<64x128xf32, #tpu.memory_space<vmem_shared>>
        %dma_wait3A_83 = arith.constant 0 : i32
        %dma_wait3A_84 = tpu.memref_slice %arg9[%add3A_75, %dma_wait3A_83] : memref<10240x128xf32, #tpu.memory_space<vmem_shared>> -> memref<64x128xf32, #tpu.memory_space<vmem_shared>>
        tpu.wait_dma2 semaphore(%run_scoped3A : memref<!tpu.dma_semaphore, #tpu.memory_space<semaphore_mem>>) src(%dma_wait3A_84 : memref<64x128xf32, #tpu.memory_space<vmem_shared>>) dst(%arg14 : memref<64x128xf32, #tpu.memory_space<vmem>>)
        tpu.yield
      }) : () -> ()
      %mul3A_76 = arith.constant 10240 : i32
      %mul3A_77 = arith.muli %arg0, %mul3A_76 : i32
      %add3A_78 = arith.addi %mul3A_77, %add3A_75 : i32
      "tpu.region"() ({
        %run_scoped3A = tpu.sem_alloc : memref<!tpu.dma_semaphore, #tpu.memory_space<semaphore_mem>>
        %dma_start3A = arith.constant 0 : i32
        %dma_start3A_79 = tpu.memref_slice %arg7[%add3A_78, %dma_start3A] : memref<20480x128xf32, #tpu.memory_space<hbm>> -> memref<64x128xf32, #tpu.memory_space<hbm>>
        %dma_start3A_80 = arith.constant 0 : i32
        %dma_start3A_81 = tpu.memref_slice %arg7[%add3A_78, %dma_start3A_80] : memref<20480x128xf32, #tpu.memory_space<hbm>> -> memref<64x128xf32, #tpu.memory_space<hbm>>
        tpu.enqueue_dma source(%arg14 : memref<64x128xf32, #tpu.memory_space<vmem>>) target(%dma_start3A_81 : memref<64x128xf32, #tpu.memory_space<hbm>>) target_semaphore(%run_scoped3A : memref<!tpu.dma_semaphore, #tpu.memory_space<semaphore_mem>>)
        %dma_wait3A = arith.constant 0 : i32
        %dma_wait3A_82 = tpu.memref_slice %arg7[%add3A_78, %dma_wait3A] : memref<20480x128xf32, #tpu.memory_space<hbm>> -> memref<64x128xf32, #tpu.memory_space<hbm>>
        %dma_wait3A_83 = arith.constant 0 : i32
        %dma_wait3A_84 = tpu.memref_slice %arg7[%add3A_78, %dma_wait3A_83] : memref<20480x128xf32, #tpu.memory_space<hbm>> -> memref<64x128xf32, #tpu.memory_space<hbm>>
        tpu.wait_dma2 semaphore(%run_scoped3A : memref<!tpu.dma_semaphore, #tpu.memory_space<semaphore_mem>>) src(%arg14 : memref<64x128xf32, #tpu.memory_space<vmem>>) dst(%dma_wait3A_84 : memref<64x128xf32, #tpu.memory_space<hbm>>)
        tpu.yield
      }) : () -> ()
    }
    %scan3A_51 = arith.constant 10 : i32
    %mul3A_52 = arith.constant 80 : i32
    %mul3A_53 = arith.muli %arg1, %mul3A_52 : i32
    "tpu.region"() ({
      %run_scoped3A = tpu.sem_alloc : memref<!tpu.dma_semaphore, #tpu.memory_space<semaphore_mem>>
      %dma_start3A = arith.constant 0 : i32
      %dma_start3A_66 = tpu.memref_slice %arg10[%mul3A_53, %dma_start3A] : memref<1280x128xf32, #tpu.memory_space<vmem_shared>> -> memref<64x128xf32, #tpu.memory_space<vmem_shared>>
      %dma_start3A_67 = arith.constant 0 : i32
      %dma_start3A_68 = tpu.memref_slice %arg10[%mul3A_53, %dma_start3A_67] : memref<1280x128xf32, #tpu.memory_space<vmem_shared>> -> memref<64x128xf32, #tpu.memory_space<vmem_shared>>
      tpu.enqueue_dma source(%dma_start3A_68 : memref<64x128xf32, #tpu.memory_space<vmem_shared>>) target(%arg16 : memref<64x128xf32, #tpu.memory_space<vmem>>) target_semaphore(%run_scoped3A : memref<!tpu.dma_semaphore, #tpu.memory_space<semaphore_mem>>)
      %dma_wait3A = arith.constant 0 : i32
      %dma_wait3A_69 = tpu.memref_slice %arg10[%mul3A_53, %dma_wait3A] : memref<1280x128xf32, #tpu.memory_space<vmem_shared>> -> memref<64x128xf32, #tpu.memory_space<vmem_shared>>
      %dma_wait3A_70 = arith.constant 0 : i32
      %dma_wait3A_71 = tpu.memref_slice %arg10[%mul3A_53, %dma_wait3A_70] : memref<1280x128xf32, #tpu.memory_space<vmem_shared>> -> memref<64x128xf32, #tpu.memory_space<vmem_shared>>
      tpu.wait_dma2 semaphore(%run_scoped3A : memref<!tpu.dma_semaphore, #tpu.memory_space<semaphore_mem>>) src(%dma_wait3A_71 : memref<64x128xf32, #tpu.memory_space<vmem_shared>>) dst(%arg16 : memref<64x128xf32, #tpu.memory_space<vmem>>)
      tpu.yield
    }) : () -> ()
    %mul3A_54 = arith.constant 1280 : i32
    %mul3A_55 = arith.muli %arg0, %mul3A_54 : i32
    %add3A_56 = arith.addi %mul3A_55, %mul3A_53 : i32
    "tpu.region"() ({
      %run_scoped3A = tpu.sem_alloc : memref<!tpu.dma_semaphore, #tpu.memory_space<semaphore_mem>>
      %dma_start3A = arith.constant 0 : i32
      %dma_start3A_66 = tpu.memref_slice %arg8[%add3A_56, %dma_start3A] : memref<2560x128xf32, #tpu.memory_space<hbm>> -> memref<64x128xf32, #tpu.memory_space<hbm>>
      %dma_start3A_67 = arith.constant 0 : i32
      %dma_start3A_68 = tpu.memref_slice %arg8[%add3A_56, %dma_start3A_67] : memref<2560x128xf32, #tpu.memory_space<hbm>> -> memref<64x128xf32, #tpu.memory_space<hbm>>
      tpu.enqueue_dma source(%arg16 : memref<64x128xf32, #tpu.memory_space<vmem>>) target(%dma_start3A_68 : memref<64x128xf32, #tpu.memory_space<hbm>>) target_semaphore(%run_scoped3A : memref<!tpu.dma_semaphore, #tpu.memory_space<semaphore_mem>>)
      %dma_wait3A = arith.constant 0 : i32
      %dma_wait3A_69 = tpu.memref_slice %arg8[%add3A_56, %dma_wait3A] : memref<2560x128xf32, #tpu.memory_space<hbm>> -> memref<64x128xf32, #tpu.memory_space<hbm>>
      %dma_wait3A_70 = arith.constant 0 : i32
      %dma_wait3A_71 = tpu.memref_slice %arg8[%add3A_56, %dma_wait3A_70] : memref<2560x128xf32, #tpu.memory_space<hbm>> -> memref<64x128xf32, #tpu.memory_space<hbm>>
      tpu.wait_dma2 semaphore(%run_scoped3A : memref<!tpu.dma_semaphore, #tpu.memory_space<semaphore_mem>>) src(%arg16 : memref<64x128xf32, #tpu.memory_space<vmem>>) dst(%dma_wait3A_71 : memref<64x128xf32, #tpu.memory_space<hbm>>)
      tpu.yield
    }) : () -> ()
    %mul3A_57 = arith.constant 80 : i32
    %mul3A_58 = arith.muli %arg1, %mul3A_57 : i32
    %add3A_59 = arith.constant 80 : i32
    %add3A_60 = arith.addi %mul3A_58, %add3A_59 : i32
    %sub3A_61 = arith.constant 64 : i32
    %sub3A_62 = arith.subi %add3A_60, %sub3A_61 : i32
    "tpu.region"() ({
      %run_scoped3A = tpu.sem_alloc : memref<!tpu.dma_semaphore, #tpu.memory_space<semaphore_mem>>
      %dma_start3A = arith.constant 0 : i32
      %dma_start3A_66 = tpu.memref_slice %arg10[%sub3A_62, %dma_start3A] : memref<1280x128xf32, #tpu.memory_space<vmem_shared>> -> memref<64x128xf32, #tpu.memory_space<vmem_shared>>
      %dma_start3A_67 = arith.constant 0 : i32
      %dma_start3A_68 = tpu.memref_slice %arg10[%sub3A_62, %dma_start3A_67] : memref<1280x128xf32, #tpu.memory_space<vmem_shared>> -> memref<64x128xf32, #tpu.memory_space<vmem_shared>>
      tpu.enqueue_dma source(%dma_start3A_68 : memref<64x128xf32, #tpu.memory_space<vmem_shared>>) target(%arg16 : memref<64x128xf32, #tpu.memory_space<vmem>>) target_semaphore(%run_scoped3A : memref<!tpu.dma_semaphore, #tpu.memory_space<semaphore_mem>>)
      %dma_wait3A = arith.constant 0 : i32
      %dma_wait3A_69 = tpu.memref_slice %arg10[%sub3A_62, %dma_wait3A] : memref<1280x128xf32, #tpu.memory_space<vmem_shared>> -> memref<64x128xf32, #tpu.memory_space<vmem_shared>>
      %dma_wait3A_70 = arith.constant 0 : i32
      %dma_wait3A_71 = tpu.memref_slice %arg10[%sub3A_62, %dma_wait3A_70] : memref<1280x128xf32, #tpu.memory_space<vmem_shared>> -> memref<64x128xf32, #tpu.memory_space<vmem_shared>>
      tpu.wait_dma2 semaphore(%run_scoped3A : memref<!tpu.dma_semaphore, #tpu.memory_space<semaphore_mem>>) src(%dma_wait3A_71 : memref<64x128xf32, #tpu.memory_space<vmem_shared>>) dst(%arg16 : memref<64x128xf32, #tpu.memory_space<vmem>>)
      tpu.yield
    }) : () -> ()
    %mul3A_63 = arith.constant 1280 : i32
    %mul3A_64 = arith.muli %arg0, %mul3A_63 : i32
    %add3A_65 = arith.addi %mul3A_64, %sub3A_62 : i32
    "tpu.region"() ({
      %run_scoped3A = tpu.sem_alloc : memref<!tpu.dma_semaphore, #tpu.memory_space<semaphore_mem>>
      %dma_start3A = arith.constant 0 : i32
      %dma_start3A_66 = tpu.memref_slice %arg8[%add3A_65, %dma_start3A] : memref<2560x128xf32, #tpu.memory_space<hbm>> -> memref<64x128xf32, #tpu.memory_space<hbm>>
      %dma_start3A_67 = arith.constant 0 : i32
      %dma_start3A_68 = tpu.memref_slice %arg8[%add3A_65, %dma_start3A_67] : memref<2560x128xf32, #tpu.memory_space<hbm>> -> memref<64x128xf32, #tpu.memory_space<hbm>>
      tpu.enqueue_dma source(%arg16 : memref<64x128xf32, #tpu.memory_space<vmem>>) target(%dma_start3A_68 : memref<64x128xf32, #tpu.memory_space<hbm>>) target_semaphore(%run_scoped3A : memref<!tpu.dma_semaphore, #tpu.memory_space<semaphore_mem>>)
      %dma_wait3A = arith.constant 0 : i32
      %dma_wait3A_69 = tpu.memref_slice %arg8[%add3A_65, %dma_wait3A] : memref<2560x128xf32, #tpu.memory_space<hbm>> -> memref<64x128xf32, #tpu.memory_space<hbm>>
      %dma_wait3A_70 = arith.constant 0 : i32
      %dma_wait3A_71 = tpu.memref_slice %arg8[%add3A_65, %dma_wait3A_70] : memref<2560x128xf32, #tpu.memory_space<hbm>> -> memref<64x128xf32, #tpu.memory_space<hbm>>
      tpu.wait_dma2 semaphore(%run_scoped3A : memref<!tpu.dma_semaphore, #tpu.memory_space<semaphore_mem>>) src(%arg16 : memref<64x128xf32, #tpu.memory_space<vmem>>) dst(%dma_wait3A_71 : memref<64x128xf32, #tpu.memory_space<hbm>>)
      tpu.yield
    }) : () -> ()
    return
  }
}

#map = affine_map<(d0, d1) -> (0, 0)>
#map1 = affine_map<(d0, d1) -> (0)>
module attributes {stable_mosaic.version = 14 : i64} {
  func.func @edge_kernel(%arg0: i32, %arg1: i32, %arg2: memref<10240x128xf32, #tpu.memory_space<hbm>>, %arg3: memref<10240x128xf32, #tpu.memory_space<hbm>>, %arg4: memref<331776xi32, #tpu.memory_space<hbm>>, %arg5: memref<331776xi32, #tpu.memory_space<hbm>>, %arg6: memref<128xf32, #tpu.memory_space<hbm>>, %arg7: memref<20480x128xf32, #tpu.memory_space<hbm>>, %arg8: memref<2560x128xf32, #tpu.memory_space<hbm>>, %arg9: memref<10240x128xf32, #tpu.memory_space<vmem_shared>>, %arg10: memref<1280x128xf32, #tpu.memory_space<vmem_shared>>, %arg11: memref<64xi32, #tpu.memory_space<vmem>>, %arg12: memref<64xi32, #tpu.memory_space<vmem>>, %arg13: memref<64xi32, #tpu.memory_space<vmem>>, %arg14: memref<64x128xf32, #tpu.memory_space<vmem>>, %arg15: memref<64x128xf32, #tpu.memory_space<vmem>>, %arg16: memref<64x128xf32, #tpu.memory_space<vmem>>, %arg17: memref<128xf32, #tpu.memory_space<vmem>>, %arg18: memref<!tpu.dma_semaphore, #tpu.memory_space<semaphore_mem>>, %arg19: memref<!tpu.dma_semaphore, #tpu.memory_space<semaphore_mem>>) attributes {dimension_semantics = [#tpu.dimension_semantics<core_parallel>, #tpu.dimension_semantics<subcore_parallel>], iteration_bounds = array<i64: 2, 16>, scalar_prefetch = 0 : i64, scratch_operands = 11 : i64, tpu.core_type = #tpu.core_type<sc_vector_subcore>, window_params = [{transform_indices = #map}, {transform_indices = #map}, {transform_indices = #map1}, {transform_indices = #map1}, {transform_indices = #map1}, {transform_indices = #map}, {transform_indices = #map}]} {
    %mul3A = arith.constant 16 : i32
    %mul3A_0 = arith.muli %arg0, %mul3A : i32
    %add3A = arith.addi %mul3A_0, %arg1 : i32
    %broadcast_in_dim3A = arith.constant 0.000000e+00 : f32
    %broadcast_in_dim3A_1 = vector.broadcast %broadcast_in_dim3A : f32 to vector<16xf32>
    %iota3A = tpu.iota {dimensions = array<i32: 0>} : vector<16xi32>
    %scan3A = arith.constant 0 : i32
    %scan3A_2 = arith.constant 64 : i32
    %scan3A_3 = arith.addi %scan3A, %scan3A_2 : i32
    %scan3A_4 = arith.constant 1 : i32
    scf.for %scan3A_66 = %scan3A to %scan3A_3 step %scan3A_4  : i32 {
      %mul3A_67 = arith.constant 1 : i32
      %mul3A_68 = arith.muli %scan3A_66, %mul3A_67 : i32
      %add3A_69 = arith.constant 0 : i32
      %add3A_70 = arith.addi %add3A_69, %mul3A_68 : i32
      %swap3A = arith.index_cast %add3A_70 : i32 to index
      %swap3A_71 = arith.constant 0 : index
      %swap3A_72 = tpu.vector_load %arg14[%swap3A, %swap3A_71] {strides = array<i32>} : memref<64x128xf32, #tpu.memory_space<vmem>>, vector<1x16xf32>,
      %swap3A_73 = vector.shape_cast %swap3A_72 : vector<1x16xf32> to vector<16xf32>
      %swap3A_74 = vector.shape_cast %broadcast_in_dim3A_1 : vector<16xf32> to vector<1x16xf32>
      tpu.vector_store %arg14[%swap3A, %swap3A_71], %swap3A_74 {strides = array<i32>} : memref<64x128xf32, #tpu.memory_space<vmem>>, vector<1x16xf32>,
      %swap3A_75 = arith.index_cast %add3A_70 : i32 to index
      %swap3A_76 = arith.constant 0 : index
      %swap3A_77 = tpu.vector_load %arg16[%swap3A_75, %swap3A_76] {strides = array<i32>} : memref<64x128xf32, #tpu.memory_space<vmem>>, vector<1x16xf32>,
      %swap3A_78 = vector.shape_cast %swap3A_77 : vector<1x16xf32> to vector<16xf32>
      %swap3A_79 = vector.shape_cast %broadcast_in_dim3A_1 : vector<16xf32> to vector<1x16xf32>
      tpu.vector_store %arg16[%swap3A_75, %swap3A_76], %swap3A_79 {strides = array<i32>} : memref<64x128xf32, #tpu.memory_space<vmem>>, vector<1x16xf32>,
      %swap3A_80 = arith.index_cast %add3A_70 : i32 to index
      %swap3A_81 = arith.constant 16 : index
      %swap3A_82 = tpu.vector_load %arg14[%swap3A_80, %swap3A_81] {strides = array<i32>} : memref<64x128xf32, #tpu.memory_space<vmem>>, vector<1x16xf32>,
      %swap3A_83 = vector.shape_cast %swap3A_82 : vector<1x16xf32> to vector<16xf32>
      %swap3A_84 = vector.shape_cast %broadcast_in_dim3A_1 : vector<16xf32> to vector<1x16xf32>
      tpu.vector_store %arg14[%swap3A_80, %swap3A_81], %swap3A_84 {strides = array<i32>} : memref<64x128xf32, #tpu.memory_space<vmem>>, vector<1x16xf32>,
      %swap3A_85 = arith.index_cast %add3A_70 : i32 to index
      %swap3A_86 = arith.constant 16 : index
      %swap3A_87 = tpu.vector_load %arg16[%swap3A_85, %swap3A_86] {strides = array<i32>} : memref<64x128xf32, #tpu.memory_space<vmem>>, vector<1x16xf32>,
      %swap3A_88 = vector.shape_cast %swap3A_87 : vector<1x16xf32> to vector<16xf32>
      %swap3A_89 = vector.shape_cast %broadcast_in_dim3A_1 : vector<16xf32> to vector<1x16xf32>
      tpu.vector_store %arg16[%swap3A_85, %swap3A_86], %swap3A_89 {strides = array<i32>} : memref<64x128xf32, #tpu.memory_space<vmem>>, vector<1x16xf32>,
      %swap3A_90 = arith.index_cast %add3A_70 : i32 to index
      %swap3A_91 = arith.constant 32 : index
      %swap3A_92 = tpu.vector_load %arg14[%swap3A_90, %swap3A_91] {strides = array<i32>} : memref<64x128xf32, #tpu.memory_space<vmem>>, vector<1x16xf32>,
      %swap3A_93 = vector.shape_cast %swap3A_92 : vector<1x16xf32> to vector<16xf32>
      %swap3A_94 = vector.shape_cast %broadcast_in_dim3A_1 : vector<16xf32> to vector<1x16xf32>
      tpu.vector_store %arg14[%swap3A_90, %swap3A_91], %swap3A_94 {strides = array<i32>} : memref<64x128xf32, #tpu.memory_space<vmem>>, vector<1x16xf32>,
      %swap3A_95 = arith.index_cast %add3A_70 : i32 to index
      %swap3A_96 = arith.constant 32 : index
      %swap3A_97 = tpu.vector_load %arg16[%swap3A_95, %swap3A_96] {strides = array<i32>} : memref<64x128xf32, #tpu.memory_space<vmem>>, vector<1x16xf32>,
      %swap3A_98 = vector.shape_cast %swap3A_97 : vector<1x16xf32> to vector<16xf32>
      %swap3A_99 = vector.shape_cast %broadcast_in_dim3A_1 : vector<16xf32> to vector<1x16xf32>
      tpu.vector_store %arg16[%swap3A_95, %swap3A_96], %swap3A_99 {strides = array<i32>} : memref<64x128xf32, #tpu.memory_space<vmem>>, vector<1x16xf32>,
      %swap3A_100 = arith.index_cast %add3A_70 : i32 to index
      %swap3A_101 = arith.constant 48 : index
      %swap3A_102 = tpu.vector_load %arg14[%swap3A_100, %swap3A_101] {strides = array<i32>} : memref<64x128xf32, #tpu.memory_space<vmem>>, vector<1x16xf32>,
      %swap3A_103 = vector.shape_cast %swap3A_102 : vector<1x16xf32> to vector<16xf32>
      %swap3A_104 = vector.shape_cast %broadcast_in_dim3A_1 : vector<16xf32> to vector<1x16xf32>
      tpu.vector_store %arg14[%swap3A_100, %swap3A_101], %swap3A_104 {strides = array<i32>} : memref<64x128xf32, #tpu.memory_space<vmem>>, vector<1x16xf32>,
      %swap3A_105 = arith.index_cast %add3A_70 : i32 to index
      %swap3A_106 = arith.constant 48 : index
      %swap3A_107 = tpu.vector_load %arg16[%swap3A_105, %swap3A_106] {strides = array<i32>} : memref<64x128xf32, #tpu.memory_space<vmem>>, vector<1x16xf32>,
      %swap3A_108 = vector.shape_cast %swap3A_107 : vector<1x16xf32> to vector<16xf32>
      %swap3A_109 = vector.shape_cast %broadcast_in_dim3A_1 : vector<16xf32> to vector<1x16xf32>
      tpu.vector_store %arg16[%swap3A_105, %swap3A_106], %swap3A_109 {strides = array<i32>} : memref<64x128xf32, #tpu.memory_space<vmem>>, vector<1x16xf32>,
      %swap3A_110 = arith.index_cast %add3A_70 : i32 to index
      %swap3A_111 = arith.constant 64 : index
      %swap3A_112 = tpu.vector_load %arg14[%swap3A_110, %swap3A_111] {strides = array<i32>} : memref<64x128xf32, #tpu.memory_space<vmem>>, vector<1x16xf32>,
      %swap3A_113 = vector.shape_cast %swap3A_112 : vector<1x16xf32> to vector<16xf32>
      %swap3A_114 = vector.shape_cast %broadcast_in_dim3A_1 : vector<16xf32> to vector<1x16xf32>
      tpu.vector_store %arg14[%swap3A_110, %swap3A_111], %swap3A_114 {strides = array<i32>} : memref<64x128xf32, #tpu.memory_space<vmem>>, vector<1x16xf32>,
      %swap3A_115 = arith.index_cast %add3A_70 : i32 to index
      %swap3A_116 = arith.constant 64 : index
      %swap3A_117 = tpu.vector_load %arg16[%swap3A_115, %swap3A_116] {strides = array<i32>} : memref<64x128xf32, #tpu.memory_space<vmem>>, vector<1x16xf32>,
      %swap3A_118 = vector.shape_cast %swap3A_117 : vector<1x16xf32> to vector<16xf32>
      %swap3A_119 = vector.shape_cast %broadcast_in_dim3A_1 : vector<16xf32> to vector<1x16xf32>
      tpu.vector_store %arg16[%swap3A_115, %swap3A_116], %swap3A_119 {strides = array<i32>} : memref<64x128xf32, #tpu.memory_space<vmem>>, vector<1x16xf32>,
      %swap3A_120 = arith.index_cast %add3A_70 : i32 to index
      %swap3A_121 = arith.constant 80 : index
      %swap3A_122 = tpu.vector_load %arg14[%swap3A_120, %swap3A_121] {strides = array<i32>} : memref<64x128xf32, #tpu.memory_space<vmem>>, vector<1x16xf32>,
      %swap3A_123 = vector.shape_cast %swap3A_122 : vector<1x16xf32> to vector<16xf32>
      %swap3A_124 = vector.shape_cast %broadcast_in_dim3A_1 : vector<16xf32> to vector<1x16xf32>
      tpu.vector_store %arg14[%swap3A_120, %swap3A_121], %swap3A_124 {strides = array<i32>} : memref<64x128xf32, #tpu.memory_space<vmem>>, vector<1x16xf32>,
      %swap3A_125 = arith.index_cast %add3A_70 : i32 to index
      %swap3A_126 = arith.constant 80 : index
      %swap3A_127 = tpu.vector_load %arg16[%swap3A_125, %swap3A_126] {strides = array<i32>} : memref<64x128xf32, #tpu.memory_space<vmem>>, vector<1x16xf32>,
      %swap3A_128 = vector.shape_cast %swap3A_127 : vector<1x16xf32> to vector<16xf32>
      %swap3A_129 = vector.shape_cast %broadcast_in_dim3A_1 : vector<16xf32> to vector<1x16xf32>
      tpu.vector_store %arg16[%swap3A_125, %swap3A_126], %swap3A_129 {strides = array<i32>} : memref<64x128xf32, #tpu.memory_space<vmem>>, vector<1x16xf32>,
      %swap3A_130 = arith.index_cast %add3A_70 : i32 to index
      %swap3A_131 = arith.constant 96 : index
      %swap3A_132 = tpu.vector_load %arg14[%swap3A_130, %swap3A_131] {strides = array<i32>} : memref<64x128xf32, #tpu.memory_space<vmem>>, vector<1x16xf32>,
      %swap3A_133 = vector.shape_cast %swap3A_132 : vector<1x16xf32> to vector<16xf32>
      %swap3A_134 = vector.shape_cast %broadcast_in_dim3A_1 : vector<16xf32> to vector<1x16xf32>
      tpu.vector_store %arg14[%swap3A_130, %swap3A_131], %swap3A_134 {strides = array<i32>} : memref<64x128xf32, #tpu.memory_space<vmem>>, vector<1x16xf32>,
      %swap3A_135 = arith.index_cast %add3A_70 : i32 to index
      %swap3A_136 = arith.constant 96 : index
      %swap3A_137 = tpu.vector_load %arg16[%swap3A_135, %swap3A_136] {strides = array<i32>} : memref<64x128xf32, #tpu.memory_space<vmem>>, vector<1x16xf32>,
      %swap3A_138 = vector.shape_cast %swap3A_137 : vector<1x16xf32> to vector<16xf32>
      %swap3A_139 = vector.shape_cast %broadcast_in_dim3A_1 : vector<16xf32> to vector<1x16xf32>
      tpu.vector_store %arg16[%swap3A_135, %swap3A_136], %swap3A_139 {strides = array<i32>} : memref<64x128xf32, #tpu.memory_space<vmem>>, vector<1x16xf32>,
      %swap3A_140 = arith.index_cast %add3A_70 : i32 to index
      %swap3A_141 = arith.constant 112 : index
      %swap3A_142 = tpu.vector_load %arg14[%swap3A_140, %swap3A_141] {strides = array<i32>} : memref<64x128xf32, #tpu.memory_space<vmem>>, vector<1x16xf32>,
      %swap3A_143 = vector.shape_cast %swap3A_142 : vector<1x16xf32> to vector<16xf32>
      %swap3A_144 = vector.shape_cast %broadcast_in_dim3A_1 : vector<16xf32> to vector<1x16xf32>
      tpu.vector_store %arg14[%swap3A_140, %swap3A_141], %swap3A_144 {strides = array<i32>} : memref<64x128xf32, #tpu.memory_space<vmem>>, vector<1x16xf32>,
      %swap3A_145 = arith.index_cast %add3A_70 : i32 to index
      %swap3A_146 = arith.constant 112 : index
      %swap3A_147 = tpu.vector_load %arg16[%swap3A_145, %swap3A_146] {strides = array<i32>} : memref<64x128xf32, #tpu.memory_space<vmem>>, vector<1x16xf32>,
      %swap3A_148 = vector.shape_cast %swap3A_147 : vector<1x16xf32> to vector<16xf32>
      %swap3A_149 = vector.shape_cast %broadcast_in_dim3A_1 : vector<16xf32> to vector<1x16xf32>
      tpu.vector_store %arg16[%swap3A_145, %swap3A_146], %swap3A_149 {strides = array<i32>} : memref<64x128xf32, #tpu.memory_space<vmem>>, vector<1x16xf32>,
    }
    %scan3A_5 = arith.constant 64 : i32
    %scan3A_6 = arith.constant 0 : i32
    %scan3A_7 = arith.constant 10 : i32
    %scan3A_8 = arith.addi %scan3A_6, %scan3A_7 : i32
    %scan3A_9 = arith.constant 1 : i32
    scf.for %scan3A_66 = %scan3A_6 to %scan3A_8 step %scan3A_9  : i32 {
      %mul3A_67 = arith.constant 1 : i32
      %mul3A_68 = arith.muli %scan3A_66, %mul3A_67 : i32
      %add3A_69 = arith.constant 0 : i32
      %add3A_70 = arith.addi %add3A_69, %mul3A_68 : i32
      %mul3A_71 = arith.constant 640 : i32
      %mul3A_72 = arith.muli %arg1, %mul3A_71 : i32
      %mul3A_73 = arith.constant 64 : i32
      %mul3A_74 = arith.muli %add3A_70, %mul3A_73 : i32
      %add3A_75 = arith.addi %mul3A_72, %mul3A_74 : i32
      "tpu.region"() ({
        %run_scoped3A = tpu.sem_alloc : memref<!tpu.dma_semaphore, #tpu.memory_space<semaphore_mem>>
        %dma_start3A = arith.constant 0 : i32
        %dma_start3A_76 = tpu.memref_slice %arg9[%add3A_75, %dma_start3A] : memref<10240x128xf32, #tpu.memory_space<vmem_shared>> -> memref<64x128xf32, #tpu.memory_space<vmem_shared>>
        %dma_start3A_77 = arith.constant 0 : i32
        %dma_start3A_78 = tpu.memref_slice %arg9[%add3A_75, %dma_start3A_77] : memref<10240x128xf32, #tpu.memory_space<vmem_shared>> -> memref<64x128xf32, #tpu.memory_space<vmem_shared>>
        tpu.enqueue_dma source(%arg14 : memref<64x128xf32, #tpu.memory_space<vmem>>) target(%dma_start3A_78 : memref<64x128xf32, #tpu.memory_space<vmem_shared>>) target_semaphore(%run_scoped3A : memref<!tpu.dma_semaphore, #tpu.memory_space<semaphore_mem>>)
        %dma_wait3A = arith.constant 0 : i32
        %dma_wait3A_79 = tpu.memref_slice %arg9[%add3A_75, %dma_wait3A] : memref<10240x128xf32, #tpu.memory_space<vmem_shared>> -> memref<64x128xf32, #tpu.memory_space<vmem_shared>>
        %dma_wait3A_80 = arith.constant 0 : i32
        %dma_wait3A_81 = tpu.memref_slice %arg9[%add3A_75, %dma_wait3A_80] : memref<10240x128xf32, #tpu.memory_space<vmem_shared>> -> memref<64x128xf32, #tpu.memory_space<vmem_shared>>
        tpu.wait_dma2 semaphore(%run_scoped3A : memref<!tpu.dma_semaphore, #tpu.memory_space<semaphore_mem>>) src(%arg14 : memref<64x128xf32, #tpu.memory_space<vmem>>) dst(%dma_wait3A_81 : memref<64x128xf32, #tpu.memory_space<vmem_shared>>)
        tpu.yield
      }) : () -> ()
    }
    %scan3A_10 = arith.constant 10 : i32
    %mul3A_11 = arith.constant 80 : i32
    %mul3A_12 = arith.muli %arg1, %mul3A_11 : i32
    "tpu.region"() ({
      %run_scoped3A = tpu.sem_alloc : memref<!tpu.dma_semaphore, #tpu.memory_space<semaphore_mem>>
      %dma_start3A = arith.constant 0 : i32
      %dma_start3A_66 = tpu.memref_slice %arg10[%mul3A_12, %dma_start3A] : memref<1280x128xf32, #tpu.memory_space<vmem_shared>> -> memref<64x128xf32, #tpu.memory_space<vmem_shared>>
      %dma_start3A_67 = arith.constant 0 : i32
      %dma_start3A_68 = tpu.memref_slice %arg10[%mul3A_12, %dma_start3A_67] : memref<1280x128xf32, #tpu.memory_space<vmem_shared>> -> memref<64x128xf32, #tpu.memory_space<vmem_shared>>
      tpu.enqueue_dma source(%arg16 : memref<64x128xf32, #tpu.memory_space<vmem>>) target(%dma_start3A_68 : memref<64x128xf32, #tpu.memory_space<vmem_shared>>) target_semaphore(%run_scoped3A : memref<!tpu.dma_semaphore, #tpu.memory_space<semaphore_mem>>)
      %dma_wait3A = arith.constant 0 : i32
      %dma_wait3A_69 = tpu.memref_slice %arg10[%mul3A_12, %dma_wait3A] : memref<1280x128xf32, #tpu.memory_space<vmem_shared>> -> memref<64x128xf32, #tpu.memory_space<vmem_shared>>
      %dma_wait3A_70 = arith.constant 0 : i32
      %dma_wait3A_71 = tpu.memref_slice %arg10[%mul3A_12, %dma_wait3A_70] : memref<1280x128xf32, #tpu.memory_space<vmem_shared>> -> memref<64x128xf32, #tpu.memory_space<vmem_shared>>
      tpu.wait_dma2 semaphore(%run_scoped3A : memref<!tpu.dma_semaphore, #tpu.memory_space<semaphore_mem>>) src(%arg16 : memref<64x128xf32, #tpu.memory_space<vmem>>) dst(%dma_wait3A_71 : memref<64x128xf32, #tpu.memory_space<vmem_shared>>)
      tpu.yield
    }) : () -> ()
    %mul3A_13 = arith.constant 80 : i32
    %mul3A_14 = arith.muli %arg1, %mul3A_13 : i32
    %add3A_15 = arith.constant 80 : i32
    %add3A_16 = arith.addi %mul3A_14, %add3A_15 : i32
    %sub3A = arith.constant 64 : i32
    %sub3A_17 = arith.subi %add3A_16, %sub3A : i32
    "tpu.region"() ({
      %run_scoped3A = tpu.sem_alloc : memref<!tpu.dma_semaphore, #tpu.memory_space<semaphore_mem>>
      %dma_start3A = arith.constant 0 : i32
      %dma_start3A_66 = tpu.memref_slice %arg10[%sub3A_17, %dma_start3A] : memref<1280x128xf32, #tpu.memory_space<vmem_shared>> -> memref<64x128xf32, #tpu.memory_space<vmem_shared>>
      %dma_start3A_67 = arith.constant 0 : i32
      %dma_start3A_68 = tpu.memref_slice %arg10[%sub3A_17, %dma_start3A_67] : memref<1280x128xf32, #tpu.memory_space<vmem_shared>> -> memref<64x128xf32, #tpu.memory_space<vmem_shared>>
      tpu.enqueue_dma source(%arg16 : memref<64x128xf32, #tpu.memory_space<vmem>>) target(%dma_start3A_68 : memref<64x128xf32, #tpu.memory_space<vmem_shared>>) target_semaphore(%run_scoped3A : memref<!tpu.dma_semaphore, #tpu.memory_space<semaphore_mem>>)
      %dma_wait3A = arith.constant 0 : i32
      %dma_wait3A_69 = tpu.memref_slice %arg10[%sub3A_17, %dma_wait3A] : memref<1280x128xf32, #tpu.memory_space<vmem_shared>> -> memref<64x128xf32, #tpu.memory_space<vmem_shared>>
      %dma_wait3A_70 = arith.constant 0 : i32
      %dma_wait3A_71 = tpu.memref_slice %arg10[%sub3A_17, %dma_wait3A_70] : memref<1280x128xf32, #tpu.memory_space<vmem_shared>> -> memref<64x128xf32, #tpu.memory_space<vmem_shared>>
      tpu.wait_dma2 semaphore(%run_scoped3A : memref<!tpu.dma_semaphore, #tpu.memory_space<semaphore_mem>>) src(%arg16 : memref<64x128xf32, #tpu.memory_space<vmem>>) dst(%dma_wait3A_71 : memref<64x128xf32, #tpu.memory_space<vmem_shared>>)
      tpu.yield
    }) : () -> ()
    "tpu.region"() ({
      %run_scoped3A = tpu.sem_alloc : memref<!tpu.dma_semaphore, #tpu.memory_space<semaphore_mem>>
      tpu.enqueue_dma source(%arg6 : memref<128xf32, #tpu.memory_space<hbm>>) target(%arg17 : memref<128xf32, #tpu.memory_space<vmem>>) target_semaphore(%run_scoped3A : memref<!tpu.dma_semaphore, #tpu.memory_space<semaphore_mem>>)
      tpu.wait_dma2 semaphore(%run_scoped3A : memref<!tpu.dma_semaphore, #tpu.memory_space<semaphore_mem>>) src(%arg6 : memref<128xf32, #tpu.memory_space<hbm>>) dst(%arg17 : memref<128xf32, #tpu.memory_space<vmem>>)
      tpu.yield
    }) : () -> ()
    %barrier3A = arith.constant 0 : index
    tpu.barrier barrier_id(%barrier3A)
    %get3A = arith.constant 0 : index
    %get3A_18 = tpu.vector_load %arg17[%get3A] {strides = array<i32>} : memref<128xf32, #tpu.memory_space<vmem>>, vector<16xf32>,
    %get3A_19 = vector.shape_cast %get3A_18 : vector<16xf32> to vector<16xf32>
    %get3A_20 = arith.constant 16 : index
    %get3A_21 = tpu.vector_load %arg17[%get3A_20] {strides = array<i32>} : memref<128xf32, #tpu.memory_space<vmem>>, vector<16xf32>,
    %get3A_22 = vector.shape_cast %get3A_21 : vector<16xf32> to vector<16xf32>
    %get3A_23 = arith.constant 32 : index
    %get3A_24 = tpu.vector_load %arg17[%get3A_23] {strides = array<i32>} : memref<128xf32, #tpu.memory_space<vmem>>, vector<16xf32>,
    %get3A_25 = vector.shape_cast %get3A_24 : vector<16xf32> to vector<16xf32>
    %get3A_26 = arith.constant 48 : index
    %get3A_27 = tpu.vector_load %arg17[%get3A_26] {strides = array<i32>} : memref<128xf32, #tpu.memory_space<vmem>>, vector<16xf32>,
    %get3A_28 = vector.shape_cast %get3A_27 : vector<16xf32> to vector<16xf32>
    %get3A_29 = arith.constant 64 : index
    %get3A_30 = tpu.vector_load %arg17[%get3A_29] {strides = array<i32>} : memref<128xf32, #tpu.memory_space<vmem>>, vector<16xf32>,
    %get3A_31 = vector.shape_cast %get3A_30 : vector<16xf32> to vector<16xf32>
    %get3A_32 = arith.constant 80 : index
    %get3A_33 = tpu.vector_load %arg17[%get3A_32] {strides = array<i32>} : memref<128xf32, #tpu.memory_space<vmem>>, vector<16xf32>,
    %get3A_34 = vector.shape_cast %get3A_33 : vector<16xf32> to vector<16xf32>
    %get3A_35 = arith.constant 96 : index
    %get3A_36 = tpu.vector_load %arg17[%get3A_35] {strides = array<i32>} : memref<128xf32, #tpu.memory_space<vmem>>, vector<16xf32>,
    %get3A_37 = vector.shape_cast %get3A_36 : vector<16xf32> to vector<16xf32>
    %get3A_38 = arith.constant 112 : index
    %get3A_39 = tpu.vector_load %arg17[%get3A_38] {strides = array<i32>} : memref<128xf32, #tpu.memory_space<vmem>>, vector<16xf32>,
    %get3A_40 = vector.shape_cast %get3A_39 : vector<16xf32> to vector<16xf32>
    %scan3A_41 = arith.constant 0 : i32
    %scan3A_42 = arith.constant 162 : i32
    %scan3A_43 = arith.addi %scan3A_41, %scan3A_42 : i32
    %scan3A_44 = arith.constant 1 : i32
    scf.for %scan3A_66 = %scan3A_41 to %scan3A_43 step %scan3A_44  : i32 {
      %mul3A_67 = arith.constant 1 : i32
      %mul3A_68 = arith.muli %scan3A_66, %mul3A_67 : i32
      %add3A_69 = arith.constant 0 : i32
      %add3A_70 = arith.addi %add3A_69, %mul3A_68 : i32
      %mul3A_71 = arith.constant 162 : i32
      %mul3A_72 = arith.muli %add3A, %mul3A_71 : i32
      %add3A_73 = arith.addi %mul3A_72, %add3A_70 : i32
      %mul3A_74 = arith.constant 64 : i32
      %mul3A_75 = arith.muli %add3A_73, %mul3A_74 : i32
      "tpu.region"() ({
        %run_scoped3A = tpu.sem_alloc : memref<!tpu.dma_semaphore, #tpu.memory_space<semaphore_mem>>
        %dma_start3A_96 = tpu.memref_slice %arg4[%mul3A_75] : memref<331776xi32, #tpu.memory_space<hbm>> -> memref<64xi32, #tpu.memory_space<hbm>>
        %dma_start3A_97 = tpu.memref_slice %arg4[%mul3A_75] : memref<331776xi32, #tpu.memory_space<hbm>> -> memref<64xi32, #tpu.memory_space<hbm>>
        tpu.enqueue_dma source(%dma_start3A_97 : memref<64xi32, #tpu.memory_space<hbm>>) target(%arg11 : memref<64xi32, #tpu.memory_space<vmem>>) target_semaphore(%run_scoped3A : memref<!tpu.dma_semaphore, #tpu.memory_space<semaphore_mem>>)
        %dma_wait3A_98 = tpu.memref_slice %arg4[%mul3A_75] : memref<331776xi32, #tpu.memory_space<hbm>> -> memref<64xi32, #tpu.memory_space<hbm>>
        %dma_wait3A_99 = tpu.memref_slice %arg4[%mul3A_75] : memref<331776xi32, #tpu.memory_space<hbm>> -> memref<64xi32, #tpu.memory_space<hbm>>
        tpu.wait_dma2 semaphore(%run_scoped3A : memref<!tpu.dma_semaphore, #tpu.memory_space<semaphore_mem>>) src(%dma_wait3A_99 : memref<64xi32, #tpu.memory_space<hbm>>) dst(%arg11 : memref<64xi32, #tpu.memory_space<vmem>>)
        tpu.yield
      }) : () -> ()
      "tpu.region"() ({
        %run_scoped3A = tpu.sem_alloc : memref<!tpu.dma_semaphore, #tpu.memory_space<semaphore_mem>>
        %dma_start3A_96 = tpu.memref_slice %arg5[%mul3A_75] : memref<331776xi32, #tpu.memory_space<hbm>> -> memref<64xi32, #tpu.memory_space<hbm>>
        %dma_start3A_97 = tpu.memref_slice %arg5[%mul3A_75] : memref<331776xi32, #tpu.memory_space<hbm>> -> memref<64xi32, #tpu.memory_space<hbm>>
        tpu.enqueue_dma source(%dma_start3A_97 : memref<64xi32, #tpu.memory_space<hbm>>) target(%arg12 : memref<64xi32, #tpu.memory_space<vmem>>) target_semaphore(%run_scoped3A : memref<!tpu.dma_semaphore, #tpu.memory_space<semaphore_mem>>)
        %dma_wait3A_98 = tpu.memref_slice %arg5[%mul3A_75] : memref<331776xi32, #tpu.memory_space<hbm>> -> memref<64xi32, #tpu.memory_space<hbm>>
        %dma_wait3A_99 = tpu.memref_slice %arg5[%mul3A_75] : memref<331776xi32, #tpu.memory_space<hbm>> -> memref<64xi32, #tpu.memory_space<hbm>>
        tpu.wait_dma2 semaphore(%run_scoped3A : memref<!tpu.dma_semaphore, #tpu.memory_space<semaphore_mem>>) src(%dma_wait3A_99 : memref<64xi32, #tpu.memory_space<hbm>>) dst(%arg12 : memref<64xi32, #tpu.memory_space<vmem>>)
        tpu.yield
      }) : () -> ()
      %dma_start3A = arith.constant 0 : i32
      %dma_start3A_76 = arith.constant 0 : i32
      %dma_start3A_77 = tpu.memref_slice %arg2[%dma_start3A, %dma_start3A_76] : memref<10240x128xf32, #tpu.memory_space<hbm>> -> memref<10240x128xf32, #tpu.memory_space<hbm>>
      tpu.enqueue_indirect_dma source(%dma_start3A_77 : memref<10240x128xf32, #tpu.memory_space<hbm>>) target(%arg14 : memref<64x128xf32, #tpu.memory_space<vmem>>) offsets(%arg11 : memref<64xi32, #tpu.memory_space<vmem>>) semaphore(%arg18 : memref<!tpu.dma_semaphore, #tpu.memory_space<semaphore_mem>>)
      %dma_start3A_78 = arith.constant 0 : i32
      %dma_start3A_79 = arith.constant 0 : i32
      %dma_start3A_80 = tpu.memref_slice %arg3[%dma_start3A_78, %dma_start3A_79] : memref<10240x128xf32, #tpu.memory_space<hbm>> -> memref<10240x128xf32, #tpu.memory_space<hbm>>
      tpu.enqueue_indirect_dma source(%dma_start3A_80 : memref<10240x128xf32, #tpu.memory_space<hbm>>) target(%arg15 : memref<64x128xf32, #tpu.memory_space<vmem>>) offsets(%arg12 : memref<64xi32, #tpu.memory_space<vmem>>) semaphore(%arg19 : memref<!tpu.dma_semaphore, #tpu.memory_space<semaphore_mem>>)
      %dma_wait3A = arith.constant 0 : i32
      %dma_wait3A_81 = arith.constant 0 : i32
      %dma_wait3A_82 = tpu.memref_slice %arg2[%dma_wait3A, %dma_wait3A_81] : memref<10240x128xf32, #tpu.memory_space<hbm>> -> memref<10240x128xf32, #tpu.memory_space<hbm>>
      tpu.wait_indirect_dma semaphore(%arg18 : memref<!tpu.dma_semaphore, #tpu.memory_space<semaphore_mem>>) src(%dma_wait3A_82 : memref<10240x128xf32, #tpu.memory_space<hbm>>) dst(%arg14 : memref<64x128xf32, #tpu.memory_space<vmem>>)
      %dma_wait3A_83 = arith.constant 0 : i32
      %dma_wait3A_84 = arith.constant 0 : i32
      %dma_wait3A_85 = tpu.memref_slice %arg3[%dma_wait3A_83, %dma_wait3A_84] : memref<10240x128xf32, #tpu.memory_space<hbm>> -> memref<10240x128xf32, #tpu.memory_space<hbm>>
      tpu.wait_indirect_dma semaphore(%arg19 : memref<!tpu.dma_semaphore, #tpu.memory_space<semaphore_mem>>) src(%dma_wait3A_85 : memref<10240x128xf32, #tpu.memory_space<hbm>>) dst(%arg15 : memref<64x128xf32, #tpu.memory_space<vmem>>)
      %scan3A_86 = arith.constant 0 : i32
      %scan3A_87 = arith.constant 4 : i32
      %scan3A_88 = arith.addi %scan3A_86, %scan3A_87 : i32
      %scan3A_89 = arith.constant 1 : i32
      scf.for %scan3A_96 = %scan3A_86 to %scan3A_88 step %scan3A_89  : i32 {
        %mul3A_97 = arith.constant 1 : i32
        %mul3A_98 = arith.muli %scan3A_96, %mul3A_97 : i32
        %add3A_99 = arith.constant 0 : i32
        %add3A_100 = arith.addi %add3A_99, %mul3A_98 : i32
        %mul3A_101 = arith.constant 16 : i32
        %mul3A_102 = arith.muli %mul3A_101, %add3A_100 : i32
        %get3A_103 = arith.index_cast %mul3A_102 : i32 to index
        %get3A_104 = tpu.vector_load %arg12[%get3A_103] {strides = array<i32>} : memref<64xi32, #tpu.memory_space<vmem>>, vector<16xi32>,
        %get3A_105 = vector.shape_cast %get3A_104 : vector<16xi32> to vector<16xi32>
        %shift_right_logical3A = arith.constant 3 : i32
        %shift_right_logical3A_106 = vector.broadcast %shift_right_logical3A : i32 to vector<16xi32>
        %shift_right_logical3A_107 = arith.shrui %get3A_105, %shift_right_logical3A_106 : vector<16xi32>
        %mul3A_108 = arith.constant 16 : i32
        %mul3A_109 = arith.muli %mul3A_108, %add3A_100 : i32
        %swap3A = arith.index_cast %mul3A_109 : i32 to index
        %swap3A_110 = tpu.vector_load %arg13[%swap3A] {strides = array<i32>} : memref<64xi32, #tpu.memory_space<vmem>>, vector<16xi32>,
        %swap3A_111 = vector.shape_cast %swap3A_110 : vector<16xi32> to vector<16xi32>
        %swap3A_112 = vector.shape_cast %shift_right_logical3A_107 : vector<16xi32> to vector<16xi32>
        tpu.vector_store %arg13[%swap3A], %swap3A_112 {strides = array<i32>} : memref<64xi32, #tpu.memory_space<vmem>>, vector<16xi32>,
      }
      %scan3A_90 = arith.constant 4 : i32
      %scan3A_91 = arith.constant 0 : i32
      %scan3A_92 = arith.constant 64 : i32
      %scan3A_93 = arith.addi %scan3A_91, %scan3A_92 : i32
      %scan3A_94 = arith.constant 1 : i32
      scf.for %scan3A_96 = %scan3A_91 to %scan3A_93 step %scan3A_94  : i32 {
        %mul3A_97 = arith.constant 1 : i32
        %mul3A_98 = arith.muli %scan3A_96, %mul3A_97 : i32
        %add3A_99 = arith.constant 0 : i32
        %add3A_100 = arith.addi %add3A_99, %mul3A_98 : i32
        %get3A_101 = arith.index_cast %add3A_100 : i32 to index
        %get3A_102 = arith.constant 0 : index
        %get3A_103 = tpu.vector_load %arg14[%get3A_101, %get3A_102] {strides = array<i32>} : memref<64x128xf32, #tpu.memory_space<vmem>>, vector<1x16xf32>,
        %get3A_104 = vector.shape_cast %get3A_103 : vector<1x16xf32> to vector<16xf32>
        %get3A_105 = arith.index_cast %add3A_100 : i32 to index
        %get3A_106 = arith.constant 0 : index
        %get3A_107 = tpu.vector_load %arg15[%get3A_105, %get3A_106] {strides = array<i32>} : memref<64x128xf32, #tpu.memory_space<vmem>>, vector<1x16xf32>,
        %get3A_108 = vector.shape_cast %get3A_107 : vector<1x16xf32> to vector<16xf32>
        %add3A_109 = arith.addf %get3A_104, %get3A_108 : vector<16xf32>
        %mul3A_110 = arith.constant 2.000000e-01 : f32
        %mul3A_111 = vector.broadcast %mul3A_110 : f32 to vector<16xf32>
        %mul3A_112 = arith.mulf %mul3A_111, %add3A_109 : vector<16xf32>
        %max3A = arith.maximumf %add3A_109, %mul3A_112 : vector<16xf32>
        %mul3A_113 = arith.mulf %get3A_19, %max3A : vector<16xf32>
        %get3A_114 = arith.index_cast %add3A_100 : i32 to index
        %get3A_115 = arith.constant 16 : index
        %get3A_116 = tpu.vector_load %arg14[%get3A_114, %get3A_115] {strides = array<i32>} : memref<64x128xf32, #tpu.memory_space<vmem>>, vector<1x16xf32>,
        %get3A_117 = vector.shape_cast %get3A_116 : vector<1x16xf32> to vector<16xf32>
        %get3A_118 = arith.index_cast %add3A_100 : i32 to index
        %get3A_119 = arith.constant 16 : index
        %get3A_120 = tpu.vector_load %arg15[%get3A_118, %get3A_119] {strides = array<i32>} : memref<64x128xf32, #tpu.memory_space<vmem>>, vector<1x16xf32>,
        %get3A_121 = vector.shape_cast %get3A_120 : vector<1x16xf32> to vector<16xf32>
        %add3A_122 = arith.addf %get3A_117, %get3A_121 : vector<16xf32>
        %mul3A_123 = arith.constant 2.000000e-01 : f32
        %mul3A_124 = vector.broadcast %mul3A_123 : f32 to vector<16xf32>
        %mul3A_125 = arith.mulf %mul3A_124, %add3A_122 : vector<16xf32>
        %max3A_126 = arith.maximumf %add3A_122, %mul3A_125 : vector<16xf32>
        %mul3A_127 = arith.mulf %get3A_22, %max3A_126 : vector<16xf32>
        %get3A_128 = arith.index_cast %add3A_100 : i32 to index
        %get3A_129 = arith.constant 32 : index
        %get3A_130 = tpu.vector_load %arg14[%get3A_128, %get3A_129] {strides = array<i32>} : memref<64x128xf32, #tpu.memory_space<vmem>>, vector<1x16xf32>,
        %get3A_131 = vector.shape_cast %get3A_130 : vector<1x16xf32> to vector<16xf32>
        %get3A_132 = arith.index_cast %add3A_100 : i32 to index
        %get3A_133 = arith.constant 32 : index
        %get3A_134 = tpu.vector_load %arg15[%get3A_132, %get3A_133] {strides = array<i32>} : memref<64x128xf32, #tpu.memory_space<vmem>>, vector<1x16xf32>,
        %get3A_135 = vector.shape_cast %get3A_134 : vector<1x16xf32> to vector<16xf32>
        %add3A_136 = arith.addf %get3A_131, %get3A_135 : vector<16xf32>
        %mul3A_137 = arith.constant 2.000000e-01 : f32
        %mul3A_138 = vector.broadcast %mul3A_137 : f32 to vector<16xf32>
        %mul3A_139 = arith.mulf %mul3A_138, %add3A_136 : vector<16xf32>
        %max3A_140 = arith.maximumf %add3A_136, %mul3A_139 : vector<16xf32>
        %mul3A_141 = arith.mulf %get3A_25, %max3A_140 : vector<16xf32>
        %get3A_142 = arith.index_cast %add3A_100 : i32 to index
        %get3A_143 = arith.constant 48 : index
        %get3A_144 = tpu.vector_load %arg14[%get3A_142, %get3A_143] {strides = array<i32>} : memref<64x128xf32, #tpu.memory_space<vmem>>, vector<1x16xf32>,
        %get3A_145 = vector.shape_cast %get3A_144 : vector<1x16xf32> to vector<16xf32>
        %get3A_146 = arith.index_cast %add3A_100 : i32 to index
        %get3A_147 = arith.constant 48 : index
        %get3A_148 = tpu.vector_load %arg15[%get3A_146, %get3A_147] {strides = array<i32>} : memref<64x128xf32, #tpu.memory_space<vmem>>, vector<1x16xf32>,
        %get3A_149 = vector.shape_cast %get3A_148 : vector<1x16xf32> to vector<16xf32>
        %add3A_150 = arith.addf %get3A_145, %get3A_149 : vector<16xf32>
        %mul3A_151 = arith.constant 2.000000e-01 : f32
        %mul3A_152 = vector.broadcast %mul3A_151 : f32 to vector<16xf32>
        %mul3A_153 = arith.mulf %mul3A_152, %add3A_150 : vector<16xf32>
        %max3A_154 = arith.maximumf %add3A_150, %mul3A_153 : vector<16xf32>
        %mul3A_155 = arith.mulf %get3A_28, %max3A_154 : vector<16xf32>
        %get3A_156 = arith.index_cast %add3A_100 : i32 to index
        %get3A_157 = arith.constant 64 : index
        %get3A_158 = tpu.vector_load %arg14[%get3A_156, %get3A_157] {strides = array<i32>} : memref<64x128xf32, #tpu.memory_space<vmem>>, vector<1x16xf32>,
        %get3A_159 = vector.shape_cast %get3A_158 : vector<1x16xf32> to vector<16xf32>
        %get3A_160 = arith.index_cast %add3A_100 : i32 to index
        %get3A_161 = arith.constant 64 : index
        %get3A_162 = tpu.vector_load %arg15[%get3A_160, %get3A_161] {strides = array<i32>} : memref<64x128xf32, #tpu.memory_space<vmem>>, vector<1x16xf32>,
        %get3A_163 = vector.shape_cast %get3A_162 : vector<1x16xf32> to vector<16xf32>
        %add3A_164 = arith.addf %get3A_159, %get3A_163 : vector<16xf32>
        %mul3A_165 = arith.constant 2.000000e-01 : f32
        %mul3A_166 = vector.broadcast %mul3A_165 : f32 to vector<16xf32>
        %mul3A_167 = arith.mulf %mul3A_166, %add3A_164 : vector<16xf32>
        %max3A_168 = arith.maximumf %add3A_164, %mul3A_167 : vector<16xf32>
        %mul3A_169 = arith.mulf %get3A_31, %max3A_168 : vector<16xf32>
        %get3A_170 = arith.index_cast %add3A_100 : i32 to index
        %get3A_171 = arith.constant 80 : index
        %get3A_172 = tpu.vector_load %arg14[%get3A_170, %get3A_171] {strides = array<i32>} : memref<64x128xf32, #tpu.memory_space<vmem>>, vector<1x16xf32>,
        %get3A_173 = vector.shape_cast %get3A_172 : vector<1x16xf32> to vector<16xf32>
        %get3A_174 = arith.index_cast %add3A_100 : i32 to index
        %get3A_175 = arith.constant 80 : index
        %get3A_176 = tpu.vector_load %arg15[%get3A_174, %get3A_175] {strides = array<i32>} : memref<64x128xf32, #tpu.memory_space<vmem>>, vector<1x16xf32>,
        %get3A_177 = vector.shape_cast %get3A_176 : vector<1x16xf32> to vector<16xf32>
        %add3A_178 = arith.addf %get3A_173, %get3A_177 : vector<16xf32>
        %mul3A_179 = arith.constant 2.000000e-01 : f32
        %mul3A_180 = vector.broadcast %mul3A_179 : f32 to vector<16xf32>
        %mul3A_181 = arith.mulf %mul3A_180, %add3A_178 : vector<16xf32>
        %max3A_182 = arith.maximumf %add3A_178, %mul3A_181 : vector<16xf32>
        %mul3A_183 = arith.mulf %get3A_34, %max3A_182 : vector<16xf32>
        %get3A_184 = arith.index_cast %add3A_100 : i32 to index
        %get3A_185 = arith.constant 96 : index
        %get3A_186 = tpu.vector_load %arg14[%get3A_184, %get3A_185] {strides = array<i32>} : memref<64x128xf32, #tpu.memory_space<vmem>>, vector<1x16xf32>,
        %get3A_187 = vector.shape_cast %get3A_186 : vector<1x16xf32> to vector<16xf32>
        %get3A_188 = arith.index_cast %add3A_100 : i32 to index
        %get3A_189 = arith.constant 96 : index
        %get3A_190 = tpu.vector_load %arg15[%get3A_188, %get3A_189] {strides = array<i32>} : memref<64x128xf32, #tpu.memory_space<vmem>>, vector<1x16xf32>,
        %get3A_191 = vector.shape_cast %get3A_190 : vector<1x16xf32> to vector<16xf32>
        %add3A_192 = arith.addf %get3A_187, %get3A_191 : vector<16xf32>
        %mul3A_193 = arith.constant 2.000000e-01 : f32
        %mul3A_194 = vector.broadcast %mul3A_193 : f32 to vector<16xf32>
        %mul3A_195 = arith.mulf %mul3A_194, %add3A_192 : vector<16xf32>
        %max3A_196 = arith.maximumf %add3A_192, %mul3A_195 : vector<16xf32>
        %mul3A_197 = arith.mulf %get3A_37, %max3A_196 : vector<16xf32>
        %get3A_198 = arith.index_cast %add3A_100 : i32 to index
        %get3A_199 = arith.constant 112 : index
        %get3A_200 = tpu.vector_load %arg14[%get3A_198, %get3A_199] {strides = array<i32>} : memref<64x128xf32, #tpu.memory_space<vmem>>, vector<1x16xf32>,
        %get3A_201 = vector.shape_cast %get3A_200 : vector<1x16xf32> to vector<16xf32>
        %get3A_202 = arith.index_cast %add3A_100 : i32 to index
        %get3A_203 = arith.constant 112 : index
        %get3A_204 = tpu.vector_load %arg15[%get3A_202, %get3A_203] {strides = array<i32>} : memref<64x128xf32, #tpu.memory_space<vmem>>, vector<1x16xf32>,
        %get3A_205 = vector.shape_cast %get3A_204 : vector<1x16xf32> to vector<16xf32>
        %add3A_206 = arith.addf %get3A_201, %get3A_205 : vector<16xf32>
        %mul3A_207 = arith.constant 2.000000e-01 : f32
        %mul3A_208 = vector.broadcast %mul3A_207 : f32 to vector<16xf32>
        %mul3A_209 = arith.mulf %mul3A_208, %add3A_206 : vector<16xf32>
        %max3A_210 = arith.maximumf %add3A_206, %mul3A_209 : vector<16xf32>
        %mul3A_211 = arith.mulf %get3A_40, %max3A_210 : vector<16xf32>
        %broadcast_in_dim3A_212 = arith.constant 0.000000e+00 : f32
        %broadcast_in_dim3A_213 = vector.broadcast %broadcast_in_dim3A_212 : f32 to vector<16xf32>
        %add3A_214 = arith.addf %mul3A_113, %mul3A_127 : vector<16xf32>
        %add3A_215 = arith.addf %add3A_214, %mul3A_141 : vector<16xf32>
        %add3A_216 = arith.addf %add3A_215, %mul3A_155 : vector<16xf32>
        %add3A_217 = arith.addf %add3A_216, %mul3A_169 : vector<16xf32>
        %add3A_218 = arith.addf %add3A_217, %mul3A_183 : vector<16xf32>
        %add3A_219 = arith.addf %add3A_218, %mul3A_197 : vector<16xf32>
        %add3A_220 = arith.addf %add3A_219, %mul3A_211 : vector<16xf32>
        %xor3A = arith.constant 1 : i32
        %xor3A_221 = vector.broadcast %xor3A : i32 to vector<16xi32>
        %xor3A_222 = arith.xori %iota3A, %xor3A_221 : vector<16xi32>
        %broadcast_in_dim3A_223 = vector.shape_cast %xor3A_222 : vector<16xi32> to vector<16x1xi32>
        %gather3A = vector.shape_cast %broadcast_in_dim3A_223 : vector<16x1xi32> to vector<16xi32>
        %gather3A_224 = tpu.dynamic_gather %add3A_220[%gather3A] in [0] : vector<16xf32>, vector<16xi32> -> vector<16xf32>
        %add3A_225 = arith.addf %add3A_220, %gather3A_224 : vector<16xf32>
        %xor3A_226 = arith.constant 2 : i32
        %xor3A_227 = vector.broadcast %xor3A_226 : i32 to vector<16xi32>
        %xor3A_228 = arith.xori %iota3A, %xor3A_227 : vector<16xi32>
        %broadcast_in_dim3A_229 = vector.shape_cast %xor3A_228 : vector<16xi32> to vector<16x1xi32>
        %gather3A_230 = vector.shape_cast %broadcast_in_dim3A_229 : vector<16x1xi32> to vector<16xi32>
        %gather3A_231 = tpu.dynamic_gather %add3A_225[%gather3A_230] in [0] : vector<16xf32>, vector<16xi32> -> vector<16xf32>
        %add3A_232 = arith.addf %add3A_225, %gather3A_231 : vector<16xf32>
        %xor3A_233 = arith.constant 4 : i32
        %xor3A_234 = vector.broadcast %xor3A_233 : i32 to vector<16xi32>
        %xor3A_235 = arith.xori %iota3A, %xor3A_234 : vector<16xi32>
        %broadcast_in_dim3A_236 = vector.shape_cast %xor3A_235 : vector<16xi32> to vector<16x1xi32>
        %gather3A_237 = vector.shape_cast %broadcast_in_dim3A_236 : vector<16x1xi32> to vector<16xi32>
        %gather3A_238 = tpu.dynamic_gather %add3A_232[%gather3A_237] in [0] : vector<16xf32>, vector<16xi32> -> vector<16xf32>
        %add3A_239 = arith.addf %add3A_232, %gather3A_238 : vector<16xf32>
        %xor3A_240 = arith.constant 8 : i32
        %xor3A_241 = vector.broadcast %xor3A_240 : i32 to vector<16xi32>
        %xor3A_242 = arith.xori %iota3A, %xor3A_241 : vector<16xi32>
        %broadcast_in_dim3A_243 = vector.shape_cast %xor3A_242 : vector<16xi32> to vector<16x1xi32>
        %gather3A_244 = vector.shape_cast %broadcast_in_dim3A_243 : vector<16x1xi32> to vector<16xi32>
        %gather3A_245 = tpu.dynamic_gather %add3A_239[%gather3A_244] in [0] : vector<16xf32>, vector<16xi32> -> vector<16xf32>
        %add3A_246 = arith.addf %add3A_239, %gather3A_245 : vector<16xf32>
        %exp3A = math.exp %add3A_246 : vector<16xf32>
        %mul3A_247 = arith.mulf %exp3A, %get3A_104 : vector<16xf32>
        %swap3A = arith.index_cast %add3A_100 : i32 to index
        %swap3A_248 = arith.constant 0 : index
        %swap3A_249 = tpu.vector_load %arg14[%swap3A, %swap3A_248] {strides = array<i32>} : memref<64x128xf32, #tpu.memory_space<vmem>>, vector<1x16xf32>,
        %swap3A_250 = vector.shape_cast %swap3A_249 : vector<1x16xf32> to vector<16xf32>
        %swap3A_251 = vector.shape_cast %mul3A_247 : vector<16xf32> to vector<1x16xf32>
        tpu.vector_store %arg14[%swap3A, %swap3A_248], %swap3A_251 {strides = array<i32>} : memref<64x128xf32, #tpu.memory_space<vmem>>, vector<1x16xf32>,
        %mul3A_252 = arith.mulf %exp3A, %get3A_117 : vector<16xf32>
        %swap3A_253 = arith.index_cast %add3A_100 : i32 to index
        %swap3A_254 = arith.constant 16 : index
        %swap3A_255 = tpu.vector_load %arg14[%swap3A_253, %swap3A_254] {strides = array<i32>} : memref<64x128xf32, #tpu.memory_space<vmem>>, vector<1x16xf32>,
        %swap3A_256 = vector.shape_cast %swap3A_255 : vector<1x16xf32> to vector<16xf32>
        %swap3A_257 = vector.shape_cast %mul3A_252 : vector<16xf32> to vector<1x16xf32>
        tpu.vector_store %arg14[%swap3A_253, %swap3A_254], %swap3A_257 {strides = array<i32>} : memref<64x128xf32, #tpu.memory_space<vmem>>, vector<1x16xf32>,
        %mul3A_258 = arith.mulf %exp3A, %get3A_131 : vector<16xf32>
        %swap3A_259 = arith.index_cast %add3A_100 : i32 to index
        %swap3A_260 = arith.constant 32 : index
        %swap3A_261 = tpu.vector_load %arg14[%swap3A_259, %swap3A_260] {strides = array<i32>} : memref<64x128xf32, #tpu.memory_space<vmem>>, vector<1x16xf32>,
        %swap3A_262 = vector.shape_cast %swap3A_261 : vector<1x16xf32> to vector<16xf32>
        %swap3A_263 = vector.shape_cast %mul3A_258 : vector<16xf32> to vector<1x16xf32>
        tpu.vector_store %arg14[%swap3A_259, %swap3A_260], %swap3A_263 {strides = array<i32>} : memref<64x128xf32, #tpu.memory_space<vmem>>, vector<1x16xf32>,
        %mul3A_264 = arith.mulf %exp3A, %get3A_145 : vector<16xf32>
        %swap3A_265 = arith.index_cast %add3A_100 : i32 to index
        %swap3A_266 = arith.constant 48 : index
        %swap3A_267 = tpu.vector_load %arg14[%swap3A_265, %swap3A_266] {strides = array<i32>} : memref<64x128xf32, #tpu.memory_space<vmem>>, vector<1x16xf32>,
        %swap3A_268 = vector.shape_cast %swap3A_267 : vector<1x16xf32> to vector<16xf32>
        %swap3A_269 = vector.shape_cast %mul3A_264 : vector<16xf32> to vector<1x16xf32>
        tpu.vector_store %arg14[%swap3A_265, %swap3A_266], %swap3A_269 {strides = array<i32>} : memref<64x128xf32, #tpu.memory_space<vmem>>, vector<1x16xf32>,
        %mul3A_270 = arith.mulf %exp3A, %get3A_159 : vector<16xf32>
        %swap3A_271 = arith.index_cast %add3A_100 : i32 to index
        %swap3A_272 = arith.constant 64 : index
        %swap3A_273 = tpu.vector_load %arg14[%swap3A_271, %swap3A_272] {strides = array<i32>} : memref<64x128xf32, #tpu.memory_space<vmem>>, vector<1x16xf32>,
        %swap3A_274 = vector.shape_cast %swap3A_273 : vector<1x16xf32> to vector<16xf32>
        %swap3A_275 = vector.shape_cast %mul3A_270 : vector<16xf32> to vector<1x16xf32>
        tpu.vector_store %arg14[%swap3A_271, %swap3A_272], %swap3A_275 {strides = array<i32>} : memref<64x128xf32, #tpu.memory_space<vmem>>, vector<1x16xf32>,
        %mul3A_276 = arith.mulf %exp3A, %get3A_173 : vector<16xf32>
        %swap3A_277 = arith.index_cast %add3A_100 : i32 to index
        %swap3A_278 = arith.constant 80 : index
        %swap3A_279 = tpu.vector_load %arg14[%swap3A_277, %swap3A_278] {strides = array<i32>} : memref<64x128xf32, #tpu.memory_space<vmem>>, vector<1x16xf32>,
        %swap3A_280 = vector.shape_cast %swap3A_279 : vector<1x16xf32> to vector<16xf32>
        %swap3A_281 = vector.shape_cast %mul3A_276 : vector<16xf32> to vector<1x16xf32>
        tpu.vector_store %arg14[%swap3A_277, %swap3A_278], %swap3A_281 {strides = array<i32>} : memref<64x128xf32, #tpu.memory_space<vmem>>, vector<1x16xf32>,
        %mul3A_282 = arith.mulf %exp3A, %get3A_187 : vector<16xf32>
        %swap3A_283 = arith.index_cast %add3A_100 : i32 to index
        %swap3A_284 = arith.constant 96 : index
        %swap3A_285 = tpu.vector_load %arg14[%swap3A_283, %swap3A_284] {strides = array<i32>} : memref<64x128xf32, #tpu.memory_space<vmem>>, vector<1x16xf32>,
        %swap3A_286 = vector.shape_cast %swap3A_285 : vector<1x16xf32> to vector<16xf32>
        %swap3A_287 = vector.shape_cast %mul3A_282 : vector<16xf32> to vector<1x16xf32>
        tpu.vector_store %arg14[%swap3A_283, %swap3A_284], %swap3A_287 {strides = array<i32>} : memref<64x128xf32, #tpu.memory_space<vmem>>, vector<1x16xf32>,
        %mul3A_288 = arith.mulf %exp3A, %get3A_201 : vector<16xf32>
        %swap3A_289 = arith.index_cast %add3A_100 : i32 to index
        %swap3A_290 = arith.constant 112 : index
        %swap3A_291 = tpu.vector_load %arg14[%swap3A_289, %swap3A_290] {strides = array<i32>} : memref<64x128xf32, #tpu.memory_space<vmem>>, vector<1x16xf32>,
        %swap3A_292 = vector.shape_cast %swap3A_291 : vector<1x16xf32> to vector<16xf32>
        %swap3A_293 = vector.shape_cast %mul3A_288 : vector<16xf32> to vector<1x16xf32>
        tpu.vector_store %arg14[%swap3A_289, %swap3A_290], %swap3A_293 {strides = array<i32>} : memref<64x128xf32, #tpu.memory_space<vmem>>, vector<1x16xf32>,
        %eq3A = arith.constant 0 : i32
        %eq3A_294 = vector.broadcast %eq3A : i32 to vector<16xi32>
        %eq3A_295 = arith.cmpi eq, %iota3A, %eq3A_294 : vector<16xi32>
        %select_n3A = arith.select %eq3A_295, %exp3A, %broadcast_in_dim3A_213 : vector<16xi1>, vector<16xf32>
        %swap3A_296 = arith.index_cast %add3A_100 : i32 to index
        %swap3A_297 = arith.constant 0 : index
        %swap3A_298 = tpu.vector_load %arg16[%swap3A_296, %swap3A_297] {strides = array<i32>} : memref<64x128xf32, #tpu.memory_space<vmem>>, vector<1x16xf32>,
        %swap3A_299 = vector.shape_cast %swap3A_298 : vector<1x16xf32> to vector<16xf32>
        %swap3A_300 = vector.shape_cast %broadcast_in_dim3A_1 : vector<16xf32> to vector<1x16xf32>
        tpu.vector_store %arg16[%swap3A_296, %swap3A_297], %swap3A_300 {strides = array<i32>} : memref<64x128xf32, #tpu.memory_space<vmem>>, vector<1x16xf32>,
        %swap3A_301 = arith.index_cast %add3A_100 : i32 to index
        %swap3A_302 = arith.constant 16 : index
        %swap3A_303 = tpu.vector_load %arg16[%swap3A_301, %swap3A_302] {strides = array<i32>} : memref<64x128xf32, #tpu.memory_space<vmem>>, vector<1x16xf32>,
        %swap3A_304 = vector.shape_cast %swap3A_303 : vector<1x16xf32> to vector<16xf32>
        %swap3A_305 = vector.shape_cast %broadcast_in_dim3A_1 : vector<16xf32> to vector<1x16xf32>
        tpu.vector_store %arg16[%swap3A_301, %swap3A_302], %swap3A_305 {strides = array<i32>} : memref<64x128xf32, #tpu.memory_space<vmem>>, vector<1x16xf32>,
        %swap3A_306 = arith.index_cast %add3A_100 : i32 to index
        %swap3A_307 = arith.constant 32 : index
        %swap3A_308 = tpu.vector_load %arg16[%swap3A_306, %swap3A_307] {strides = array<i32>} : memref<64x128xf32, #tpu.memory_space<vmem>>, vector<1x16xf32>,
        %swap3A_309 = vector.shape_cast %swap3A_308 : vector<1x16xf32> to vector<16xf32>
        %swap3A_310 = vector.shape_cast %broadcast_in_dim3A_1 : vector<16xf32> to vector<1x16xf32>
        tpu.vector_store %arg16[%swap3A_306, %swap3A_307], %swap3A_310 {strides = array<i32>} : memref<64x128xf32, #tpu.memory_space<vmem>>, vector<1x16xf32>,
        %swap3A_311 = arith.index_cast %add3A_100 : i32 to index
        %swap3A_312 = arith.constant 48 : index
        %swap3A_313 = tpu.vector_load %arg16[%swap3A_311, %swap3A_312] {strides = array<i32>} : memref<64x128xf32, #tpu.memory_space<vmem>>, vector<1x16xf32>,
        %swap3A_314 = vector.shape_cast %swap3A_313 : vector<1x16xf32> to vector<16xf32>
        %swap3A_315 = vector.shape_cast %broadcast_in_dim3A_1 : vector<16xf32> to vector<1x16xf32>
        tpu.vector_store %arg16[%swap3A_311, %swap3A_312], %swap3A_315 {strides = array<i32>} : memref<64x128xf32, #tpu.memory_space<vmem>>, vector<1x16xf32>,
        %swap3A_316 = arith.index_cast %add3A_100 : i32 to index
        %swap3A_317 = arith.constant 64 : index
        %swap3A_318 = tpu.vector_load %arg16[%swap3A_316, %swap3A_317] {strides = array<i32>} : memref<64x128xf32, #tpu.memory_space<vmem>>, vector<1x16xf32>,
        %swap3A_319 = vector.shape_cast %swap3A_318 : vector<1x16xf32> to vector<16xf32>
        %swap3A_320 = vector.shape_cast %broadcast_in_dim3A_1 : vector<16xf32> to vector<1x16xf32>
        tpu.vector_store %arg16[%swap3A_316, %swap3A_317], %swap3A_320 {strides = array<i32>} : memref<64x128xf32, #tpu.memory_space<vmem>>, vector<1x16xf32>,
        %swap3A_321 = arith.index_cast %add3A_100 : i32 to index
        %swap3A_322 = arith.constant 80 : index
        %swap3A_323 = tpu.vector_load %arg16[%swap3A_321, %swap3A_322] {strides = array<i32>} : memref<64x128xf32, #tpu.memory_space<vmem>>, vector<1x16xf32>,
        %swap3A_324 = vector.shape_cast %swap3A_323 : vector<1x16xf32> to vector<16xf32>
        %swap3A_325 = vector.shape_cast %broadcast_in_dim3A_1 : vector<16xf32> to vector<1x16xf32>
        tpu.vector_store %arg16[%swap3A_321, %swap3A_322], %swap3A_325 {strides = array<i32>} : memref<64x128xf32, #tpu.memory_space<vmem>>, vector<1x16xf32>,
        %swap3A_326 = arith.index_cast %add3A_100 : i32 to index
        %swap3A_327 = arith.constant 96 : index
        %swap3A_328 = tpu.vector_load %arg16[%swap3A_326, %swap3A_327] {strides = array<i32>} : memref<64x128xf32, #tpu.memory_space<vmem>>, vector<1x16xf32>,
        %swap3A_329 = vector.shape_cast %swap3A_328 : vector<1x16xf32> to vector<16xf32>
        %swap3A_330 = vector.shape_cast %broadcast_in_dim3A_1 : vector<16xf32> to vector<1x16xf32>
        tpu.vector_store %arg16[%swap3A_326, %swap3A_327], %swap3A_330 {strides = array<i32>} : memref<64x128xf32, #tpu.memory_space<vmem>>, vector<1x16xf32>,
        %swap3A_331 = arith.index_cast %add3A_100 : i32 to index
        %swap3A_332 = arith.constant 112 : index
        %swap3A_333 = tpu.vector_load %arg16[%swap3A_331, %swap3A_332] {strides = array<i32>} : memref<64x128xf32, #tpu.memory_space<vmem>>, vector<1x16xf32>,
        %swap3A_334 = vector.shape_cast %swap3A_333 : vector<1x16xf32> to vector<16xf32>
        %swap3A_335 = vector.shape_cast %broadcast_in_dim3A_1 : vector<16xf32> to vector<1x16xf32>
        tpu.vector_store %arg16[%swap3A_331, %swap3A_332], %swap3A_335 {strides = array<i32>} : memref<64x128xf32, #tpu.memory_space<vmem>>, vector<1x16xf32>,
        %get3A_336 = arith.index_cast %add3A_100 : i32 to index
        %get3A_337 = tpu.vector_load %arg12[%get3A_336] {strides = array<i32>} : memref<64xi32, #tpu.memory_space<vmem>>, vector<1xi32>,
        %get3A_338 = vector.shape_cast %get3A_337 : vector<1xi32> to vector<1xi32>
        %squeeze3A = vector.extract %get3A_338[0] : i32 from vector<1xi32>
        %and3A = arith.constant 7 : i32
        %and3A_339 = arith.andi %squeeze3A, %and3A : i32
        %mul3A_340 = arith.constant 16 : i32
        %mul3A_341 = arith.muli %and3A_339, %mul3A_340 : i32
        %swap3A_342 = arith.index_cast %add3A_100 : i32 to index
        %swap3A_343 = arith.index_cast %mul3A_341 : i32 to index
        %swap3A_344 = tpu.vector_load %arg16[%swap3A_342, %swap3A_343] {strides = array<i32>} : memref<64x128xf32, #tpu.memory_space<vmem>>, vector<1x16xf32>,
        %swap3A_345 = vector.shape_cast %swap3A_344 : vector<1x16xf32> to vector<16xf32>
        %swap3A_346 = vector.shape_cast %select_n3A : vector<16xf32> to vector<1x16xf32>
        tpu.vector_store %arg16[%swap3A_342, %swap3A_343], %swap3A_346 {strides = array<i32>} : memref<64x128xf32, #tpu.memory_space<vmem>>, vector<1x16xf32>,
      }
      %scan3A_95 = arith.constant 64 : i32
      "tpu.region"() ({
        %run_scoped3A = tpu.sem_alloc : memref<!tpu.dma_semaphore, #tpu.memory_space<semaphore_mem>>
        %dma_start3A_96 = arith.constant 0 : i32
        %dma_start3A_97 = arith.constant 0 : i32
        %dma_start3A_98 = tpu.memref_slice %arg9[%dma_start3A_96, %dma_start3A_97] : memref<10240x128xf32, #tpu.memory_space<vmem_shared>> -> memref<10240x128xf32, #tpu.memory_space<vmem_shared>>
        tpu.enqueue_indirect_dma source(%arg14 : memref<64x128xf32, #tpu.memory_space<vmem>>) target(%dma_start3A_98 : memref<10240x128xf32, #tpu.memory_space<vmem_shared>>) offsets(%arg12 : memref<64xi32, #tpu.memory_space<vmem>>) semaphore(%run_scoped3A : memref<!tpu.dma_semaphore, #tpu.memory_space<semaphore_mem>>) {add = true}
        %dma_wait3A_99 = arith.constant 0 : i32
        %dma_wait3A_100 = arith.constant 0 : i32
        %dma_wait3A_101 = tpu.memref_slice %arg9[%dma_wait3A_99, %dma_wait3A_100] : memref<10240x128xf32, #tpu.memory_space<vmem_shared>> -> memref<10240x128xf32, #tpu.memory_space<vmem_shared>>
        tpu.wait_indirect_dma semaphore(%run_scoped3A : memref<!tpu.dma_semaphore, #tpu.memory_space<semaphore_mem>>) src(%arg14 : memref<64x128xf32, #tpu.memory_space<vmem>>) dst(%dma_wait3A_101 : memref<10240x128xf32, #tpu.memory_space<vmem_shared>>)
        tpu.yield
      }) : () -> ()
      "tpu.region"() ({
        %run_scoped3A = tpu.sem_alloc : memref<!tpu.dma_semaphore, #tpu.memory_space<semaphore_mem>>
        %dma_start3A_96 = arith.constant 0 : i32
        %dma_start3A_97 = arith.constant 0 : i32
        %dma_start3A_98 = tpu.memref_slice %arg10[%dma_start3A_96, %dma_start3A_97] : memref<1280x128xf32, #tpu.memory_space<vmem_shared>> -> memref<1280x128xf32, #tpu.memory_space<vmem_shared>>
        tpu.enqueue_indirect_dma source(%arg16 : memref<64x128xf32, #tpu.memory_space<vmem>>) target(%dma_start3A_98 : memref<1280x128xf32, #tpu.memory_space<vmem_shared>>) offsets(%arg13 : memref<64xi32, #tpu.memory_space<vmem>>) semaphore(%run_scoped3A : memref<!tpu.dma_semaphore, #tpu.memory_space<semaphore_mem>>) {add = true}
        %dma_wait3A_99 = arith.constant 0 : i32
        %dma_wait3A_100 = arith.constant 0 : i32
        %dma_wait3A_101 = tpu.memref_slice %arg10[%dma_wait3A_99, %dma_wait3A_100] : memref<1280x128xf32, #tpu.memory_space<vmem_shared>> -> memref<1280x128xf32, #tpu.memory_space<vmem_shared>>
        tpu.wait_indirect_dma semaphore(%run_scoped3A : memref<!tpu.dma_semaphore, #tpu.memory_space<semaphore_mem>>) src(%arg16 : memref<64x128xf32, #tpu.memory_space<vmem>>) dst(%dma_wait3A_101 : memref<1280x128xf32, #tpu.memory_space<vmem_shared>>)
        tpu.yield
      }) : () -> ()
    }
    %scan3A_45 = arith.constant 162 : i32
    %barrier3A_46 = arith.constant 0 : index
    tpu.barrier barrier_id(%barrier3A_46)
    %scan3A_47 = arith.constant 0 : i32
    %scan3A_48 = arith.constant 10 : i32
    %scan3A_49 = arith.addi %scan3A_47, %scan3A_48 : i32
    %scan3A_50 = arith.constant 1 : i32
    scf.for %scan3A_66 = %scan3A_47 to %scan3A_49 step %scan3A_50  : i32 {
      %mul3A_67 = arith.constant 1 : i32
      %mul3A_68 = arith.muli %scan3A_66, %mul3A_67 : i32
      %add3A_69 = arith.constant 0 : i32
      %add3A_70 = arith.addi %add3A_69, %mul3A_68 : i32
      %mul3A_71 = arith.constant 640 : i32
      %mul3A_72 = arith.muli %arg1, %mul3A_71 : i32
      %mul3A_73 = arith.constant 64 : i32
      %mul3A_74 = arith.muli %add3A_70, %mul3A_73 : i32
      %add3A_75 = arith.addi %mul3A_72, %mul3A_74 : i32
      "tpu.region"() ({
        %run_scoped3A = tpu.sem_alloc : memref<!tpu.dma_semaphore, #tpu.memory_space<semaphore_mem>>
        %dma_start3A = arith.constant 0 : i32
        %dma_start3A_79 = tpu.memref_slice %arg9[%add3A_75, %dma_start3A] : memref<10240x128xf32, #tpu.memory_space<vmem_shared>> -> memref<64x128xf32, #tpu.memory_space<vmem_shared>>
        %dma_start3A_80 = arith.constant 0 : i32
        %dma_start3A_81 = tpu.memref_slice %arg9[%add3A_75, %dma_start3A_80] : memref<10240x128xf32, #tpu.memory_space<vmem_shared>> -> memref<64x128xf32, #tpu.memory_space<vmem_shared>>
        tpu.enqueue_dma source(%dma_start3A_81 : memref<64x128xf32, #tpu.memory_space<vmem_shared>>) target(%arg14 : memref<64x128xf32, #tpu.memory_space<vmem>>) target_semaphore(%run_scoped3A : memref<!tpu.dma_semaphore, #tpu.memory_space<semaphore_mem>>)
        %dma_wait3A = arith.constant 0 : i32
        %dma_wait3A_82 = tpu.memref_slice %arg9[%add3A_75, %dma_wait3A] : memref<10240x128xf32, #tpu.memory_space<vmem_shared>> -> memref<64x128xf32, #tpu.memory_space<vmem_shared>>
        %dma_wait3A_83 = arith.constant 0 : i32
        %dma_wait3A_84 = tpu.memref_slice %arg9[%add3A_75, %dma_wait3A_83] : memref<10240x128xf32, #tpu.memory_space<vmem_shared>> -> memref<64x128xf32, #tpu.memory_space<vmem_shared>>
        tpu.wait_dma2 semaphore(%run_scoped3A : memref<!tpu.dma_semaphore, #tpu.memory_space<semaphore_mem>>) src(%dma_wait3A_84 : memref<64x128xf32, #tpu.memory_space<vmem_shared>>) dst(%arg14 : memref<64x128xf32, #tpu.memory_space<vmem>>)
        tpu.yield
      }) : () -> ()
      %mul3A_76 = arith.constant 10240 : i32
      %mul3A_77 = arith.muli %arg0, %mul3A_76 : i32
      %add3A_78 = arith.addi %mul3A_77, %add3A_75 : i32
      "tpu.region"() ({
        %run_scoped3A = tpu.sem_alloc : memref<!tpu.dma_semaphore, #tpu.memory_space<semaphore_mem>>
        %dma_start3A = arith.constant 0 : i32
        %dma_start3A_79 = tpu.memref_slice %arg7[%add3A_78, %dma_start3A] : memref<20480x128xf32, #tpu.memory_space<hbm>> -> memref<64x128xf32, #tpu.memory_space<hbm>>
        %dma_start3A_80 = arith.constant 0 : i32
        %dma_start3A_81 = tpu.memref_slice %arg7[%add3A_78, %dma_start3A_80] : memref<20480x128xf32, #tpu.memory_space<hbm>> -> memref<64x128xf32, #tpu.memory_space<hbm>>
        tpu.enqueue_dma source(%arg14 : memref<64x128xf32, #tpu.memory_space<vmem>>) target(%dma_start3A_81 : memref<64x128xf32, #tpu.memory_space<hbm>>) target_semaphore(%run_scoped3A : memref<!tpu.dma_semaphore, #tpu.memory_space<semaphore_mem>>)
        %dma_wait3A = arith.constant 0 : i32
        %dma_wait3A_82 = tpu.memref_slice %arg7[%add3A_78, %dma_wait3A] : memref<20480x128xf32, #tpu.memory_space<hbm>> -> memref<64x128xf32, #tpu.memory_space<hbm>>
        %dma_wait3A_83 = arith.constant 0 : i32
        %dma_wait3A_84 = tpu.memref_slice %arg7[%add3A_78, %dma_wait3A_83] : memref<20480x128xf32, #tpu.memory_space<hbm>> -> memref<64x128xf32, #tpu.memory_space<hbm>>
        tpu.wait_dma2 semaphore(%run_scoped3A : memref<!tpu.dma_semaphore, #tpu.memory_space<semaphore_mem>>) src(%arg14 : memref<64x128xf32, #tpu.memory_space<vmem>>) dst(%dma_wait3A_84 : memref<64x128xf32, #tpu.memory_space<hbm>>)
        tpu.yield
      }) : () -> ()
    }
    %scan3A_51 = arith.constant 10 : i32
    %mul3A_52 = arith.constant 80 : i32
    %mul3A_53 = arith.muli %arg1, %mul3A_52 : i32
    "tpu.region"() ({
      %run_scoped3A = tpu.sem_alloc : memref<!tpu.dma_semaphore, #tpu.memory_space<semaphore_mem>>
      %dma_start3A = arith.constant 0 : i32
      %dma_start3A_66 = tpu.memref_slice %arg10[%mul3A_53, %dma_start3A] : memref<1280x128xf32, #tpu.memory_space<vmem_shared>> -> memref<64x128xf32, #tpu.memory_space<vmem_shared>>
      %dma_start3A_67 = arith.constant 0 : i32
      %dma_start3A_68 = tpu.memref_slice %arg10[%mul3A_53, %dma_start3A_67] : memref<1280x128xf32, #tpu.memory_space<vmem_shared>> -> memref<64x128xf32, #tpu.memory_space<vmem_shared>>
      tpu.enqueue_dma source(%dma_start3A_68 : memref<64x128xf32, #tpu.memory_space<vmem_shared>>) target(%arg16 : memref<64x128xf32, #tpu.memory_space<vmem>>) target_semaphore(%run_scoped3A : memref<!tpu.dma_semaphore, #tpu.memory_space<semaphore_mem>>)
      %dma_wait3A = arith.constant 0 : i32
      %dma_wait3A_69 = tpu.memref_slice %arg10[%mul3A_53, %dma_wait3A] : memref<1280x128xf32, #tpu.memory_space<vmem_shared>> -> memref<64x128xf32, #tpu.memory_space<vmem_shared>>
      %dma_wait3A_70 = arith.constant 0 : i32
      %dma_wait3A_71 = tpu.memref_slice %arg10[%mul3A_53, %dma_wait3A_70] : memref<1280x128xf32, #tpu.memory_space<vmem_shared>> -> memref<64x128xf32, #tpu.memory_space<vmem_shared>>
      tpu.wait_dma2 semaphore(%run_scoped3A : memref<!tpu.dma_semaphore, #tpu.memory_space<semaphore_mem>>) src(%dma_wait3A_71 : memref<64x128xf32, #tpu.memory_space<vmem_shared>>) dst(%arg16 : memref<64x128xf32, #tpu.memory_space<vmem>>)
      tpu.yield
    }) : () -> ()
    %mul3A_54 = arith.constant 1280 : i32
    %mul3A_55 = arith.muli %arg0, %mul3A_54 : i32
    %add3A_56 = arith.addi %mul3A_55, %mul3A_53 : i32
    "tpu.region"() ({
      %run_scoped3A = tpu.sem_alloc : memref<!tpu.dma_semaphore, #tpu.memory_space<semaphore_mem>>
      %dma_start3A = arith.constant 0 : i32
      %dma_start3A_66 = tpu.memref_slice %arg8[%add3A_56, %dma_start3A] : memref<2560x128xf32, #tpu.memory_space<hbm>> -> memref<64x128xf32, #tpu.memory_space<hbm>>
      %dma_start3A_67 = arith.constant 0 : i32
      %dma_start3A_68 = tpu.memref_slice %arg8[%add3A_56, %dma_start3A_67] : memref<2560x128xf32, #tpu.memory_space<hbm>> -> memref<64x128xf32, #tpu.memory_space<hbm>>
      tpu.enqueue_dma source(%arg16 : memref<64x128xf32, #tpu.memory_space<vmem>>) target(%dma_start3A_68 : memref<64x128xf32, #tpu.memory_space<hbm>>) target_semaphore(%run_scoped3A : memref<!tpu.dma_semaphore, #tpu.memory_space<semaphore_mem>>)
      %dma_wait3A = arith.constant 0 : i32
      %dma_wait3A_69 = tpu.memref_slice %arg8[%add3A_56, %dma_wait3A] : memref<2560x128xf32, #tpu.memory_space<hbm>> -> memref<64x128xf32, #tpu.memory_space<hbm>>
      %dma_wait3A_70 = arith.constant 0 : i32
      %dma_wait3A_71 = tpu.memref_slice %arg8[%add3A_56, %dma_wait3A_70] : memref<2560x128xf32, #tpu.memory_space<hbm>> -> memref<64x128xf32, #tpu.memory_space<hbm>>
      tpu.wait_dma2 semaphore(%run_scoped3A : memref<!tpu.dma_semaphore, #tpu.memory_space<semaphore_mem>>) src(%arg16 : memref<64x128xf32, #tpu.memory_space<vmem>>) dst(%dma_wait3A_71 : memref<64x128xf32, #tpu.memory_space<hbm>>)
      tpu.yield
    }) : () -> ()
    %mul3A_57 = arith.constant 80 : i32
    %mul3A_58 = arith.muli %arg1, %mul3A_57 : i32
    %add3A_59 = arith.constant 80 : i32
    %add3A_60 = arith.addi %mul3A_58, %add3A_59 : i32
    %sub3A_61 = arith.constant 64 : i32
    %sub3A_62 = arith.subi %add3A_60, %sub3A_61 : i32
    "tpu.region"() ({
      %run_scoped3A = tpu.sem_alloc : memref<!tpu.dma_semaphore, #tpu.memory_space<semaphore_mem>>
      %dma_start3A = arith.constant 0 : i32
      %dma_start3A_66 = tpu.memref_slice %arg10[%sub3A_62, %dma_start3A] : memref<1280x128xf32, #tpu.memory_space<vmem_shared>> -> memref<64x128xf32, #tpu.memory_space<vmem_shared>>
      %dma_start3A_67 = arith.constant 0 : i32
      %dma_start3A_68 = tpu.memref_slice %arg10[%sub3A_62, %dma_start3A_67] : memref<1280x128xf32, #tpu.memory_space<vmem_shared>> -> memref<64x128xf32, #tpu.memory_space<vmem_shared>>
      tpu.enqueue_dma source(%dma_start3A_68 : memref<64x128xf32, #tpu.memory_space<vmem_shared>>) target(%arg16 : memref<64x128xf32, #tpu.memory_space<vmem>>) target_semaphore(%run_scoped3A : memref<!tpu.dma_semaphore, #tpu.memory_space<semaphore_mem>>)
      %dma_wait3A = arith.constant 0 : i32
      %dma_wait3A_69 = tpu.memref_slice %arg10[%sub3A_62, %dma_wait3A] : memref<1280x128xf32, #tpu.memory_space<vmem_shared>> -> memref<64x128xf32, #tpu.memory_space<vmem_shared>>
      %dma_wait3A_70 = arith.constant 0 : i32
      %dma_wait3A_71 = tpu.memref_slice %arg10[%sub3A_62, %dma_wait3A_70] : memref<1280x128xf32, #tpu.memory_space<vmem_shared>> -> memref<64x128xf32, #tpu.memory_space<vmem_shared>>
      tpu.wait_dma2 semaphore(%run_scoped3A : memref<!tpu.dma_semaphore, #tpu.memory_space<semaphore_mem>>) src(%dma_wait3A_71 : memref<64x128xf32, #tpu.memory_space<vmem_shared>>) dst(%arg16 : memref<64x128xf32, #tpu.memory_space<vmem>>)
      tpu.yield
    }) : () -> ()
    %mul3A_63 = arith.constant 1280 : i32
    %mul3A_64 = arith.muli %arg0, %mul3A_63 : i32
    %add3A_65 = arith.addi %mul3A_64, %sub3A_62 : i32
    "tpu.region"() ({
      %run_scoped3A = tpu.sem_alloc : memref<!tpu.dma_semaphore, #tpu.memory_space<semaphore_mem>>
      %dma_start3A = arith.constant 0 : i32
      %dma_start3A_66 = tpu.memref_slice %arg8[%add3A_65, %dma_start3A] : memref<2560x128xf32, #tpu.memory_space<hbm>> -> memref<64x128xf32, #tpu.memory_space<hbm>>
      %dma_start3A_67 = arith.constant 0 : i32
      %dma_start3A_68 = tpu.memref_slice %arg8[%add3A_65, %dma_start3A_67] : memref<2560x128xf32, #tpu.memory_space<hbm>> -> memref<64x128xf32, #tpu.memory_space<hbm>>
      tpu.enqueue_dma source(%arg16 : memref<64x128xf32, #tpu.memory_space<vmem>>) target(%dma_start3A_68 : memref<64x128xf32, #tpu.memory_space<hbm>>) target_semaphore(%run_scoped3A : memref<!tpu.dma_semaphore, #tpu.memory_space<semaphore_mem>>)
      %dma_wait3A = arith.constant 0 : i32
      %dma_wait3A_69 = tpu.memref_slice %arg8[%add3A_65, %dma_wait3A] : memref<2560x128xf32, #tpu.memory_space<hbm>> -> memref<64x128xf32, #tpu.memory_space<hbm>>
      %dma_wait3A_70 = arith.constant 0 : i32
      %dma_wait3A_71 = tpu.memref_slice %arg8[%add3A_65, %dma_wait3A_70] : memref<2560x128xf32, #tpu.memory_space<hbm>> -> memref<64x128xf32, #tpu.memory_space<hbm>>
      tpu.wait_dma2 semaphore(%run_scoped3A : memref<!tpu.dma_semaphore, #tpu.memory_space<semaphore_mem>>) src(%arg16 : memref<64x128xf32, #tpu.memory_space<vmem>>) dst(%dma_wait3A_71 : memref<64x128xf32, #tpu.memory_space<hbm>>)
      tpu.yield
    }) : () -> ()
    return
  }
}

module attributes {stable_mosaic.version = 14 : i64} {
  func.func @_proj_body(%arg0: i32, %arg1: memref<512x128xf32, #tpu.memory_space<vmem>>, %arg2: memref<128x128xf32, #tpu.memory_space<vmem>>, %arg3: memref<128x128xf32, #tpu.memory_space<vmem>>, %arg4: memref<512x128xf32, #tpu.memory_space<vmem>>, %arg5: memref<512x128xf32, #tpu.memory_space<vmem>>) attributes {dimension_semantics = [#tpu.dimension_semantics<arbitrary>], iteration_bounds = array<i64: 20>, scalar_prefetch = 0 : i64, scratch_operands = 0 : i64, tpu.core_type = #tpu.core_type<tc>, window_params = [{transform_indices = @transform_0, window_bounds = array<i64: 512, 128>}, {pipeline_mode = #tpu.pipeline_mode<synchronous>, transform_indices = @transform_1, window_bounds = array<i64: 128, 128>}, {pipeline_mode = #tpu.pipeline_mode<synchronous>, transform_indices = @transform_2, window_bounds = array<i64: 128, 128>}, {transform_indices = @transform_3, window_bounds = array<i64: 512, 128>}, {transform_indices = @transform_4, window_bounds = array<i64: 512, 128>}]} {
    %get3A = arith.constant 0 : index
    %get3A_0 = arith.constant 0 : index
    %get3A_1 = vector.load %arg1[%get3A, %get3A_0] : memref<512x128xf32, #tpu.memory_space<vmem>>, vector<512x128xf32>
    %get3A_2 = arith.constant 0 : index
    %get3A_3 = arith.constant 0 : index
    %get3A_4 = vector.load %arg2[%get3A_2, %get3A_3] : memref<128x128xf32, #tpu.memory_space<vmem>>, vector<128x128xf32>
    %dot_general3A = arith.constant dense<0.000000e+00> : vector<512x128xf32>
    %dot_general3A_5 = tpu.matmul %get3A_1, %get3A_4, %dot_general3A {dimension_numbers = #tpu.dot_dimension_numbers<[1], [1], [0], [0], [0, 0, 1, 0], [], []>, transpose_lhs_hint = false} : vector<512x128xf32>, vector<128x128xf32>, vector<512x128xf32> -> vector<512x128xf32>
    %swap3A = arith.constant 0 : index
    %swap3A_6 = arith.constant 0 : index
    %swap3A_7 = vector.load %arg4[%swap3A, %swap3A_6] : memref<512x128xf32, #tpu.memory_space<vmem>>, vector<512x128xf32>
    tpu.vector_store %arg4[%swap3A, %swap3A_6], %dot_general3A_5 {strides = array<i32>} : memref<512x128xf32, #tpu.memory_space<vmem>>, vector<512x128xf32>,
    %get3A_8 = arith.constant 0 : index
    %get3A_9 = arith.constant 0 : index
    %get3A_10 = vector.load %arg3[%get3A_8, %get3A_9] : memref<128x128xf32, #tpu.memory_space<vmem>>, vector<128x128xf32>
    %dot_general3A_11 = arith.constant dense<0.000000e+00> : vector<512x128xf32>
    %dot_general3A_12 = tpu.matmul %get3A_1, %get3A_10, %dot_general3A_11 {dimension_numbers = #tpu.dot_dimension_numbers<[1], [1], [0], [0], [0, 0, 1, 0], [], []>, transpose_lhs_hint = false} : vector<512x128xf32>, vector<128x128xf32>, vector<512x128xf32> -> vector<512x128xf32>
    %swap3A_13 = arith.constant 0 : index
    %swap3A_14 = arith.constant 0 : index
    %swap3A_15 = vector.load %arg5[%swap3A_13, %swap3A_14] : memref<512x128xf32, #tpu.memory_space<vmem>>, vector<512x128xf32>
    tpu.vector_store %arg5[%swap3A_13, %swap3A_14], %dot_general3A_12 {strides = array<i32>} : memref<512x128xf32, #tpu.memory_space<vmem>>, vector<512x128xf32>,
    return
  }
  func.func @transform_0(%arg0: i32) -> (i32, i32) {
    %c0_i32 = arith.constant 0 : i32
    %c0_i32_0 = arith.constant 0 : i32
    return %arg0, %c0_i32 : i32, i32
  }
  func.func @transform_1(%arg0: i32) -> (i32, i32) {
    %c0_i32 = arith.constant 0 : i32
    %c0_i32_0 = arith.constant 0 : i32
    %c0_i32_1 = arith.constant 0 : i32
    return %c0_i32, %c0_i32_0 : i32, i32
  }
  func.func @transform_2(%arg0: i32) -> (i32, i32) {
    %c0_i32 = arith.constant 0 : i32
    %c0_i32_0 = arith.constant 0 : i32
    %c0_i32_1 = arith.constant 0 : i32
    return %c0_i32, %c0_i32_0 : i32, i32
  }
  func.func @transform_3(%arg0: i32) -> (i32, i32) {
    %c0_i32 = arith.constant 0 : i32
    %c0_i32_0 = arith.constant 0 : i32
    return %arg0, %c0_i32 : i32, i32
  }
  func.func @transform_4(%arg0: i32) -> (i32, i32) {
    %c0_i32 = arith.constant 0 : i32
    %c0_i32_0 = arith.constant 0 : i32
    return %arg0, %c0_i32 : i32, i32
  }
}

module attributes {stable_mosaic.version = 14 : i64} {
  func.func @_final_body(%arg0: i32, %arg1: memref<2x512x128xf32, #tpu.memory_space<vmem>>, %arg2: memref<2x512x16xf32, #tpu.memory_space<vmem>>, %arg3: memref<1x128xf32, #tpu.memory_space<vmem>>, %arg4: memref<512x128xf32, #tpu.memory_space<vmem>>) attributes {dimension_semantics = [#tpu.dimension_semantics<arbitrary>], iteration_bounds = array<i64: 20>, scalar_prefetch = 0 : i64, scratch_operands = 0 : i64, tpu.core_type = #tpu.core_type<tc>, window_params = [{transform_indices = @transform_0, window_bounds = array<i64: 2, 512, 128>}, {transform_indices = @transform_1, window_bounds = array<i64: 2, 512, 16>}, {pipeline_mode = #tpu.pipeline_mode<synchronous>, transform_indices = @transform_2, window_bounds = array<i64: 1, 128>}, {transform_indices = @transform_3, window_bounds = array<i64: 512, 128>}]} {
    %get3A = arith.constant 0 : index
    %get3A_0 = arith.constant 0 : index
    %get3A_1 = arith.constant 0 : index
    %get3A_2 = vector.load %arg1[%get3A, %get3A_0, %get3A_1] : memref<2x512x128xf32, #tpu.memory_space<vmem>>, vector<1x512x128xf32>
    %get3A_3 = vector.shape_cast %get3A_2 : vector<1x512x128xf32> to vector<512x128xf32>
    %get3A_4 = arith.constant 1 : index
    %get3A_5 = arith.constant 0 : index
    %get3A_6 = arith.constant 0 : index
    %get3A_7 = vector.load %arg1[%get3A_4, %get3A_5, %get3A_6] : memref<2x512x128xf32, #tpu.memory_space<vmem>>, vector<1x512x128xf32>
    %get3A_8 = vector.shape_cast %get3A_7 : vector<1x512x128xf32> to vector<512x128xf32>
    %add3A = arith.addf %get3A_3, %get3A_8 : vector<512x128xf32>
    %get3A_9 = arith.constant 0 : index
    %get3A_10 = arith.constant 0 : index
    %get3A_11 = arith.constant 0 : index
    %get3A_12 = vector.load %arg2[%get3A_9, %get3A_10, %get3A_11] : memref<2x512x16xf32, #tpu.memory_space<vmem>>, vector<1x512x16xf32>
    %get3A_13 = vector.shape_cast %get3A_12 : vector<1x512x16xf32> to vector<512x16xf32>
    %get3A_14 = arith.constant 1 : index
    %get3A_15 = arith.constant 0 : index
    %get3A_16 = arith.constant 0 : index
    %get3A_17 = vector.load %arg2[%get3A_14, %get3A_15, %get3A_16] : memref<2x512x16xf32, #tpu.memory_space<vmem>>, vector<1x512x16xf32>
    %get3A_18 = vector.shape_cast %get3A_17 : vector<1x512x16xf32> to vector<512x16xf32>
    %add3A_19 = arith.addf %get3A_13, %get3A_18 : vector<512x16xf32>
    %iota3A = tpu.iota {dimensions = array<i32: 1>} : vector<16x128xi32>
    %jit3A = arith.constant 128 : i32
    %div3A = vector.broadcast %jit3A : i32 to vector<16x128xi32>
    %div3A_20 = arith.divsi %iota3A, %div3A : vector<16x128xi32>
    %sign3A = arith.constant 0 : i32
    %sign3A_21 = vector.broadcast %sign3A : i32 to vector<16x128xi32>
    %sign3A_22 = arith.cmpi sgt, %iota3A, %sign3A_21 : vector<16x128xi32>
    %sign3A_23 = arith.extui %sign3A_22 : vector<16x128xi1> to vector<16x128xi32>
    %sign3A_24 = arith.constant 0 : i32
    %sign3A_25 = vector.broadcast %sign3A_24 : i32 to vector<16x128xi32>
    %sign3A_26 = arith.cmpi slt, %iota3A, %sign3A_25 : vector<16x128xi32>
    %sign3A_27 = arith.extui %sign3A_26 : vector<16x128xi1> to vector<16x128xi32>
    %sign3A_28 = arith.subi %sign3A_23, %sign3A_27 : vector<16x128xi32>
    %sign3A_29 = arith.constant 0 : i32
    %sign3A_30 = arith.cmpi sgt, %jit3A, %sign3A_29 : i32
    %sign3A_31 = arith.extui %sign3A_30 : i1 to i32
    %sign3A_32 = arith.constant 0 : i32
    %sign3A_33 = arith.cmpi slt, %jit3A, %sign3A_32 : i32
    %sign3A_34 = arith.extui %sign3A_33 : i1 to i32
    %sign3A_35 = arith.subi %sign3A_31, %sign3A_34 : i32
    %ne3A = vector.broadcast %sign3A_35 : i32 to vector<16x128xi32>
    %ne3A_36 = arith.cmpi ne, %sign3A_28, %ne3A : vector<16x128xi32>
    %rem3A = vector.broadcast %jit3A : i32 to vector<16x128xi32>
    %rem3A_37 = arith.remsi %iota3A, %rem3A : vector<16x128xi32>
    %ne3A_38 = arith.constant 0 : i32
    %ne3A_39 = vector.broadcast %ne3A_38 : i32 to vector<16x128xi32>
    %ne3A_40 = arith.cmpi ne, %rem3A_37, %ne3A_39 : vector<16x128xi32>
    %and3A = arith.andi %ne3A_36, %ne3A_40 : vector<16x128xi1>
    %sub3A = arith.constant 1 : i32
    %sub3A_41 = vector.broadcast %sub3A : i32 to vector<16x128xi32>
    %sub3A_42 = arith.subi %div3A_20, %sub3A_41 : vector<16x128xi32>
    %select_n3A = arith.select %and3A, %sub3A_42, %div3A_20 : vector<16x128xi1>, vector<16x128xi32>
    %iota3A_43 = tpu.iota {dimensions = array<i32: 0>} : vector<16x128xi32>
    %eq3A = arith.cmpi eq, %select_n3A, %iota3A_43 : vector<16x128xi32>
    %convert_element_type3A = arith.extui %eq3A : vector<16x128xi1> to vector<16x128xi32>
    %convert_element_type3A_44 = arith.sitofp %convert_element_type3A : vector<16x128xi32> to vector<16x128xf32>
    %dot_general3A = arith.constant dense<0.000000e+00> : vector<512x128xf32>
    %dot_general3A_45 = tpu.matmul %add3A_19, %convert_element_type3A_44, %dot_general3A {dimension_numbers = #tpu.dot_dimension_numbers<[1], [0], [0], [1], [0, 0, 1, 1], [], []>, transpose_lhs_hint = false} : vector<512x16xf32>, vector<16x128xf32>, vector<512x128xf32> -> vector<512x128xf32>
    %add3A_46 = arith.constant 1.000000e-16 : f32
    %add3A_47 = vector.broadcast %add3A_46 : f32 to vector<512x128xf32>
    %add3A_48 = arith.addf %dot_general3A_45, %add3A_47 : vector<512x128xf32>
    %div3A_49 = arith.divf %add3A, %add3A_48 : vector<512x128xf32>
    %get3A_50 = arith.constant 0 : index
    %get3A_51 = arith.constant 0 : index
    %get3A_52 = vector.load %arg3[%get3A_50, %get3A_51] : memref<1x128xf32, #tpu.memory_space<vmem>>, vector<1x128xf32>
    %add3A_53 = vector.broadcast %get3A_52 : vector<1x128xf32> to vector<512x128xf32>
    %add3A_54 = arith.addf %div3A_49, %add3A_53 : vector<512x128xf32>
    %swap3A = arith.constant 0 : index
    %swap3A_55 = arith.constant 0 : index
    %swap3A_56 = vector.load %arg4[%swap3A, %swap3A_55] : memref<512x128xf32, #tpu.memory_space<vmem>>, vector<512x128xf32>
    tpu.vector_store %arg4[%swap3A, %swap3A_55], %add3A_54 {strides = array<i32>} : memref<512x128xf32, #tpu.memory_space<vmem>>, vector<512x128xf32>,
    return
  }
  func.func @transform_0(%arg0: i32) -> (i32, i32, i32) {
    %c0_i32 = arith.constant 0 : i32
    %c0_i32_0 = arith.constant 0 : i32
    %c0_i32_1 = arith.constant 0 : i32
    return %c0_i32, %arg0, %c0_i32_0 : i32, i32, i32
  }
  func.func @transform_1(%arg0: i32) -> (i32, i32, i32) {
    %c0_i32 = arith.constant 0 : i32
    %c0_i32_0 = arith.constant 0 : i32
    %c0_i32_1 = arith.constant 0 : i32
    return %c0_i32, %arg0, %c0_i32_0 : i32, i32, i32
  }
  func.func @transform_2(%arg0: i32) -> (i32, i32) {
    %c0_i32 = arith.constant 0 : i32
    %c0_i32_0 = arith.constant 0 : i32
    %c0_i32_1 = arith.constant 0 : i32
    return %c0_i32, %c0_i32_0 : i32, i32
  }
  func.func @transform_3(%arg0: i32) -> (i32, i32) {
    %c0_i32 = arith.constant 0 : i32
    %c0_i32_0 = arith.constant 0 : i32
    return %arg0, %c0_i32 : i32, i32
  }
}

module attributes {stable_mosaic.version = 14 : i64} {
  func.func @_mid_body(%arg0: i32, %arg1: memref<2x512x128xf32, #tpu.memory_space<vmem>>, %arg2: memref<2x512x16xf32, #tpu.memory_space<vmem>>, %arg3: memref<1x128xf32, #tpu.memory_space<vmem>>, %arg4: memref<128x128xf32, #tpu.memory_space<vmem>>, %arg5: memref<128x128xf32, #tpu.memory_space<vmem>>, %arg6: memref<512x128xf32, #tpu.memory_space<vmem>>, %arg7: memref<512x128xf32, #tpu.memory_space<vmem>>) attributes {dimension_semantics = [#tpu.dimension_semantics<arbitrary>], iteration_bounds = array<i64: 20>, scalar_prefetch = 0 : i64, scratch_operands = 0 : i64, tpu.core_type = #tpu.core_type<tc>, window_params = [{transform_indices = @transform_0, window_bounds = array<i64: 2, 512, 128>}, {transform_indices = @transform_1, window_bounds = array<i64: 2, 512, 16>}, {pipeline_mode = #tpu.pipeline_mode<synchronous>, transform_indices = @transform_2, window_bounds = array<i64: 1, 128>}, {pipeline_mode = #tpu.pipeline_mode<synchronous>, transform_indices = @transform_3, window_bounds = array<i64: 128, 128>}, {pipeline_mode = #tpu.pipeline_mode<synchronous>, transform_indices = @transform_4, window_bounds = array<i64: 128, 128>}, {transform_indices = @transform_5, window_bounds = array<i64: 512, 128>}, {transform_indices = @transform_6, window_bounds = array<i64: 512, 128>}]} {
    %get3A = arith.constant 0 : index
    %get3A_0 = arith.constant 0 : index
    %get3A_1 = arith.constant 0 : index
    %get3A_2 = vector.load %arg1[%get3A, %get3A_0, %get3A_1] : memref<2x512x128xf32, #tpu.memory_space<vmem>>, vector<1x512x128xf32>
    %get3A_3 = vector.shape_cast %get3A_2 : vector<1x512x128xf32> to vector<512x128xf32>
    %get3A_4 = arith.constant 1 : index
    %get3A_5 = arith.constant 0 : index
    %get3A_6 = arith.constant 0 : index
    %get3A_7 = vector.load %arg1[%get3A_4, %get3A_5, %get3A_6] : memref<2x512x128xf32, #tpu.memory_space<vmem>>, vector<1x512x128xf32>
    %get3A_8 = vector.shape_cast %get3A_7 : vector<1x512x128xf32> to vector<512x128xf32>
    %add3A = arith.addf %get3A_3, %get3A_8 : vector<512x128xf32>
    %get3A_9 = arith.constant 0 : index
    %get3A_10 = arith.constant 0 : index
    %get3A_11 = arith.constant 0 : index
    %get3A_12 = vector.load %arg2[%get3A_9, %get3A_10, %get3A_11] : memref<2x512x16xf32, #tpu.memory_space<vmem>>, vector<1x512x16xf32>
    %get3A_13 = vector.shape_cast %get3A_12 : vector<1x512x16xf32> to vector<512x16xf32>
    %get3A_14 = arith.constant 1 : index
    %get3A_15 = arith.constant 0 : index
    %get3A_16 = arith.constant 0 : index
    %get3A_17 = vector.load %arg2[%get3A_14, %get3A_15, %get3A_16] : memref<2x512x16xf32, #tpu.memory_space<vmem>>, vector<1x512x16xf32>
    %get3A_18 = vector.shape_cast %get3A_17 : vector<1x512x16xf32> to vector<512x16xf32>
    %add3A_19 = arith.addf %get3A_13, %get3A_18 : vector<512x16xf32>
    %iota3A = tpu.iota {dimensions = array<i32: 1>} : vector<16x128xi32>
    %jit3A = arith.constant 32 : i32
    %div3A = vector.broadcast %jit3A : i32 to vector<16x128xi32>
    %div3A_20 = arith.divsi %iota3A, %div3A : vector<16x128xi32>
    %sign3A = arith.constant 0 : i32
    %sign3A_21 = vector.broadcast %sign3A : i32 to vector<16x128xi32>
    %sign3A_22 = arith.cmpi sgt, %iota3A, %sign3A_21 : vector<16x128xi32>
    %sign3A_23 = arith.extui %sign3A_22 : vector<16x128xi1> to vector<16x128xi32>
    %sign3A_24 = arith.constant 0 : i32
    %sign3A_25 = vector.broadcast %sign3A_24 : i32 to vector<16x128xi32>
    %sign3A_26 = arith.cmpi slt, %iota3A, %sign3A_25 : vector<16x128xi32>
    %sign3A_27 = arith.extui %sign3A_26 : vector<16x128xi1> to vector<16x128xi32>
    %sign3A_28 = arith.subi %sign3A_23, %sign3A_27 : vector<16x128xi32>
    %sign3A_29 = arith.constant 0 : i32
    %sign3A_30 = arith.cmpi sgt, %jit3A, %sign3A_29 : i32
    %sign3A_31 = arith.extui %sign3A_30 : i1 to i32
    %sign3A_32 = arith.constant 0 : i32
    %sign3A_33 = arith.cmpi slt, %jit3A, %sign3A_32 : i32
    %sign3A_34 = arith.extui %sign3A_33 : i1 to i32
    %sign3A_35 = arith.subi %sign3A_31, %sign3A_34 : i32
    %ne3A = vector.broadcast %sign3A_35 : i32 to vector<16x128xi32>
    %ne3A_36 = arith.cmpi ne, %sign3A_28, %ne3A : vector<16x128xi32>
    %rem3A = vector.broadcast %jit3A : i32 to vector<16x128xi32>
    %rem3A_37 = arith.remsi %iota3A, %rem3A : vector<16x128xi32>
    %ne3A_38 = arith.constant 0 : i32
    %ne3A_39 = vector.broadcast %ne3A_38 : i32 to vector<16x128xi32>
    %ne3A_40 = arith.cmpi ne, %rem3A_37, %ne3A_39 : vector<16x128xi32>
    %and3A = arith.andi %ne3A_36, %ne3A_40 : vector<16x128xi1>
    %sub3A = arith.constant 1 : i32
    %sub3A_41 = vector.broadcast %sub3A : i32 to vector<16x128xi32>
    %sub3A_42 = arith.subi %div3A_20, %sub3A_41 : vector<16x128xi32>
    %select_n3A = arith.select %and3A, %sub3A_42, %div3A_20 : vector<16x128xi1>, vector<16x128xi32>
    %iota3A_43 = tpu.iota {dimensions = array<i32: 0>} : vector<16x128xi32>
    %eq3A = arith.cmpi eq, %select_n3A, %iota3A_43 : vector<16x128xi32>
    %convert_element_type3A = arith.extui %eq3A : vector<16x128xi1> to vector<16x128xi32>
    %convert_element_type3A_44 = arith.sitofp %convert_element_type3A : vector<16x128xi32> to vector<16x128xf32>
    %dot_general3A = arith.constant dense<0.000000e+00> : vector<512x128xf32>
    %dot_general3A_45 = tpu.matmul %add3A_19, %convert_element_type3A_44, %dot_general3A {dimension_numbers = #tpu.dot_dimension_numbers<[1], [0], [0], [1], [0, 0, 1, 1], [], []>, transpose_lhs_hint = false} : vector<512x16xf32>, vector<16x128xf32>, vector<512x128xf32> -> vector<512x128xf32>
    %add3A_46 = arith.constant 1.000000e-16 : f32
    %add3A_47 = vector.broadcast %add3A_46 : f32 to vector<512x128xf32>
    %add3A_48 = arith.addf %dot_general3A_45, %add3A_47 : vector<512x128xf32>
    %div3A_49 = arith.divf %add3A, %add3A_48 : vector<512x128xf32>
    %get3A_50 = arith.constant 0 : index
    %get3A_51 = arith.constant 0 : index
    %get3A_52 = vector.load %arg3[%get3A_50, %get3A_51] : memref<1x128xf32, #tpu.memory_space<vmem>>, vector<1x128xf32>
    %add3A_53 = vector.broadcast %get3A_52 : vector<1x128xf32> to vector<512x128xf32>
    %add3A_54 = arith.addf %div3A_49, %add3A_53 : vector<512x128xf32>
    %max3A = arith.constant 0.000000e+00 : f32
    %max3A_55 = vector.broadcast %max3A : f32 to vector<512x128xf32>
    %max3A_56 = arith.maximumf %add3A_54, %max3A_55 : vector<512x128xf32>
    %get3A_57 = arith.constant 0 : index
    %get3A_58 = arith.constant 0 : index
    %get3A_59 = vector.load %arg4[%get3A_57, %get3A_58] : memref<128x128xf32, #tpu.memory_space<vmem>>, vector<128x128xf32>
    %dot_general3A_60 = arith.constant dense<0.000000e+00> : vector<512x128xf32>
    %dot_general3A_61 = tpu.matmul %max3A_56, %get3A_59, %dot_general3A_60 {dimension_numbers = #tpu.dot_dimension_numbers<[1], [1], [0], [0], [0, 0, 1, 0], [], []>, transpose_lhs_hint = false} : vector<512x128xf32>, vector<128x128xf32>, vector<512x128xf32> -> vector<512x128xf32>
    %swap3A = arith.constant 0 : index
    %swap3A_62 = arith.constant 0 : index
    %swap3A_63 = vector.load %arg6[%swap3A, %swap3A_62] : memref<512x128xf32, #tpu.memory_space<vmem>>, vector<512x128xf32>
    tpu.vector_store %arg6[%swap3A, %swap3A_62], %dot_general3A_61 {strides = array<i32>} : memref<512x128xf32, #tpu.memory_space<vmem>>, vector<512x128xf32>,
    %get3A_64 = arith.constant 0 : index
    %get3A_65 = arith.constant 0 : index
    %get3A_66 = vector.load %arg5[%get3A_64, %get3A_65] : memref<128x128xf32, #tpu.memory_space<vmem>>, vector<128x128xf32>
    %dot_general3A_67 = arith.constant dense<0.000000e+00> : vector<512x128xf32>
    %dot_general3A_68 = tpu.matmul %max3A_56, %get3A_66, %dot_general3A_67 {dimension_numbers = #tpu.dot_dimension_numbers<[1], [1], [0], [0], [0, 0, 1, 0], [], []>, transpose_lhs_hint = false} : vector<512x128xf32>, vector<128x128xf32>, vector<512x128xf32> -> vector<512x128xf32>
    %swap3A_69 = arith.constant 0 : index
    %swap3A_70 = arith.constant 0 : index
    %swap3A_71 = vector.load %arg7[%swap3A_69, %swap3A_70] : memref<512x128xf32, #tpu.memory_space<vmem>>, vector<512x128xf32>
    tpu.vector_store %arg7[%swap3A_69, %swap3A_70], %dot_general3A_68 {strides = array<i32>} : memref<512x128xf32, #tpu.memory_space<vmem>>, vector<512x128xf32>,
    return
  }
  func.func @transform_0(%arg0: i32) -> (i32, i32, i32) {
    %c0_i32 = arith.constant 0 : i32
    %c0_i32_0 = arith.constant 0 : i32
    %c0_i32_1 = arith.constant 0 : i32
    return %c0_i32, %arg0, %c0_i32_0 : i32, i32, i32
  }
  func.func @transform_1(%arg0: i32) -> (i32, i32, i32) {
    %c0_i32 = arith.constant 0 : i32
    %c0_i32_0 = arith.constant 0 : i32
    %c0_i32_1 = arith.constant 0 : i32
    return %c0_i32, %arg0, %c0_i32_0 : i32, i32, i32
  }
  func.func @transform_2(%arg0: i32) -> (i32, i32) {
    %c0_i32 = arith.constant 0 : i32
    %c0_i32_0 = arith.constant 0 : i32
    %c0_i32_1 = arith.constant 0 : i32
    return %c0_i32, %c0_i32_0 : i32, i32
  }
  func.func @transform_3(%arg0: i32) -> (i32, i32) {
    %c0_i32 = arith.constant 0 : i32
    %c0_i32_0 = arith.constant 0 : i32
    %c0_i32_1 = arith.constant 0 : i32
    return %c0_i32, %c0_i32_0 : i32, i32
  }
  func.func @transform_4(%arg0: i32) -> (i32, i32) {
    %c0_i32 = arith.constant 0 : i32
    %c0_i32_0 = arith.constant 0 : i32
    %c0_i32_1 = arith.constant 0 : i32
    return %c0_i32, %c0_i32_0 : i32, i32
  }
  func.func @transform_5(%arg0: i32) -> (i32, i32) {
    %c0_i32 = arith.constant 0 : i32
    %c0_i32_0 = arith.constant 0 : i32
    return %arg0, %c0_i32 : i32, i32
  }
  func.func @transform_6(%arg0: i32) -> (i32, i32) {
    %c0_i32 = arith.constant 0 : i32
    %c0_i32_0 = arith.constant 0 : i32
    return %arg0, %c0_i32 : i32, i32
  }
}

</mosaic_0001>

<sc_bundles>
// kernel: kernel.10.cloned.1.call-start
scs
__scs_entry_jumppad:
0x0: {  	(pc) =	sbr.rel $0x88, $3  }
0x1: {  	(tag) =	ssettag $0x0;
	lr =	simm.s32 $0x1  }
0x2: {  	[smem:$0x3F97] =	sst lr;
	_ =	strace $0xD0000000  }
0x3: {  	_ = 	snop  }
0x4: {  	_ = 	snop  }
0x5: {  	_ = 	snop  }
0x6: {  	_ = 	snop  }
0x7: {  	_ = 	snop  }
__scs_overlays_trampoline_lowered:
0x8: {  	[smem:$0x3FA6] =	sst s0  }
0x9: {  	[smem:$0x3FA7] =	sst s1  }
0xa: {  	[smem:$0x3FA8] =	sst s2  }
0xb: {  	[smem:$0x3FA9] =	sst s3  }
0xc: {  	[smem:$0x3FAA] =	sst s4  }
0xd: {  	[smem:$0x3FAB] =	sst s5  }
0xe: {  	[smem:$0x3FAC] =	sst s6  }
0xf: {  	[smem:$0x3FAD] =	sst s7  }
0x10: {  	[smem:$0x3FAE] =	sst s8  }
0x11: {  	[smem:$0x3FAF] =	sst s9;
	s0 =	simm.s32 @!p0 $0x0  }
0x12: {  	s1 =	sld [smem:$0x3F95];
	s0 =	simm.s32 @p0 $0x1  }
0x13: {  	[smem:$0x3FB0] =	sst s0;
	s0 =	simm.s32 @!p1 $0x0  }
0x14: {  	s2 =	sld [smem:$0x3F94];
	s0 =	simm.s32 @p1 $0x1  }
0x15: {  	[smem:$0x3FB1] =	sst s0;
	s0 =	simm.s32 @!p2 $0x0  }
0x16: {  	s3 =	sld [smem:$0x3FDB];
	s0 =	simm.s32 @p2 $0x1  }
0x17: {  	s4 =	simm.s32 $0x1BF5;
	[smem:$0x3FB3] =	sst s0  }
0x18: {  	s0 =	sld [smem:$0x3F96];
	_ =	swait.ge [sflag:s4], $0x0  }
0x19: {  	s7 =	sld [smem:$0x3F97]  }
0x1a: {  	s8 =	sadd.s32 $0xFFFFE003, lr  }
0x1b: {  	s9 =	sadd.s32 $0xFFFFFEF7, lr;
	s5 =	simm.s32 $0xFFFFFFFF;
	p2 =	slt.u32 s8, $0xFFFFF086  }
0x1c: {  	p1 =	slt.u32 s9, $0xF7A;
	s5 =	simm.s32 @!p2 $0x0  }
0x1d: {  	s5 =	simm.s32 @p1 $0x1;
	p0 =	seq.s32 s7, s2  }
0x1e: {  	s7 =	smul.u32 @!p0 $0xF7A, s2;
	p2 =	seq.s32 @!p0 s5, $0x0  }
0x1f: {  	s9 =	smul.u32 $0xF7A, s1;
	s8 =	simm.s32 @!p0 $0x1BF5;
	p2 =	por !p2, p0  }
0x20: {  	[sflag:s8] =	ssyncset.s32 @!p0 $0xFFFFF086;
	s6 =	sadd.s32 @!p0 s3, s7;
	s7 =	simm.s32 @!p0 $0x108  }
0x21: {  	s3 =	sadd.s32 s3, s9;
	s6 =	sadd.s32 @!p0 $0x88, s6;
	s7 =	simm.s32 @p2 $0x1082  }
0x22: {  	[simem:s7], [sflag:s8] =	dma.local @!p0 [hbm:s6], $0xF7A  }
0x23: {  	s9 =	sor.u32 $0xD0000000, s2;
	s6 =	simm.s32 $0x108;
	_ =	swait.ge @!p0 [sflag:s8], $0x0  }
0x24: {  	s3 =	sadd.s32 $0x88, s3;
	s6 =	simm.s32 @!p1 $0x1082;
	[sflag:s4] =	ssyncset.s32 $0xFFFFF086  }
0x25: {  	[simem:s6], [sflag:s4] =	dma.local [hbm:s3], $0xF7A  }
0x26: {  	[smem:$0x3F97] =	sst s1;
	(tag) =	ssettag s2;
	_ =	strace s9  }
0x27: {  	s1 =	sld [smem:$0x3FA7]  }
0x28: {  	s2 =	sld [smem:$0x3FA8]  }
0x29: {  	s4 =	sld [smem:$0x3FAA]  }
0x2a: {  	p0 =	seq.s32 s5, $0x0;
	s5 =	sld [smem:$0x3FAB]  }
0x2b: {  	s6 =	sld [smem:$0x3FAC]  }
0x2c: {  	s7 =	sld [smem:$0x3FAD]  }
0x2d: {  	s3 =	simm.s32 $0x108;
	s8 =	sld [smem:$0x3FAE]  }
0x2e: {  	s3 =	simm.s32 @!p0 $0x1082;
	s9 =	sld [smem:$0x3FAF]  }
0x2f: {  	lr =	sadd.s32 s0, s3;
	s0 =	sld [smem:$0x3FA6]  }
0x30: {  	s3 =	sld [smem:$0x3FA9]  }
0x31: {  	[smem:$0x3FB2] =	sst s10  }
0x32: {  	s10 =	sld [smem:$0x3FB0];
	_ =	sdelay $0x3  }
0x33: {  	p0 =	seq.s32 s10, $0x1;
	s10 =	sld [smem:$0x3FB2];
	_ =	sdelay $0x3  }
0x34: {  	[smem:$0x3FB2] =	sst s10  }
0x35: {  	s10 =	sld [smem:$0x3FB1];
	_ =	sdelay $0x3  }
0x36: {  	p1 =	seq.s32 s10, $0x1;
	s10 =	sld [smem:$0x3FB2];
	_ =	sdelay $0x3  }
0x37: {  	[smem:$0x3FB2] =	sst s10  }
0x38: {  	s10 =	sld [smem:$0x3FB3]  }
0x39: {  	_ = 	snop;
	(pc) =	sbr.ind lr, $3  }
0x3a: {  	_ = 	snop  }
0x3b: {  	_ = 	snop  }
0x3c: {  	p2 =	seq.s32 s10, $0x1;
	s10 =	sld [smem:$0x3FB2]  }
0x3d: {  	_ =	shalt  }
0x3e: {  	_ =	shalt  }
0x3f: {  	_ =	shalt  }
0x40: {  	_ =	shalt  }
0x41: {  	_ =	shalt  }
0x42: {  	_ =	shalt  }
0x43: {  	_ =	shalt  }
0x44: {  	_ =	shalt  }
0x45: {  	_ =	shalt  }
0x46: {  	_ =	shalt  }
0x47: {  	_ =	shalt  }
0x48: {  	_ =	shalt  }
0x49: {  	_ =	shalt  }
0x4a: {  	_ =	shalt  }
0x4b: {  	_ =	shalt  }
0x4c: {  	_ =	shalt  }
0x4d: {  	_ =	shalt  }
0x4e: {  	_ =	shalt  }
0x4f: {  	_ =	shalt  }
0x50: {  	_ =	shalt  }
0x51: {  	_ =	shalt  }
0x52: {  	_ =	shalt  }
0x53: {  	_ =	shalt  }
0x54: {  	_ =	shalt  }
0x55: {  	_ =	shalt  }
0x56: {  	_ =	shalt  }
0x57: {  	_ =	shalt  }
0x58: {  	_ =	shalt  }
0x59: {  	_ =	shalt  }
0x5a: {  	_ =	shalt  }
0x5b: {  	_ =	shalt  }
0x5c: {  	_ =	shalt  }
0x5d: {  	_ =	shalt  }
0x5e: {  	_ =	shalt  }
0x5f: {  	_ =	shalt  }
0x60: {  	_ =	shalt  }
0x61: {  	_ =	shalt  }
0x62: {  	_ =	shalt  }
0x63: {  	_ =	shalt  }
0x64: {  	_ =	shalt  }
0x65: {  	_ =	shalt  }
0x66: {  	_ =	shalt  }
0x67: {  	_ =	shalt  }
0x68: {  	_ =	shalt  }
0x69: {  	_ =	shalt  }
0x6a: {  	_ =	shalt  }
0x6b: {  	_ =	shalt  }
0x6c: {  	_ =	shalt  }
0x6d: {  	_ =	shalt  }
0x6e: {  	_ =	shalt  }
0x6f: {  	_ =	shalt  }
0x70: {  	_ =	shalt  }
0x71: {  	_ =	shalt  }
0x72: {  	_ =	shalt  }
0x73: {  	_ =	shalt  }
0x74: {  	_ =	shalt  }
0x75: {  	_ =	shalt  }
0x76: {  	_ =	shalt  }
0x77: {  	_ =	shalt  }
0x78: {  	_ =	shalt  }
0x79: {  	_ =	shalt  }
0x7a: {  	_ =	shalt  }
0x7b: {  	_ =	shalt  }
0x7c: {  	_ =	shalt  }
0x7d: {  	_ =	shalt  }
0x7e: {  	_ =	shalt  }
0x7f: {  	_ =	shalt  }
0x80: {  	_ =	shalt  }
0x81: {  	_ =	shalt  }
0x82: {  	_ =	shalt  }
0x83: {  	_ =	shalt  }
0x84: {  	_ =	shalt  }
0x85: {  	_ =	shalt  }
0x86: {  	_ =	shalt  }
0x87: {  	_ =	shalt  }
.Lfunc_end0:
.L_simem_size_0:
called_computation.1_lowered:
.L_overlay_start_0:
0x88: {  	s2 =	sld [smem:$0x3FD9]  }
0x89: {  	s3 =	sld [smem:$0x3FFE];
	_ =	sdelay $0x1  }
0x8a: {  	s1 =	srdreg.scid  }
0x8b: {  	s0 =	sand.u32 $0x1, s1  }
0x8c: {  	s17 =	sshll.u32 s0, $0xA;
	s2 =	sadd.s32 s3, s2  }
0x8d: {  	s2 =	sadd.s32 s2, s17  }
0x8e: {  	[smem:$0x3FBE] =	sst s2  }
0x8f: {  	_ = 	snop  }
0x90: {  	s2 =	sld [smem:$0x3FC1]  }
0x91: {  	s18 =	sld [smem:$0x3FD0];
	(tm) =	ssettm $0x1  }
0x92: {  	s4 =	sld [smem:$0x3FFB];
	_ =	sdelay $0x3  }
0x93: {  	_ =	strace s4  }
0x94: {  	s4 =	sld [smem:$0x3FFC];
	_ =	sdelay $0x3  }
0x95: {  	_ =	strace s4  }
0x96: {  	s4 =	sld [smem:$0x3FFD];
	_ =	sdelay $0x3  }
0x97: {  	_ =	strace s4  }
0x98: {  	_ =	strace $0x8FFFFFFF  }
0x99: {  	s19 =	sld [smem:$0x3FDB];
	_ =	sdelay $0x1  }
0x9a: {  	s5 =	simm.s32 $_scs_section_size  }
0x9b: {  	s6 =	simm.s32 $_size__tile_overlayer_lowered;
	s7 =	simm.s32 $_tile_overlayer_lowered  }
0x9c: {  	s22 =	simm.s32 $0x1BFF;
	s21 =	sshll.u32 s7, $0x1;
	s4 =	sadd.s32 s5, s19  }
0x9d: {  	s8 =	simm.s32 $0x0;
	s20 =	sshll.u32 s6, $0x1;
	s6 =	sadd.s32 s21, s4  }
0x9e: {  	[timem:s8], [sflag:s22] =	dma.local [hbm:s6], s20  }
0x9f: {  	_ =	swait.ge [sflag:s22], s20  }
0xa0: {  	s5 =	ssub.s32 $0x0, s20;
	[sflag:s22] =	ssyncset.done $0x0  }
0xa1: {  	[sflag:s22] =	ssyncadd.s32 s5;
	_ =	sdelay $0x1  }
0xa2: {  	s23 =	simm.s32 $0x1B8B  }
0xa3: {  	_ =	swait.ge [sflag:s23], $0x1  }
0xa4: {  	[sflag:s23] =	ssyncset.done $0x0  }
0xa5: {  	s25 =	simm.s32 $0x1B8E;
	s24 =	sld [smem:$0x3FFE];
	[sflag:s23] =	ssyncadd.s32 $0xFFFFFFFF  }
0xa6: {  	s26 =	simm.s32 $execute0_lowered;
	[smem:$0x3FD2] =	sst s25  }
0xa7: {  	s6 =	sshll.u32 s26, $0x1;
	_ =	strace $0x80000049;
	[dreg:$0x1] =	wrdreg $0xFFFFFFFF  }
0xa8: {  	s28 =	simm.s32 $_size_execute0_lowered;
	s4 =	sadd.s32 s4, s6;
	[dreg:$0x0] =	wrdreg $0x0  }
0xa9: {  	s6 =	sshll.u32 s28, $0x1;
	[dreg:$0x2] =	wrdreg s4  }
0xaa: {  	[dreg:$0x3] =	wrdreg s6  }
0xab: {  	[dreg:$0x4] =	wrdreg $0xC0  }
0xac: {  	_ =	task [dreg:s8], $0x5FFFF  }
0xad: {  	[dreg:$0x1] =	wrdreg $0xFFFFFFFF  }
0xae: {  	[dreg:$0x0] =	wrdreg $0x60  }
0xaf: {  	[dreg:$0x2] =	wrdreg s24  }
0xb0: {  	[dreg:$0x3] =	wrdreg s18  }
0xb1: {  	[dreg:$0x4] =	wrdreg s2  }
0xb2: {  	[dreg:$0x5] =	wrdreg $0x0  }
0xb3: {  	[dreg:$0x6] =	wrdreg $0x140000  }
0xb4: {  	[dreg:$0x7] =	wrdreg $0x9  }
0xb5: {  	_ =	task.clear_ibuf [dreg:s8], $0x8FFFF;
	_ =	strace $0x90000049  }
0xb6: {  	s29 =	simm.s32 $0x9;
	_ =	strace $0x8000004B  }
0xb7: {  	_ =	swait.ge [sflag:s29], $0x1  }
0xb8: {  	[sflag:s29] =	ssyncadd.s32 $0xFFFFFFFF  }
0xb9: {  	_ =	strace $0x9000004B  }
0xba: {  	_ =	sfence  }
0xbb: {  	s30 =	sld [smem:$0x0];
	_ =	sdelay $0x2  }
0xbc: {  	s31 =	sshll.u32 s1, $0xD;
	s1 =	sshrl.u32 s1, $0x2  }
0xbd: {  	s3 =	sand.u32 $0x4000, s31;
	s1 =	sadd.s32 s1, s30  }
0xbe: {  	s0 =	sor.u32 s3, s0;
	s1 =	sshll.u32 s1, $0x11  }
0xbf: {  	s0 =	sor.u32 s1, s0  }
0xc0: {  	s0 =	sadd.s32 $0x8F2B, s0  }
0xc1: {  	[sflag:s0] =	ssyncadd.remote.s32 $0x1  }
0xc2: {  	_ =	sfence.sel $0xFFFF  }
0xc3: {  	[dreg:$0x0] =	wrdreg $0xFFFFFFFF;
	(pc) =	sbr.abs _section_cstart, $3  }
0xc4: {  	[dreg:$0x1] =	wrdreg $0xFFFFFFFF  }
0xc5: {  	_ =	task.clear_ibuf [dreg:s8], $0x2FFFF;
	_ =	strace $0x9FFFFFFF  }
0xc6: {  	(tm) =	ssettm $0x7FFFFFFF  }
0xc7: {  	_ =	shalt  }
tec
execute0_lowered:
.L_overlay_start_1:
0x0: {  	(tag) =	ssettag $0x1  }
0x1: {  	s0 =	srdreg.scid  }
0x2: {  	s22 =	stileid.u32;
	s2 =	rddreg [dreg:$0x0]  }
0x3: {  	s1 =	simm.s32 $0x0;
	s0 =	sand.u32 $0x1, s0;
	s4 =	smul.u32 $0x50, s22  }
0x4: {  	[smem:$0x7FF] =	sst s1;
	s6 =	sadd.s32 $0x67000, s2;
	s8 =	smul.u32 $0x280, s22  }
0x5: {  	s7 =	sadd.s32 $0x5D000, s2;
	s5 =	smul.u32 $0x500, s0;
	s3 =	ssub.s32 $0x2, s0  }
0x6: {  	s11 =	smul.u32 $0x2800, s0;
	s0 =	sshll.u32 s0, $0x4;
	s10 =	sshrl.u32 s3, $0x1  }
0x7: {  	s13 =	sadd.s32 $0x100, s8;
	s0 =	sor.u32 s22, s0;
	s9 =	sadd.s32 s4, s5  }
0x8: {  	s3 =	ssub.s32 s3, s10;
	s4 =	sadd.s32 $0x10, s4;
	s14 =	sadd.s32 s11, s8  }
0x9: {  	s10 =	sor.u32 $0x40, s8;
	s9 =	sshll.u32 s9, $0x4;
	s5 =	sadd.s32 s5, s4  }
0xa: {  	s12 =	sadd.s32 s11, s10;
	s3 =	smax.u32 s3, $0x1;
	s9 =	sadd.s32 s7, s9  }
0xb: {  	s5 =	sshll.u32 s5, $0x4;
	s16 =	sshll.u32 s12, $0x4;
	[dreg:$0x6] =	wrdreg s9  }
0xc: {  	s9 =	sshll.u32 s14, $0x4;
	s5 =	sadd.s32 s7, s5;
	s7 =	sadd.s32 $0xC0, s8  }
0xd: {  	s14 =	sadd.s32 s11, s13;
	[dreg:$0x7] =	wrdreg s5;
	s15 =	sadd.s32 s6, s9  }
0xe: {  	s5 =	sadd.s32 s6, s16;
	s18 =	sadd.s32 s11, s7;
	s20 =	sshll.u32 s14, $0x4  }
0xf: {  	s14 =	sadd.s32 $0x180, s8;
	s16 =	sadd.s32 $0x1C0, s8;
	[dreg:$0x8] =	wrdreg s15  }
0x10: {  	[dreg:$0x9] =	wrdreg s5;
	s5 =	sadd.s32 $0x80, s8;
	s12 =	sshll.u32 s18, $0x4  }
0x11: {  	s15 =	sadd.s32 s11, s14;
	s18 =	sadd.s32 $0x200, s8;
	s17 =	sadd.s32 s11, s5  }
0x12: {  	s19 =	sadd.s32 s6, s12;
	s15 =	sshll.u32 s15, $0x4;
	s25 =	sadd.s32 s11, s18  }
0x13: {  	s5 =	sshll.u32 s5, $0x7;
	s9 =	sshll.u32 s17, $0x4;
	[dreg:$0xb] =	wrdreg s19  }
0x14: {  	s17 =	sadd.s32 s11, s16;
	s23 =	sadd.s32 s6, s15;
	s26 =	sshll.u32 s25, $0x4  }
0x15: {  	s15 =	rddreg [dreg:$0x3];
	s19 =	sadd.s32 $0xD000, s2;
	s9 =	sadd.s32 s6, s9  }
0x16: {  	[dreg:$0xe] =	wrdreg s23;
	s24 =	sshll.u32 s17, $0x4;
	s17 =	sadd.s32 s6, s26  }
0x17: {  	s23 =	smul.u32 $0xA000, s22;
	[dreg:$0xa] =	wrdreg s9;
	s9 =	sadd.s32 s6, s20  }
0x18: {  	s26 =	sshll.u32 s4, $0x7;
	[dreg:$0xc] =	wrdreg s9;
	s9 =	sadd.s32 $0x140, s8  }
0x19: {  	s4 =	sshll.u32 s10, $0x7;
	[dreg:$0x10] =	wrdreg s17;
	s21 =	sadd.s32 s11, s9  }
0x1a: {  	s17 =	rddreg [dreg:$0x4];
	s20 =	sadd.s32 $0x35000, s2;
	s12 =	sshll.u32 s21, $0x4  }
0x1b: {  	s8 =	sadd.s32 $0x240, s8;
	s25 =	sshrl.u32 s23, $0x2;
	s12 =	sadd.s32 s6, s12  }
0x1c: {  	s11 =	sadd.s32 s11, s8;
	[dreg:$0xd] =	wrdreg s12;
	s12 =	sadd.s32 s6, s24  }
0x1d: {  	s23 =	sadd.s32 s25, s17;
	s11 =	sshll.u32 s11, $0x4;
	[dreg:$0xf] =	wrdreg s12  }
0x1e: {  	s25 =	smul.u32 $0xA2, s0;
	s6 =	sadd.s32 s6, s11;
	s12 =	rddreg [dreg:$0x1]  }
0x1f: {  	s0 =	sadd.s32 s4, s15;
	s21 =	sadd.s32 $0x2E00, s2;
	[dreg:$0x11] =	wrdreg s6  }
0x20: {  	s11 =	smul.u32 $0x50000, s22;
	_ =	strace $0x8000004A;
	[dreg:$0x12] =	wrdreg s3  }
0x21: {  	s6 =	sshll.u32 s7, $0x7;
	s7 =	sadd.s32 s5, s15;
	[dreg:$0x13] =	wrdreg s0  }
0x22: {  	s24 =	sshrl.u32 s11, $0x2;
	[dreg:$0x14] =	wrdreg s7;
	s10 =	sadd.s32 s6, s15  }
0x23: {  	s11 =	sshll.u32 s13, $0x7;
	s13 =	sshll.u32 s9, $0x7;
	s6 =	sshll.u32 s18, $0x7  }
0x24: {  	s7 =	sshll.u32 s8, $0x7;
	[dreg:$0x15] =	wrdreg s10;
	s0 =	sadd.s32 s11, s15  }
0x25: {  	s22 =	sadd.s32 s24, s15;
	s2 =	sadd.s32 s13, s15;
	[dreg:$0x16] =	wrdreg s0  }
0x26: {  	s24 =	sadd.s32 s26, s17;
	s8 =	sadd.s32 s6, s15;
	[dreg:$0x17] =	wrdreg s2  }
0x27: {  	s26 =	sshll.u32 s14, $0x7;
	s9 =	sadd.s32 s7, s15;
	[dreg:$0x1a] =	wrdreg s8  }
0x28: {  	v0 =	vimm.s32 $0xEFCDAB89;
	s5 =	sshll.u32 s16, $0x7;
	s4 =	sadd.s32 s26, s15;
	[dreg:$0x1b] =	wrdreg s9  }
0x29: {  	v1 =	vimm.s32 $0x67452301;
	v2 =	vimm.s32 $0xDCFE98BA;
	v3 =	vimm.s32 $0x54761032;
	s0 =	sadd.s32 s5, s15;
	[dreg:$0x18] =	wrdreg s4  }
0x2a: {  	v4 =	vimm.s32 $0xBA98FEDC;
	v5 =	vimm.s32 $0x32107654;
	s10 =	sadd.s32 $0x2000, s22;
	[dreg:$0x19] =	wrdreg s0  }
0x2b: {  	v6 =	vimm.s32 $0xFEDCBA98;
	v7 =	vimm.s32 $0x76543210;
	s11 =	sadd.s32 $0x4000, s22;
	[dreg:$0x1c] =	wrdreg s10  }
0x2c: {  	s28 =	simm.s32 $0x1A980;
	v0 =	vunpack.c.l.s4.s8 v0;
	v1 =	vunpack.c.l.s4.s8 v1;
	v2 =	vunpack.c.l.s4.s8 v2;
	s13 =	sadd.s32 $0x6000, s22;
	[dreg:$0x1d] =	wrdreg s11  }
0x2d: {  	s29 =	simm.s32 $0x16800;
	v3 =	vunpack.c.l.s4.s8 v3;
	v4 =	vunpack.c.l.s4.s8 v4;
	v5 =	vunpack.c.l.s4.s8 v5;
	s14 =	sadd.s32 $0x8000, s22;
	[dreg:$0x1e] =	wrdreg s13  }
0x2e: {  	s30 =	simm.s32 $0x40;
	v6 =	vunpack.c.l.s4.s8 v6;
	v7 =	vunpack.c.l.s4.s8 v7;
	v0 =	vunpack.c.0.s8.s32 v0;
	s16 =	sadd.s32 $0xA000, s22;
	[dreg:$0x1f] =	wrdreg s14  }
0x2f: {  	s31 =	simm.s32 $0x18980;
	v1 =	vunpack.c.0.s8.s32 v1;
	v2 =	vunpack.c.0.s8.s32 v2;
	v3 =	vunpack.c.0.s8.s32 v3;
	s18 =	sadd.s32 $0xC000, s22;
	[smem:$0x7FB] =	sst s16  }
0x30: {  	v4 =	vunpack.c.0.s8.s32 v4;
	v5 =	vunpack.c.0.s8.s32 v5;
	v6 =	vunpack.c.0.s8.s32 v6;
	s3 =	simm.s32 $0x0;
	s26 =	sadd.s32 $0xE000, s22;
	[smem:$0x7FC] =	sst s18  }
0x31: {  	v7 =	vunpack.c.0.s8.s32 v7;
	v0 =	vcombine.low v1, v0;
	s2 =	simm.s32 $0x16900;
	[smem:$0x7FD] =	sst s26;
	s11 =	sadd.s32 $0x10000, s22  }
0x32: {  	v1 =	vcombine.low v3, v2;
	v2 =	vcombine.low v5, v4;
	v4 =	vand.u32 $0xF, v6;
	s16 =	sadd.s32 $0x12000, s22;
	s18 =	simm.s32 $0x16980;
	s26 =	simm.s32 $0x3  }
0x33: {  	vm0 =	vmmov $0x1;
	v3 =	vimm.f32 $0.0e+00;
	v4 =	vcombine.low v4, v7;
	s14 =	simm.s32 $0x1;
	s0 =	simm.s32 $0x2;
	s13 =	simm.s32 $0x16880  }
.LBB2_1:
0x34: {  	s4 =	simm.s32 $0x0;
	s5 =	simm.s32 $0x200  }
.LBB2_2:
0x35: {  	p0 =	sne.s32 s5, $0x7E00;
	[tilespmem:s4+$0x1A9F0] =	vst v3  }
0x36: {  	[tilespmem:s4+$0x16980] =	vst v3  }
0x37: {  	[tilespmem:s4+$0x1A980] =	vst v3  }
0x38: {  	[tilespmem:s4+$0x16990] =	vst v3  }
0x39: {  	[tilespmem:s4+$0x1A990] =	vst v3  }
0x3a: {  	[tilespmem:s4+$0x169A0] =	vst v3  }
0x3b: {  	[tilespmem:s4+$0x1A9A0] =	vst v3  }
0x3c: {  	[tilespmem:s4+$0x169B0] =	vst v3  }
0x3d: {  	[tilespmem:s4+$0x1A9B0] =	vst v3  }
0x3e: {  	[tilespmem:s4+$0x169C0] =	vst v3  }
0x3f: {  	[tilespmem:s4+$0x1A9C0] =	vst v3  }
.Ltmp0:
0x40: {  	[tilespmem:s4+$0x169D0] =	vst v3;
	(pc) =	sbr.rel @p0 .LBB2_2-.Ltmp0, $4  }
0x41: {  	[tilespmem:s4+$0x1A9D0] =	vst v3  }
0x42: {  	[tilespmem:s4+$0x169E0] =	vst v3  }
0x43: {  	[tilespmem:s4+$0x1A9E0] =	vst v3  }
0x44: {  	[tilespmem:s4+$0x169F0] =	vst v3;
	s4 =	sshra.s32 s5, $0x2;
	s5 =	sadd.s32 $0x200, s5  }
0x45: {  	[tilespmem:s4+$0x1A9F0] =	vst v3  }
0x46: {  	[tilespmem:s4+$0x16980] =	vst v3  }
0x47: {  	[tilespmem:s4+$0x1A980] =	vst v3  }
0x48: {  	[tilespmem:s4+$0x16990] =	vst v3  }
0x49: {  	[tilespmem:s4+$0x1A990] =	vst v3  }
0x4a: {  	[tilespmem:s4+$0x169A0] =	vst v3  }
0x4b: {  	[tilespmem:s4+$0x1A9A0] =	vst v3  }
0x4c: {  	[tilespmem:s4+$0x169B0] =	vst v3  }
0x4d: {  	[tilespmem:s4+$0x1A9B0] =	vst v3  }
0x4e: {  	[tilespmem:s4+$0x169C0] =	vst v3  }
0x4f: {  	[tilespmem:s4+$0x1A9C0] =	vst v3  }
0x50: {  	[tilespmem:s4+$0x169D0] =	vst v3  }
0x51: {  	[tilespmem:s4+$0x1A9D0] =	vst v3  }
0x52: {  	[tilespmem:s4+$0x169E0] =	vst v3  }
0x53: {  	[tilespmem:s4+$0x1A9E0] =	vst v3  }
0x54: {  	[tilespmem:s4+$0x169F0] =	vst v3  }
0x55: {  	[spmem:s22] =	stream.linear.scatter [tilespmem:s18], [sflag:$0x3], $0x2000, $0x38;
	[tilespmem:$0x1CA00] =	vst v63  }
0x56: {  	_ =	swait.ge [sflag:s26], $0x2000  }
0x57: {  	[sflag:s26] =	ssyncset.done $0x0  }
0x58: {  	s10 =	rddreg [dreg:$0x1c];
	[sflag:s26] =	ssyncadd.s32 $0xFFFFE000  }
0x59: {  	[spmem:s10] =	stream.linear.scatter [tilespmem:s18], [sflag:$0x3], $0x2000, $0x38;
	[tilespmem:$0x1CA00] =	vst v63  }
0x5a: {  	_ =	swait.ge [sflag:s26], $0x2000  }
0x5b: {  	[sflag:s26] =	ssyncset.done $0x0  }
0x5c: {  	s5 =	rddreg [dreg:$0x1d];
	[sflag:s26] =	ssyncadd.s32 $0xFFFFE000  }
0x5d: {  	[spmem:s5] =	stream.linear.scatter [tilespmem:s18], [sflag:$0x3], $0x2000, $0x38;
	[tilespmem:$0x1CA00] =	vst v63  }
0x5e: {  	_ =	swait.ge [sflag:s26], $0x2000  }
0x5f: {  	[sflag:s26] =	ssyncset.done $0x0  }
0x60: {  	s6 =	rddreg [dreg:$0x1e];
	[sflag:s26] =	ssyncadd.s32 $0xFFFFE000  }
0x61: {  	[spmem:s6] =	stream.linear.scatter [tilespmem:s18], [sflag:$0x3], $0x2000, $0x38;
	[tilespmem:$0x1CA00] =	vst v63  }
0x62: {  	_ =	swait.ge [sflag:s26], $0x2000  }
0x63: {  	[sflag:s26] =	ssyncset.done $0x0  }
0x64: {  	s7 =	rddreg [dreg:$0x1f];
	[sflag:s26] =	ssyncadd.s32 $0xFFFFE000  }
0x65: {  	[spmem:s7] =	stream.linear.scatter [tilespmem:s18], [sflag:$0x3], $0x2000, $0x38;
	[tilespmem:$0x1CA00] =	vst v63  }
0x66: {  	_ =	swait.ge [sflag:s26], $0x2000  }
0x67: {  	s8 =	sld [smem:$0x7FB]  }
0x68: {  	[sflag:s26] =	ssyncset.done $0x0  }
0x69: {  	[sflag:s26] =	ssyncadd.s32 $0xFFFFE000  }
0x6a: {  	[spmem:s8] =	stream.linear.scatter [tilespmem:s18], [sflag:$0x3], $0x2000, $0x38;
	[tilespmem:$0x1CA00] =	vst v63  }
0x6b: {  	_ =	swait.ge [sflag:s26], $0x2000  }
0x6c: {  	s9 =	sld [smem:$0x7FC]  }
0x6d: {  	[sflag:s26] =	ssyncset.done $0x0  }
0x6e: {  	[sflag:s26] =	ssyncadd.s32 $0xFFFFE000  }
0x6f: {  	[spmem:s9] =	stream.linear.scatter [tilespmem:s18], [sflag:$0x3], $0x2000, $0x38;
	[tilespmem:$0x1CA00] =	vst v63  }
0x70: {  	_ =	swait.ge [sflag:s26], $0x2000  }
0x71: {  	s10 =	sld [smem:$0x7FD]  }
0x72: {  	[sflag:s26] =	ssyncset.done $0x0  }
0x73: {  	[sflag:s26] =	ssyncadd.s32 $0xFFFFE000  }
0x74: {  	[spmem:s10] =	stream.linear.scatter [tilespmem:s18], [sflag:$0x3], $0x2000, $0x38;
	[tilespmem:$0x1CA00] =	vst v63  }
0x75: {  	_ =	swait.ge [sflag:s26], $0x2000  }
0x76: {  	[sflag:s26] =	ssyncset.done $0x0  }
0x77: {  	[sflag:s26] =	ssyncadd.s32 $0xFFFFE000  }
0x78: {  	[spmem:s11] =	stream.linear.scatter [tilespmem:s18], [sflag:$0x3], $0x2000, $0x38;
	[tilespmem:$0x1CA00] =	vst v63  }
0x79: {  	_ =	swait.ge [sflag:s26], $0x2000  }
0x7a: {  	[sflag:s26] =	ssyncset.done $0x0  }
0x7b: {  	[sflag:s26] =	ssyncadd.s32 $0xFFFFE000  }
0x7c: {  	[spmem:s16] =	stream.linear.scatter [tilespmem:s18], [sflag:$0x3], $0x2000, $0x38;
	[tilespmem:$0x1CA00] =	vst v63  }
0x7d: {  	_ =	swait.ge [sflag:s26], $0x2000  }
0x7e: {  	[sflag:s26] =	ssyncset.done $0x0  }
0x7f: {  	[sflag:s26] =	ssyncadd.s32 $0xFFFFE000  }
0x80: {  	[spmem:s23] =	stream.linear.scatter [tilespmem:s28], [sflag:$0x3], $0x2000, $0x38;
	[tilespmem:$0x1CA00] =	vst v63  }
0x81: {  	_ =	swait.ge [sflag:s26], $0x2000  }
0x82: {  	[sflag:s26] =	ssyncset.done $0x0  }
0x83: {  	[sflag:s26] =	ssyncadd.s32 $0xFFFFE000  }
0x84: {  	[spmem:s24] =	stream.linear.scatter [tilespmem:s28], [sflag:$0x3], $0x2000, $0x38;
	[tilespmem:$0x1CA00] =	vst v63  }
0x85: {  	_ =	swait.ge [sflag:s26], $0x2000  }
0x86: {  	[sflag:s26] =	ssyncset.done $0x0  }
0x87: {  	[sflag:s26] =	ssyncadd.s32 $0xFFFFE000  }
0x88: {  	s4 =	simm.s32 $0x0;
	s6 =	simm.s32 $0x1C980;
	s5 =	rddreg [dreg:$0x2]  }
0x89: {  	[tilespmem:s6], [sflag:$0x3] =	stream.linear.gather [hbm4b:s5+s4], $0x80, $0x38;
	[tilespmem:$0x1CA00] =	vst v63  }
0x8a: {  	_ =	swait.ge [sflag:s26], $0x80  }
0x8b: {  	[sflag:s26] =	ssyncset.done $0x0  }
0x8c: {  	[sflag:s26] =	ssyncadd.s32 $0xFFFFFF80  }
0x8d: {  	[bflag:$0x0] =	sbarrier.arrive $0xFFFF  }
0x8e: {  	v5 =	vld [tilespmem:$0x1C980]  }
0x8f: {  	v6 =	vld [tilespmem:$0x1C990]  }
0x90: {  	v7 =	vld [tilespmem:$0x1C9A0]  }
0x91: {  	v8 =	vld [tilespmem:$0x1C9B0]  }
0x92: {  	v9 =	vld [tilespmem:$0x1C9C0]  }
0x93: {  	v10 =	vld [tilespmem:$0x1C9D0]  }
0x94: {  	v11 =	vld [tilespmem:$0x1C9E0]  }
0x95: {  	s5 =	simm.s32 $0x0;
	v12 =	vld [tilespmem:$0x1C9F0]  }
.LBB2_4:
0x96: {  	s6 =	sadd.s32 s25, s5  }
0x97: {  	s6 =	sshll.u32 s6, $0x3  }
0x98: {  	s7 =	sadd.s32 s12, s6  }
0x99: {  	[tilespmem:s29], [sflag:$0x3] =	stream.linear.gather [hbm4b:s7+s4], $0x40, $0x38;
	[tilespmem:$0x1CA00] =	vst v63  }
0x9a: {  	_ =	swait.ge [sflag:s26], $0x40  }
0x9b: {  	[sflag:s26] =	ssyncset.done $0x0  }
0x9c: {  	s10 =	sadd.s32 s21, s6;
	s6 =	simm.s32 $0x16880;
	[sflag:s26] =	ssyncadd.s32 $0xFFFFFFC0  }
0x9d: {  	[tilespmem:s6], [sflag:$0x3] =	stream.linear.gather [hbm4b:s10+s4], $0x40, $0x38;
	[tilespmem:$0x1CA00] =	vst v63  }
0x9e: {  	_ =	swait.ge [sflag:s26], $0x40  }
0x9f: {  	[sflag:s26] =	ssyncset.done $0x0  }
0xa0: {  	[sflag:s26] =	ssyncadd.s32 $0xFFFFFFC0  }
0xa1: {  	[tilespmem:s18], [sflag:$0x1] =	stream.indirect.gather [hbm4b:s19+s30], $0x80, s29, s30, $0xb8;
	[tilespmem:$0x1CA00] =	vst v63  }
0xa2: {  	_ = 	snop  }
0xa3: {  	[tilespmem:s31], [sflag:$0x2] =	stream.indirect.gather [hbm4b:s20+s30], $0x80, s6, s30, $0xb8;
	[tilespmem:$0x1CA00] =	vst v63  }
0xa4: {  	_ =	swait.ge [sflag:s14], $0x2000  }
0xa5: {  	[sflag:s14] =	ssyncset.done $0x0  }
0xa6: {  	[sflag:s14] =	ssyncadd.s32 $0xFFFFE000  }
0xa7: {  	_ =	swait.ge [sflag:s0], $0x2000  }
0xa8: {  	[sflag:s0] =	ssyncset.done $0x0  }
0xa9: {  	[sflag:s0] =	ssyncadd.s32 $0xFFFFE000  }
0xaa: {  	v13 =	vld [tilespmem:$0x16880]  }
0xab: {  	v14 =	vld [tilespmem:$0x16890]  }
0xac: {  	v15 =	vld [tilespmem:$0x168A0]  }
0xad: {  	v16 =	vld [tilespmem:$0x168B0];
	_ =	sdelay $0x1  }
0xae: {  	v13 =	vshrl.u32 v13, $0x3  }
0xaf: {  	[tilespmem:$0x16900] =	vst v13;
	v13 =	vshrl.u32 v14, $0x3  }
0xb0: {  	[tilespmem:$0x16910] =	vst v13;
	v13 =	vshrl.u32 v15, $0x3  }
0xb1: {  	[tilespmem:$0x16920] =	vst v13;
	v13 =	vshrl.u32 v16, $0x3  }
0xb2: {  	s7 =	simm.s32 $0x0;
	[tilespmem:$0x16930] =	vst v13  }
0xb3: {  	v13 =	vld [tilespmem:s7+$0x18990]  }
0xb4: {  	v14 =	vld [tilespmem:s7+$0x16980]  }
0xb5: {  	v15 =	vld [tilespmem:s7+$0x16990]  }
0xb6: {  	v46 =	vld [tilespmem:s7+$0x18980]  }
0xb7: {  	v17 =	vld [tilespmem:s7+$0x189A0]  }
0xb8: {  	v18 =	vld [tilespmem:s7+$0x169A0]  }
0xb9: {  	v19 =	vld [tilespmem:s7+$0x189B0]  }
0xba: {  	v20 =	vld [tilespmem:s7+$0x169B0];
	_ =	sdelay $0x1  }
0xbb: {  	v21 =	vld [tilespmem:s7+$0x189C0];
	v13 =	vadd.f32 v13, v15;
	v16 =	vadd.f32 v46, v14  }
0xbc: {  	v23 =	vld [tilespmem:s7+$0x169C0]  }
0xbd: {  	v25 =	vld [tilespmem:s7+$0x189D0];
	v17 =	vadd.f32 v17, v18;
	v22 =	vmul.f32 $2.000000030e-01, v13;
	v24 =	vmul.f32 $2.000000030e-01, v16  }
0xbe: {  	v47 =	vld [tilespmem:s7+$0x169D0];
	v19 =	vadd.f32 v19, v20  }
0xbf: {  	v26 =	vld [tilespmem:s7+$0x189E0];
	v48 =	vmul.f32 $2.000000030e-01, v17;
	v13 =	vmax.f32 v13, v22;
	v16 =	vmax.f32 v16, v24  }
0xc0: {  	v27 =	vld [tilespmem:s7+$0x169E0];
	v16 =	vmul.f32 v16, v5;
	v13 =	vmul.f32 v13, v6  }
0xc1: {  	v28 =	vld [tilespmem:s7+$0x189F0];
	v21 =	vadd.f32 v21, v23;
	v49 =	vmul.f32 $2.000000030e-01, v19;
	v17 =	vmax.f32 v17, v48  }
0xc2: {  	v29 =	vld [tilespmem:s7+$0x169F0];
	v17 =	vmul.f32 v17, v7;
	v13 =	vadd.f32 v13, v16  }
0xc3: {  	v52 =	vadd.f32 v25, v47;
	v51 =	vmul.f32 $2.000000030e-01, v21;
	v50 =	vmax.f32 v19, v49  }
0xc4: {  	v16 =	vmul.f32 v50, v8;
	v13 =	vadd.f32 v17, v13  }
0xc5: {  	v55 =	vadd.f32 v26, v27;
	v54 =	vmul.f32 $2.000000030e-01, v52;
	v53 =	vmax.f32 v21, v51  }
0xc6: {  	v17 =	vmul.f32 v53, v9;
	v13 =	vadd.f32 v16, v13  }
0xc7: {  	v58 =	vadd.f32 v28, v29;
	v57 =	vmul.f32 $2.000000030e-01, v55;
	v56 =	vmax.f32 v52, v54  }
0xc8: {  	v16 =	vmul.f32 v56, v10;
	v13 =	vadd.f32 v17, v13  }
0xc9: {  	v60 =	vmul.f32 $2.000000030e-01, v58;
	v59 =	vmax.f32 v55, v57  }
0xca: {  	v17 =	vmul.f32 v59, v11;
	v13 =	vadd.f32 v16, v13  }
0xcb: {  	v61 =	vmax.f32 v58, v60  }
0xcc: {  	v16 =	vmul.f32 v61, v12;
	v13 =	vadd.f32 v17, v13;
	_ =	sdelay $0x1  }
0xcd: {  	v13 =	vadd.f32 v16, v13;
	_ =	sdelay $0x1  }
0xce: {  	v16 =	vperm.xlane v13, v0;
	_ =	sdelay $0x1  }
0xcf: {  	v13 =	vadd.f32 v13, v16;
	_ =	sdelay $0x1  }
0xd0: {  	v16 =	vperm.xlane v13, v1;
	_ =	sdelay $0x1  }
0xd1: {  	v13 =	vadd.f32 v13, v16;
	_ =	sdelay $0x1  }
0xd2: {  	v16 =	vperm.xlane v13, v2;
	_ =	sdelay $0x1  }
0xd3: {  	v13 =	vadd.f32 v13, v16;
	_ =	sdelay $0x1  }
0xd4: {  	v16 =	vperm.xlane v13, v4;
	_ =	sdelay $0x1  }
0xd5: {  	v13 =	vadd.f32 v13, v16;
	_ =	sdelay $0x1  }
0xd6: {  	v13 =	vmul.f32 $1.442695020e+00, v13;
	_ =	sdelay $0x1  }
0xd7: {  	(erf) = vpow2.f32 v13;
	_ =	sdelay $0x3  }
0xd8: {  	[tilespmem:s7+$0x1A9F0] =	vst v3  }
0xd9: {  	[tilespmem:s7+$0x1A9E0] =	vst v3  }
0xda: {  	[tilespmem:s7+$0x1A9D0] =	vst v3  }
0xdb: {  	[tilespmem:s7+$0x1A9C0] =	vst v3  }
0xdc: {  	[tilespmem:s7+$0x1A9B0] =	vst v3  }
0xdd: {  	[tilespmem:s7+$0x1A9A0] =	vst v3;
	v13 =	vpop (erf)  }
0xde: {  	[tilespmem:s7+$0x1A990] =	vst v3;
	v14 =	vmul.f32 v13, v14  }
0xdf: {  	[tilespmem:s7+$0x1A980] =	vst v3;
	v15 =	vmul.f32 v13, v15  }
0xe0: {  	v62 =	vmul.f32 v13, v29;
	[tilespmem:s7+$0x16980] =	vst v14  }
0xe1: {  	v63 =	vmul.f32 v13, v27;
	[tilespmem:s7+$0x16990] =	vst v15  }
0xe2: {  	v14 =	vmul.f32 v13, v18;
	[tilespmem:s7+$0x169F0] =	vst v62  }
0xe3: {  	v15 =	vmul.f32 v13, v47;
	[tilespmem:s7+$0x169E0] =	vst v63  }
0xe4: {  	[tilespmem:s7+$0x169A0] =	vst v14;
	v14 =	vmul.f32 v13, v20  }
0xe5: {  	[tilespmem:s7+$0x169D0] =	vst v15;
	v15 =	vmul.f32 v13, v23  }
0xe6: {  	[tilespmem:s7+$0x169B0] =	vst v14  }
0xe7: {  	[tilespmem:s7+$0x169C0] =	vst v15  }
0xe8: {  	v14 =	vld.msk [tilespmem:s6+$0x0], $0x1;
	_ =	sdelay $0x4  }
0xe9: {  	s8 =	simm.s32 $0x200;
	(v2sf) =	vpush v14, $0x0  }
.LBB2_5:
0xea: {  	_ =	sdelay $0x6  }
0xeb: {  	p0 =	sne.s32 s8, $0x7E00  }
0xec: {  	s6 =	sadd.s32 $0x1, s6;
	s9 =	smov.u32 s8;
	s8 =	sadd.s32 $0x200, s8  }
0xed: {  	_ =	sdelay $0x4  }
0xee: {  	s10 =	spop (v2sf)  }
0xef: {  	s7 =	sadd.s32 $0x1A980, s7;
	s10 =	sand.u32 $0x7, s10  }
0xf0: {  	v13 =	vnsel vm0, $0x0, v13;
	s10 =	sshll.u32 s10, $0x4  }
0xf1: {  	s10 =	sadd.s32 s10, s7  }
0xf2: {  	s7 =	sshra.s32 s9, $0x2;
	[tilespmem:s10+$0x0] =	vst v13  }
0xf3: {  	v13 =	vld [tilespmem:s7+$0x18990]  }
0xf4: {  	v14 =	vld [tilespmem:s7+$0x16980]  }
0xf5: {  	v15 =	vld [tilespmem:s7+$0x16990]  }
0xf6: {  	v16 =	vld [tilespmem:s7+$0x18980]  }
0xf7: {  	v17 =	vld [tilespmem:s7+$0x189A0]  }
0xf8: {  	v18 =	vld [tilespmem:s7+$0x169A0]  }
0xf9: {  	v19 =	vld [tilespmem:s7+$0x189B0]  }
0xfa: {  	v13 =	vadd.f32 v13, v15;
	v20 =	vld [tilespmem:s7+$0x169B0]  }
0xfb: {  	v16 =	vadd.f32 v16, v14;
	v21 =	vld [tilespmem:s7+$0x189C0]  }
0xfc: {  	v22 =	vmul.f32 $2.000000030e-01, v13;
	v23 =	vld [tilespmem:s7+$0x169C0]  }
0xfd: {  	v24 =	vmul.f32 $2.000000030e-01, v16;
	v17 =	vadd.f32 v17, v18;
	v25 =	vld [tilespmem:s7+$0x189D0]  }
0xfe: {  	v13 =	vmax.f32 v13, v22;
	v22 =	vld [tilespmem:s7+$0x169D0]  }
0xff: {  	v16 =	vmax.f32 v16, v24;
	v24 =	vmul.f32 $2.000000030e-01, v17;
	v19 =	vadd.f32 v19, v20;
	v26 =	vld [tilespmem:s7+$0x189E0]  }
0x100: {  	v13 =	vmul.f32 v13, v6;
	v16 =	vmul.f32 v16, v5;
	v27 =	vld [tilespmem:s7+$0x169E0]  }
0x101: {  	v17 =	vmax.f32 v17, v24;
	v24 =	vmul.f32 $2.000000030e-01, v19;
	v21 =	vadd.f32 v21, v23;
	v28 =	vld [tilespmem:s7+$0x189F0]  }
0x102: {  	v17 =	vmul.f32 v17, v7;
	v29 =	vld [tilespmem:s7+$0x169F0];
	v13 =	vadd.f32 v13, v16  }
0x103: {  	v16 =	vmax.f32 v19, v24;
	v19 =	vmul.f32 $2.000000030e-01, v21;
	v24 =	vadd.f32 v25, v22  }
0x104: {  	v16 =	vmul.f32 v16, v8;
	v13 =	vadd.f32 v17, v13  }
0x105: {  	v17 =	vmax.f32 v21, v19;
	v19 =	vmul.f32 $2.000000030e-01, v24;
	v21 =	vadd.f32 v26, v27  }
0x106: {  	v17 =	vmul.f32 v17, v9;
	v13 =	vadd.f32 v16, v13  }
0x107: {  	v16 =	vmax.f32 v24, v19;
	v19 =	vmul.f32 $2.000000030e-01, v21;
	v24 =	vadd.f32 v28, v29  }
0x108: {  	v16 =	vmul.f32 v16, v10;
	v13 =	vadd.f32 v17, v13  }
0x109: {  	v17 =	vmax.f32 v21, v19;
	v19 =	vmul.f32 $2.000000030e-01, v24  }
0x10a: {  	v17 =	vmul.f32 v17, v11;
	v13 =	vadd.f32 v16, v13  }
0x10b: {  	v16 =	vmax.f32 v24, v19  }
0x10c: {  	v16 =	vmul.f32 v16, v12;
	v13 =	vadd.f32 v17, v13;
	_ =	sdelay $0x1  }
0x10d: {  	v13 =	vadd.f32 v16, v13;
	_ =	sdelay $0x1  }
0x10e: {  	v16 =	vperm.xlane v13, v0;
	_ =	sdelay $0x1  }
0x10f: {  	v13 =	vadd.f32 v13, v16;
	_ =	sdelay $0x1  }
0x110: {  	v16 =	vperm.xlane v13, v1;
	_ =	sdelay $0x1  }
0x111: {  	v13 =	vadd.f32 v13, v16;
	_ =	sdelay $0x1  }
0x112: {  	v16 =	vperm.xlane v13, v2;
	_ =	sdelay $0x1  }
0x113: {  	v13 =	vadd.f32 v13, v16;
	_ =	sdelay $0x1  }
0x114: {  	v16 =	vperm.xlane v13, v4;
	_ =	sdelay $0x1  }
0x115: {  	v13 =	vadd.f32 v13, v16;
	_ =	sdelay $0x1  }
0x116: {  	v13 =	vmul.f32 $1.442695020e+00, v13;
	_ =	sdelay $0x1  }
0x117: {  	(erf) = vpow2.f32 v13;
	_ =	sdelay $0x3  }
0x118: {  	[tilespmem:s7+$0x1A9F0] =	vst v3  }
0x119: {  	[tilespmem:s7+$0x1A9E0] =	vst v3  }
0x11a: {  	[tilespmem:s7+$0x1A9D0] =	vst v3  }
0x11b: {  	[tilespmem:s7+$0x1A9C0] =	vst v3  }
0x11c: {  	[tilespmem:s7+$0x1A9B0] =	vst v3  }
0x11d: {  	[tilespmem:s7+$0x1A9A0] =	vst v3;
	v13 =	vpop (erf)  }
0x11e: {  	v14 =	vmul.f32 v13, v14;
	v15 =	vmul.f32 v13, v15;
	[tilespmem:s7+$0x1A990] =	vst v3  }
0x11f: {  	v16 =	vmul.f32 v13, v18;
	v17 =	vmul.f32 v13, v29;
	[tilespmem:s7+$0x1A980] =	vst v3  }
0x120: {  	v18 =	vmul.f32 v13, v27;
	[tilespmem:s7+$0x16980] =	vst v14;
	v14 =	vmul.f32 v13, v23  }
0x121: {  	v19 =	vmul.f32 v13, v22;
	[tilespmem:s7+$0x16990] =	vst v15;
	v15 =	vmul.f32 v13, v20  }
0x122: {  	[tilespmem:s7+$0x169F0] =	vst v17  }
0x123: {  	[tilespmem:s7+$0x169A0] =	vst v16  }
0x124: {  	[tilespmem:s7+$0x169D0] =	vst v19  }
0x125: {  	[tilespmem:s7+$0x169E0] =	vst v18  }
0x126: {  	[tilespmem:s7+$0x169B0] =	vst v15  }
0x127: {  	[tilespmem:s7+$0x169C0] =	vst v14  }
0x128: {  	v14 =	vld.msk [tilespmem:s6+$0x0], $0x1  }
.Ltmp1:
0x129: {  	(pc) =	sbr.rel @p0 .LBB2_5-.Ltmp1, $2  }
0x12a: {  	_ =	sdelay $0x2  }
0x12b: {  	(v2sf) =	vpush v14, $0x0  }
0x12c: {  	_ =	sdelay $0xd  }
0x12d: {  	s6 =	spop (v2sf)  }
0x12e: {  	s6 =	sand.u32 $0x7, s6  }
0x12f: {  	s7 =	sadd.s32 $0x1A980, s7;
	s6 =	sshll.u32 s6, $0x4  }
0x130: {  	v13 =	vnsel vm0, $0x0, v13;
	s6 =	sadd.s32 s6, s7  }
0x131: {  	[tilespmem:s6+$0x0] =	vst v13  }
0x132: {  	[spmem:s15] =	stream.indirect.scatter.add.f32 [tilespmem:s18], [sflag:$0x3], $0x80, s13, s30, $0xb8;
	[tilespmem:$0x1CA00] =	vst v63  }
0x133: {  	s5 =	sadd.s32 $0x1, s5;
	_ =	swait.ge [sflag:s26], $0x2000  }
0x134: {  	p0 =	sne.s32 s5, $0xA2;
	[sflag:s26] =	ssyncset.done $0x0  }
.Ltmp2:
0x135: {  	[sflag:s26] =	ssyncadd.s32 $0xFFFFE000;
	(pc) =	sbr.rel @p0 .LBB2_4-.Ltmp2, $4  }
0x136: {  	[spmem:s17] =	stream.indirect.scatter.add.f32 [tilespmem:s28], [sflag:$0x3], $0x80, s2, s30, $0xb8;
	[tilespmem:$0x1CA00] =	vst v63  }
0x137: {  	_ =	swait.ge [sflag:s26], $0x2000  }
0x138: {  	[sflag:s26] =	ssyncset.done $0x0  }
0x139: {  	[sflag:s26] =	ssyncadd.s32 $0xFFFFE000  }
0x13a: {  	[bflag:$0x0] =	sbarrier.arrive $0xFFFF  }
0x13b: {  	[tilespmem:s18], [sflag:$0x3] =	stream.linear.gather [spmem:s22], $0x2000, $0x38;
	[tilespmem:$0x1CA00] =	vst v63  }
0x13c: {  	_ =	swait.ge [sflag:s26], $0x2000  }
0x13d: {  	[sflag:s26] =	ssyncset.done $0x0  }
0x13e: {  	s4 =	rddreg [dreg:$0x8];
	[sflag:s26] =	ssyncadd.s32 $0xFFFFE000  }
0x13f: {  	[hbm4b:s4+s1] =	stream.linear.scatter [tilespmem:s18], [sflag:$0x3], $0x2000, $0x38;
	[tilespmem:$0x1CA00] =	vst v63  }
0x140: {  	_ =	swait.ge [sflag:s26], $0x2000  }
0x141: {  	[sflag:s26] =	ssyncset.done $0x0  }
0x142: {  	s8 =	rddreg [dreg:$0x13];
	[sflag:s26] =	ssyncadd.s32 $0xFFFFE000  }
0x143: {  	[tilespmem:s18], [sflag:$0x3] =	stream.linear.gather [spmem:s8], $0x2000, $0x38;
	[tilespmem:$0x1CA00] =	vst v63  }
0x144: {  	_ =	swait.ge [sflag:s26], $0x2000  }
0x145: {  	[sflag:s26] =	ssyncset.done $0x0  }
0x146: {  	s9 =	rddreg [dreg:$0x9];
	[sflag:s26] =	ssyncadd.s32 $0xFFFFE000  }
0x147: {  	[hbm4b:s9+s1] =	stream.linear.scatter [tilespmem:s18], [sflag:$0x3], $0x2000, $0x38;
	[tilespmem:$0x1CA00] =	vst v63  }
0x148: {  	_ =	swait.ge [sflag:s26], $0x2000  }
0x149: {  	[sflag:s26] =	ssyncset.done $0x0  }
0x14a: {  	s10 =	rddreg [dreg:$0x14];
	[sflag:s26] =	ssyncadd.s32 $0xFFFFE000  }
0x14b: {  	[tilespmem:s18], [sflag:$0x3] =	stream.linear.gather [spmem:s10], $0x2000, $0x38;
	[tilespmem:$0x1CA00] =	vst v63  }
0x14c: {  	_ =	swait.ge [sflag:s26], $0x2000  }
0x14d: {  	[sflag:s26] =	ssyncset.done $0x0  }
0x14e: {  	s5 =	rddreg [dreg:$0xa];
	[sflag:s26] =	ssyncadd.s32 $0xFFFFE000  }
0x14f: {  	[hbm4b:s5+s1] =	stream.linear.scatter [tilespmem:s18], [sflag:$0x3], $0x2000, $0x38;
	[tilespmem:$0x1CA00] =	vst v63  }
0x150: {  	_ =	swait.ge [sflag:s26], $0x2000  }
0x151: {  	[sflag:s26] =	ssyncset.done $0x0  }
0x152: {  	s6 =	rddreg [dreg:$0x15];
	[sflag:s26] =	ssyncadd.s32 $0xFFFFE000  }
0x153: {  	[tilespmem:s18], [sflag:$0x3] =	stream.linear.gather [spmem:s6], $0x2000, $0x38;
	[tilespmem:$0x1CA00] =	vst v63  }
0x154: {  	_ =	swait.ge [sflag:s26], $0x2000  }
0x155: {  	[sflag:s26] =	ssyncset.done $0x0  }
0x156: {  	s7 =	rddreg [dreg:$0xb];
	[sflag:s26] =	ssyncadd.s32 $0xFFFFE000  }
0x157: {  	[hbm4b:s7+s1] =	stream.linear.scatter [tilespmem:s18], [sflag:$0x3], $0x2000, $0x38;
	[tilespmem:$0x1CA00] =	vst v63  }
0x158: {  	_ =	swait.ge [sflag:s26], $0x2000  }
0x159: {  	[sflag:s26] =	ssyncset.done $0x0  }
0x15a: {  	s8 =	rddreg [dreg:$0x16];
	[sflag:s26] =	ssyncadd.s32 $0xFFFFE000  }
0x15b: {  	[tilespmem:s18], [sflag:$0x3] =	stream.linear.gather [spmem:s8], $0x2000, $0x38;
	[tilespmem:$0x1CA00] =	vst v63  }
0x15c: {  	_ =	swait.ge [sflag:s26], $0x2000  }
0x15d: {  	[sflag:s26] =	ssyncset.done $0x0  }
0x15e: {  	s9 =	rddreg [dreg:$0xc];
	[sflag:s26] =	ssyncadd.s32 $0xFFFFE000  }
0x15f: {  	[hbm4b:s9+s1] =	stream.linear.scatter [tilespmem:s18], [sflag:$0x3], $0x2000, $0x38;
	[tilespmem:$0x1CA00] =	vst v63  }
0x160: {  	_ =	swait.ge [sflag:s26], $0x2000  }
0x161: {  	[sflag:s26] =	ssyncset.done $0x0  }
0x162: {  	s10 =	rddreg [dreg:$0x17];
	[sflag:s26] =	ssyncadd.s32 $0xFFFFE000  }
0x163: {  	[tilespmem:s18], [sflag:$0x3] =	stream.linear.gather [spmem:s10], $0x2000, $0x38;
	[tilespmem:$0x1CA00] =	vst v63  }
0x164: {  	_ =	swait.ge [sflag:s26], $0x2000  }
0x165: {  	[sflag:s26] =	ssyncset.done $0x0  }
0x166: {  	s5 =	rddreg [dreg:$0xd];
	[sflag:s26] =	ssyncadd.s32 $0xFFFFE000  }
0x167: {  	[hbm4b:s5+s1] =	stream.linear.scatter [tilespmem:s18], [sflag:$0x3], $0x2000, $0x38;
	[tilespmem:$0x1CA00] =	vst v63  }
0x168: {  	_ =	swait.ge [sflag:s26], $0x2000  }
0x169: {  	[sflag:s26] =	ssyncset.done $0x0  }
0x16a: {  	s6 =	rddreg [dreg:$0x18];
	[sflag:s26] =	ssyncadd.s32 $0xFFFFE000  }
0x16b: {  	[tilespmem:s18], [sflag:$0x3] =	stream.linear.gather [spmem:s6], $0x2000, $0x38;
	[tilespmem:$0x1CA00] =	vst v63  }
0x16c: {  	_ =	swait.ge [sflag:s26], $0x2000  }
0x16d: {  	[sflag:s26] =	ssyncset.done $0x0  }
0x16e: {  	s7 =	rddreg [dreg:$0xe];
	[sflag:s26] =	ssyncadd.s32 $0xFFFFE000  }
0x16f: {  	[hbm4b:s7+s1] =	stream.linear.scatter [tilespmem:s18], [sflag:$0x3], $0x2000, $0x38;
	[tilespmem:$0x1CA00] =	vst v63  }
0x170: {  	_ =	swait.ge [sflag:s26], $0x2000  }
0x171: {  	[sflag:s26] =	ssyncset.done $0x0  }
0x172: {  	s8 =	rddreg [dreg:$0x19];
	[sflag:s26] =	ssyncadd.s32 $0xFFFFE000  }
0x173: {  	[tilespmem:s18], [sflag:$0x3] =	stream.linear.gather [spmem:s8], $0x2000, $0x38;
	[tilespmem:$0x1CA00] =	vst v63  }
0x174: {  	_ =	swait.ge [sflag:s26], $0x2000  }
0x175: {  	[sflag:s26] =	ssyncset.done $0x0  }
0x176: {  	s9 =	rddreg [dreg:$0xf];
	[sflag:s26] =	ssyncadd.s32 $0xFFFFE000  }
0x177: {  	[hbm4b:s9+s1] =	stream.linear.scatter [tilespmem:s18], [sflag:$0x3], $0x2000, $0x38;
	[tilespmem:$0x1CA00] =	vst v63  }
0x178: {  	_ =	swait.ge [sflag:s26], $0x2000  }
0x179: {  	[sflag:s26] =	ssyncset.done $0x0  }
0x17a: {  	s10 =	rddreg [dreg:$0x1a];
	[sflag:s26] =	ssyncadd.s32 $0xFFFFE000  }
0x17b: {  	[tilespmem:s18], [sflag:$0x3] =	stream.linear.gather [spmem:s10], $0x2000, $0x38;
	[tilespmem:$0x1CA00] =	vst v63  }
0x17c: {  	_ =	swait.ge [sflag:s26], $0x2000  }
0x17d: {  	[sflag:s26] =	ssyncset.done $0x0  }
0x17e: {  	s5 =	rddreg [dreg:$0x10];
	[sflag:s26] =	ssyncadd.s32 $0xFFFFE000  }
0x17f: {  	[hbm4b:s5+s1] =	stream.linear.scatter [tilespmem:s18], [sflag:$0x3], $0x2000, $0x38;
	[tilespmem:$0x1CA00] =	vst v63  }
0x180: {  	_ =	swait.ge [sflag:s26], $0x2000  }
0x181: {  	[sflag:s26] =	ssyncset.done $0x0  }
0x182: {  	s6 =	rddreg [dreg:$0x1b];
	[sflag:s26] =	ssyncadd.s32 $0xFFFFE000  }
0x183: {  	[tilespmem:s18], [sflag:$0x3] =	stream.linear.gather [spmem:s6], $0x2000, $0x38;
	[tilespmem:$0x1CA00] =	vst v63  }
0x184: {  	_ =	swait.ge [sflag:s26], $0x2000  }
0x185: {  	[sflag:s26] =	ssyncset.done $0x0  }
0x186: {  	s7 =	rddreg [dreg:$0x11];
	[sflag:s26] =	ssyncadd.s32 $0xFFFFE000  }
0x187: {  	[hbm4b:s7+s1] =	stream.linear.scatter [tilespmem:s18], [sflag:$0x3], $0x2000, $0x38;
	[tilespmem:$0x1CA00] =	vst v63  }
0x188: {  	_ =	swait.ge [sflag:s26], $0x2000  }
0x189: {  	[sflag:s26] =	ssyncset.done $0x0  }
0x18a: {  	[sflag:s26] =	ssyncadd.s32 $0xFFFFE000  }
0x18b: {  	[tilespmem:s28], [sflag:$0x3] =	stream.linear.gather [spmem:s23], $0x2000, $0x38;
	[tilespmem:$0x1CA00] =	vst v63  }
0x18c: {  	_ =	swait.ge [sflag:s26], $0x2000  }
0x18d: {  	[sflag:s26] =	ssyncset.done $0x0  }
0x18e: {  	s8 =	rddreg [dreg:$0x6];
	[sflag:s26] =	ssyncadd.s32 $0xFFFFE000  }
0x18f: {  	[hbm4b:s8+s1] =	stream.linear.scatter [tilespmem:s28], [sflag:$0x3], $0x2000, $0x38;
	[tilespmem:$0x1CA00] =	vst v63  }
0x190: {  	_ =	swait.ge [sflag:s26], $0x2000  }
0x191: {  	[sflag:s26] =	ssyncset.done $0x0  }
0x192: {  	[sflag:s26] =	ssyncadd.s32 $0xFFFFE000  }
0x193: {  	[tilespmem:s28], [sflag:$0x3] =	stream.linear.gather [spmem:s24], $0x2000, $0x38;
	[tilespmem:$0x1CA00] =	vst v63  }
0x194: {  	_ =	swait.ge [sflag:s26], $0x2000  }
0x195: {  	[sflag:s26] =	ssyncset.done $0x0  }
0x196: {  	s9 =	rddreg [dreg:$0x7];
	[sflag:s26] =	ssyncadd.s32 $0xFFFFE000  }
0x197: {  	[hbm4b:s9+s1] =	stream.linear.scatter [tilespmem:s28], [sflag:$0x3], $0x2000, $0x38;
	[tilespmem:$0x1CA00] =	vst v63  }
0x198: {  	_ =	swait.ge [sflag:s26], $0x2000  }
0x199: {  	s3 =	sadd.s32 $0x1, s3;
	s10 =	rddreg [dreg:$0x12]  }
0x19a: {  	p0 =	sne.s32 s3, s10  }
.Ltmp3:
0x19b: {  	_ = 	snop;
	(pc) =	sbr.rel @p0 .LBB2_1-.Ltmp3, $3  }
0x19c: {  	_ =	sdelay $0x1  }
0x19d: {  	[sflag:s26] =	ssyncset.done $0x0  }
0x19e: {  	[sflag:s26] =	ssyncadd.s32 $0xFFFFE000  }
0x19f: {  	_ =	sfence.sel $0x180000  }
0x1a0: {  	[bflag:$0x0] =	sbarrier.arrive $0xFFFF  }
0x1a1: {  	_ =	strace $0x9000004A  }
0x1a2: {  	s0 =	stileid.u32;
	[bflag:$0x2] =	sbarrier.arrive $0xFFFF  }
0x1a3: {  	p0 =	sne.s32 s0, $0x0;
	s0 =	rddreg [dreg:$0x5]  }
0x1a4: {  	s0 =	sadd.s32 @!p0 $0x100000, s0  }
0x1a5: {  	[sflag:s0] =	ssyncadd.tile.s32 @!p0 $0x1;
	_ =	shalt  }
.Lfunc_end2:
_tile_overlayer_lowered:
.L_overlay_start_2:
0x1a6: {  	(tag) =	ssettag $0x2  }
0x1a7: {  	s0 =	rddreg [dreg:$0x0];
	s2 =	stileid.u32  }
0x1a8: {  	s1 =	rddreg [dreg:$0x1];
	p0 =	sne.s32 s2, $0x0  }
0x1a9: {  	s3 =	rddreg [dreg:$0x2];
	[bflag:$0x3] =	sbarrier.arrive $0xFFFF;
	s2 =	simm.s32 @!p0 $0x1C03  }
0x1aa: {  	[timem:s3], [sflag:s2] =	dma.local @!p0 [hbm:s0], s1  }
0x1ab: {  	s0 =	simm.s32 @!p0 $0x3  }
0x1ac: {  	_ =	swait.ge @!p0 [sflag:s0], s1  }
0x1ad: {  	s1 =	ssub.s32 @!p0 $0x0, s1;
	[sflag:s0] =	ssyncset.done @!p0 $0x0  }
0x1ae: {  	[sflag:s0] =	ssyncadd.s32 @!p0 s1  }
0x1af: {  	[bflag:$0x3] =	sbarrier.arrive $0xFFFF  }
0x1b0: {  	_ =	shalt  }

// kernel: kernel.7.cloned.1.call-start
scs
__scs_entry_jumppad:
0x0: {  	(pc) =	sbr.rel $0x88, $3  }
0x1: {  	(tag) =	ssettag $0x0;
	lr =	simm.s32 $0x1  }
0x2: {  	[smem:$0x3F97] =	sst lr;
	_ =	strace $0xD0000000  }
0x3: {  	_ = 	snop  }
0x4: {  	_ = 	snop  }
0x5: {  	_ = 	snop  }
0x6: {  	_ = 	snop  }
0x7: {  	_ = 	snop  }
__scs_overlays_trampoline_lowered:
0x8: {  	[smem:$0x3FA6] =	sst s0  }
0x9: {  	[smem:$0x3FA7] =	sst s1  }
0xa: {  	[smem:$0x3FA8] =	sst s2  }
0xb: {  	[smem:$0x3FA9] =	sst s3  }
0xc: {  	[smem:$0x3FAA] =	sst s4  }
0xd: {  	[smem:$0x3FAB] =	sst s5  }
0xe: {  	[smem:$0x3FAC] =	sst s6  }
0xf: {  	[smem:$0x3FAD] =	sst s7  }
0x10: {  	[smem:$0x3FAE] =	sst s8  }
0x11: {  	[smem:$0x3FAF] =	sst s9;
	s0 =	simm.s32 @!p0 $0x0  }
0x12: {  	s1 =	sld [smem:$0x3F95];
	s0 =	simm.s32 @p0 $0x1  }
0x13: {  	[smem:$0x3FB0] =	sst s0;
	s0 =	simm.s32 @!p1 $0x0  }
0x14: {  	s2 =	sld [smem:$0x3F94];
	s0 =	simm.s32 @p1 $0x1  }
0x15: {  	[smem:$0x3FB1] =	sst s0;
	s0 =	simm.s32 @!p2 $0x0  }
0x16: {  	s3 =	sld [smem:$0x3FDB];
	s0 =	simm.s32 @p2 $0x1  }
0x17: {  	s4 =	simm.s32 $0x1BF5;
	[smem:$0x3FB3] =	sst s0  }
0x18: {  	s0 =	sld [smem:$0x3F96];
	_ =	swait.ge [sflag:s4], $0x0  }
0x19: {  	s7 =	sld [smem:$0x3F97]  }
0x1a: {  	s8 =	sadd.s32 $0xFFFFE003, lr  }
0x1b: {  	s9 =	sadd.s32 $0xFFFFFEF7, lr;
	s5 =	simm.s32 $0xFFFFFFFF;
	p2 =	slt.u32 s8, $0xFFFFF086  }
0x1c: {  	p1 =	slt.u32 s9, $0xF7A;
	s5 =	simm.s32 @!p2 $0x0  }
0x1d: {  	s5 =	simm.s32 @p1 $0x1;
	p0 =	seq.s32 s7, s2  }
0x1e: {  	s7 =	smul.u32 @!p0 $0xF7A, s2;
	p2 =	seq.s32 @!p0 s5, $0x0  }
0x1f: {  	s9 =	smul.u32 $0xF7A, s1;
	s8 =	simm.s32 @!p0 $0x1BF5;
	p2 =	por !p2, p0  }
0x20: {  	[sflag:s8] =	ssyncset.s32 @!p0 $0xFFFFF086;
	s6 =	sadd.s32 @!p0 s3, s7;
	s7 =	simm.s32 @!p0 $0x108  }
0x21: {  	s3 =	sadd.s32 s3, s9;
	s6 =	sadd.s32 @!p0 $0x88, s6;
	s7 =	simm.s32 @p2 $0x1082  }
0x22: {  	[simem:s7], [sflag:s8] =	dma.local @!p0 [hbm:s6], $0xF7A  }
0x23: {  	s9 =	sor.u32 $0xD0000000, s2;
	s6 =	simm.s32 $0x108;
	_ =	swait.ge @!p0 [sflag:s8], $0x0  }
0x24: {  	s3 =	sadd.s32 $0x88, s3;
	s6 =	simm.s32 @!p1 $0x1082;
	[sflag:s4] =	ssyncset.s32 $0xFFFFF086  }
0x25: {  	[simem:s6], [sflag:s4] =	dma.local [hbm:s3], $0xF7A  }
0x26: {  	[smem:$0x3F97] =	sst s1;
	(tag) =	ssettag s2;
	_ =	strace s9  }
0x27: {  	s1 =	sld [smem:$0x3FA7]  }
0x28: {  	s2 =	sld [smem:$0x3FA8]  }
0x29: {  	s4 =	sld [smem:$0x3FAA]  }
0x2a: {  	p0 =	seq.s32 s5, $0x0;
	s5 =	sld [smem:$0x3FAB]  }
0x2b: {  	s6 =	sld [smem:$0x3FAC]  }
0x2c: {  	s7 =	sld [smem:$0x3FAD]  }
0x2d: {  	s3 =	simm.s32 $0x108;
	s8 =	sld [smem:$0x3FAE]  }
0x2e: {  	s3 =	simm.s32 @!p0 $0x1082;
	s9 =	sld [smem:$0x3FAF]  }
0x2f: {  	lr =	sadd.s32 s0, s3;
	s0 =	sld [smem:$0x3FA6]  }
0x30: {  	s3 =	sld [smem:$0x3FA9]  }
0x31: {  	[smem:$0x3FB2] =	sst s10  }
0x32: {  	s10 =	sld [smem:$0x3FB0];
	_ =	sdelay $0x3  }
0x33: {  	p0 =	seq.s32 s10, $0x1;
	s10 =	sld [smem:$0x3FB2];
	_ =	sdelay $0x3  }
0x34: {  	[smem:$0x3FB2] =	sst s10  }
0x35: {  	s10 =	sld [smem:$0x3FB1];
	_ =	sdelay $0x3  }
0x36: {  	p1 =	seq.s32 s10, $0x1;
	s10 =	sld [smem:$0x3FB2];
	_ =	sdelay $0x3  }
0x37: {  	[smem:$0x3FB2] =	sst s10  }
0x38: {  	s10 =	sld [smem:$0x3FB3]  }
0x39: {  	_ = 	snop;
	(pc) =	sbr.ind lr, $3  }
0x3a: {  	_ = 	snop  }
0x3b: {  	_ = 	snop  }
0x3c: {  	p2 =	seq.s32 s10, $0x1;
	s10 =	sld [smem:$0x3FB2]  }
0x3d: {  	_ =	shalt  }
0x3e: {  	_ =	shalt  }
0x3f: {  	_ =	shalt  }
0x40: {  	_ =	shalt  }
0x41: {  	_ =	shalt  }
0x42: {  	_ =	shalt  }
0x43: {  	_ =	shalt  }
0x44: {  	_ =	shalt  }
0x45: {  	_ =	shalt  }
0x46: {  	_ =	shalt  }
0x47: {  	_ =	shalt  }
0x48: {  	_ =	shalt  }
0x49: {  	_ =	shalt  }
0x4a: {  	_ =	shalt  }
0x4b: {  	_ =	shalt  }
0x4c: {  	_ =	shalt  }
0x4d: {  	_ =	shalt  }
0x4e: {  	_ =	shalt  }
0x4f: {  	_ =	shalt  }
0x50: {  	_ =	shalt  }
0x51: {  	_ =	shalt  }
0x52: {  	_ =	shalt  }
0x53: {  	_ =	shalt  }
0x54: {  	_ =	shalt  }
0x55: {  	_ =	shalt  }
0x56: {  	_ =	shalt  }
0x57: {  	_ =	shalt  }
0x58: {  	_ =	shalt  }
0x59: {  	_ =	shalt  }
0x5a: {  	_ =	shalt  }
0x5b: {  	_ =	shalt  }
0x5c: {  	_ =	shalt  }
0x5d: {  	_ =	shalt  }
0x5e: {  	_ =	shalt  }
0x5f: {  	_ =	shalt  }
0x60: {  	_ =	shalt  }
0x61: {  	_ =	shalt  }
0x62: {  	_ =	shalt  }
0x63: {  	_ =	shalt  }
0x64: {  	_ =	shalt  }
0x65: {  	_ =	shalt  }
0x66: {  	_ =	shalt  }
0x67: {  	_ =	shalt  }
0x68: {  	_ =	shalt  }
0x69: {  	_ =	shalt  }
0x6a: {  	_ =	shalt  }
0x6b: {  	_ =	shalt  }
0x6c: {  	_ =	shalt  }
0x6d: {  	_ =	shalt  }
0x6e: {  	_ =	shalt  }
0x6f: {  	_ =	shalt  }
0x70: {  	_ =	shalt  }
0x71: {  	_ =	shalt  }
0x72: {  	_ =	shalt  }
0x73: {  	_ =	shalt  }
0x74: {  	_ =	shalt  }
0x75: {  	_ =	shalt  }
0x76: {  	_ =	shalt  }
0x77: {  	_ =	shalt  }
0x78: {  	_ =	shalt  }
0x79: {  	_ =	shalt  }
0x7a: {  	_ =	shalt  }
0x7b: {  	_ =	shalt  }
0x7c: {  	_ =	shalt  }
0x7d: {  	_ =	shalt  }
0x7e: {  	_ =	shalt  }
0x7f: {  	_ =	shalt  }
0x80: {  	_ =	shalt  }
0x81: {  	_ =	shalt  }
0x82: {  	_ =	shalt  }
0x83: {  	_ =	shalt  }
0x84: {  	_ =	shalt  }
0x85: {  	_ =	shalt  }
0x86: {  	_ =	shalt  }
0x87: {  	_ =	shalt  }
.Lfunc_end0:
.L_simem_size_0:
called_computation_lowered:
.L_overlay_start_0:
0x88: {  	s2 =	sld [smem:$0x3FD9]  }
0x89: {  	s3 =	sld [smem:$0x3FFE];
	_ =	sdelay $0x1  }
0x8a: {  	s1 =	srdreg.scid  }
0x8b: {  	s0 =	sand.u32 $0x1, s1  }
0x8c: {  	s17 =	sshll.u32 s0, $0xA;
	s2 =	sadd.s32 s3, s2  }
0x8d: {  	s2 =	sadd.s32 s2, s17  }
0x8e: {  	[smem:$0x3FBE] =	sst s2  }
0x8f: {  	_ = 	snop  }
0x90: {  	s2 =	sld [smem:$0x3FD0];
	(tm) =	ssettm $0x1  }
0x91: {  	s18 =	sld [smem:$0x3FFB];
	_ =	sdelay $0x3  }
0x92: {  	_ =	strace s18  }
0x93: {  	s3 =	sld [smem:$0x3FFC];
	_ =	sdelay $0x3  }
0x94: {  	_ =	strace s3  }
0x95: {  	s3 =	sld [smem:$0x3FFD];
	_ =	sdelay $0x3  }
0x96: {  	_ =	strace s3  }
0x97: {  	_ =	strace $0x8FFFFFFF  }
0x98: {  	s19 =	sld [smem:$0x3FDB];
	_ =	sdelay $0x1  }
0x99: {  	s4 =	simm.s32 $_scs_section_size  }
0x9a: {  	s5 =	simm.s32 $_size__tile_overlayer_lowered;
	s6 =	simm.s32 $_tile_overlayer_lowered  }
0x9b: {  	s22 =	simm.s32 $0x1BFF;
	s21 =	sshll.u32 s6, $0x1;
	s3 =	sadd.s32 s4, s19  }
0x9c: {  	s7 =	simm.s32 $0x0;
	s20 =	sshll.u32 s5, $0x1;
	s5 =	sadd.s32 s21, s3  }
0x9d: {  	[timem:s7], [sflag:s22] =	dma.local [hbm:s5], s20  }
0x9e: {  	_ =	swait.ge [sflag:s22], s20  }
0x9f: {  	s4 =	ssub.s32 $0x0, s20;
	[sflag:s22] =	ssyncset.done $0x0  }
0xa0: {  	[sflag:s22] =	ssyncadd.s32 s4;
	_ =	sdelay $0x1  }
0xa1: {  	s23 =	simm.s32 $0x1B8B  }
0xa2: {  	_ =	swait.ge [sflag:s23], $0x1  }
0xa3: {  	[sflag:s23] =	ssyncset.done $0x0  }
0xa4: {  	s25 =	simm.s32 $0x1B8E;
	s24 =	sld [smem:$0x3FFE];
	[sflag:s23] =	ssyncadd.s32 $0xFFFFFFFF  }
0xa5: {  	s26 =	simm.s32 $execute0_lowered;
	[smem:$0x3FD2] =	sst s25  }
0xa6: {  	s5 =	sshll.u32 s26, $0x1;
	_ =	strace $0x80000046;
	[dreg:$0x1] =	wrdreg $0xFFFFFFFF  }
0xa7: {  	s28 =	simm.s32 $_size_execute0_lowered;
	s3 =	sadd.s32 s3, s5;
	[dreg:$0x0] =	wrdreg $0x0  }
0xa8: {  	s5 =	sshll.u32 s28, $0x1;
	[dreg:$0x2] =	wrdreg s3  }
0xa9: {  	[dreg:$0x3] =	wrdreg s5  }
0xaa: {  	[dreg:$0x4] =	wrdreg $0xC0  }
0xab: {  	_ =	task [dreg:s7], $0x5FFFF  }
0xac: {  	[dreg:$0x1] =	wrdreg $0xFFFFFFFF  }
0xad: {  	[dreg:$0x0] =	wrdreg $0x60  }
0xae: {  	[dreg:$0x2] =	wrdreg s24  }
0xaf: {  	[dreg:$0x3] =	wrdreg s2  }
0xb0: {  	[dreg:$0x4] =	wrdreg $0x0  }
0xb1: {  	[dreg:$0x5] =	wrdreg $0x140000  }
0xb2: {  	[dreg:$0x6] =	wrdreg $0x9  }
0xb3: {  	_ =	task.clear_ibuf [dreg:s7], $0x7FFFF;
	_ =	strace $0x90000046  }
0xb4: {  	s29 =	simm.s32 $0x9;
	_ =	strace $0x80000048  }
0xb5: {  	_ =	swait.ge [sflag:s29], $0x1  }
0xb6: {  	[sflag:s29] =	ssyncadd.s32 $0xFFFFFFFF  }
0xb7: {  	_ =	strace $0x90000048  }
0xb8: {  	_ =	sfence  }
0xb9: {  	s30 =	sld [smem:$0x0];
	_ =	sdelay $0x2  }
0xba: {  	s31 =	sshll.u32 s1, $0xD;
	s1 =	sshrl.u32 s1, $0x2  }
0xbb: {  	s3 =	sand.u32 $0x4000, s31;
	s1 =	sadd.s32 s1, s30  }
0xbc: {  	s0 =	sor.u32 s3, s0;
	s1 =	sshll.u32 s1, $0x11  }
0xbd: {  	s0 =	sor.u32 s1, s0  }
0xbe: {  	s0 =	sadd.s32 $0x8F2B, s0  }
0xbf: {  	[sflag:s0] =	ssyncadd.remote.s32 $0x1  }
0xc0: {  	_ =	sfence.sel $0xFFFF  }
0xc1: {  	[dreg:$0x0] =	wrdreg $0xFFFFFFFF;
	(pc) =	sbr.abs _section_cstart, $3  }
0xc2: {  	[dreg:$0x1] =	wrdreg $0xFFFFFFFF  }
0xc3: {  	_ =	task.clear_ibuf [dreg:s7], $0x2FFFF;
	_ =	strace $0x9FFFFFFF  }
0xc4: {  	(tm) =	ssettm $0x7FFFFFFF  }
0xc5: {  	_ =	shalt  }
tec
execute0_lowered:
.L_overlay_start_1:
0x0: {  	(tag) =	ssettag $0x1  }
0x1: {  	s0 =	srdreg.scid;
	s22 =	stileid.u32  }
0x2: {  	s2 =	rddreg [dreg:$0x0];
	s1 =	simm.s32 $0x0;
	s4 =	smul.u32 $0x50, s22  }
0x3: {  	s0 =	sand.u32 $0x1, s0;
	[smem:$0x7FF] =	sst s1;
	s8 =	smul.u32 $0x280, s22  }
0x4: {  	s6 =	sadd.s32 $0x67000, s2;
	s7 =	sadd.s32 $0x5D000, s2;
	s5 =	smul.u32 $0x500, s0  }
0x5: {  	s3 =	ssub.s32 $0x2, s0;
	s11 =	smul.u32 $0x2800, s0;
	s0 =	sshll.u32 s0, $0x4  }
0x6: {  	s10 =	sshrl.u32 s3, $0x1;
	s0 =	sor.u32 s22, s0;
	s9 =	sadd.s32 s4, s5  }
0x7: {  	s3 =	ssub.s32 s3, s10;
	s4 =	sadd.s32 $0x10, s4;
	s14 =	sadd.s32 s11, s8  }
0x8: {  	s10 =	sor.u32 $0x40, s8;
	s9 =	sshll.u32 s9, $0x4;
	s5 =	sadd.s32 s5, s4  }
0x9: {  	s12 =	sadd.s32 s11, s10;
	s3 =	smax.u32 s3, $0x1;
	s9 =	sadd.s32 s7, s9  }
0xa: {  	s5 =	sshll.u32 s5, $0x4;
	s16 =	sshll.u32 s12, $0x4;
	[dreg:$0x5] =	wrdreg s9  }
0xb: {  	s9 =	sshll.u32 s14, $0x4;
	s5 =	sadd.s32 s7, s5;
	s7 =	sadd.s32 $0xC0, s8  }
0xc: {  	s14 =	sadd.s32 $0x100, s8;
	[dreg:$0x6] =	wrdreg s5;
	s15 =	sadd.s32 s6, s9  }
0xd: {  	s5 =	sadd.s32 s6, s16;
	s18 =	sadd.s32 s11, s7;
	[dreg:$0x7] =	wrdreg s15  }
0xe: {  	s13 =	sadd.s32 s11, s14;
	s16 =	sadd.s32 $0x180, s8;
	[dreg:$0x8] =	wrdreg s5  }
0xf: {  	s5 =	sadd.s32 $0x80, s8;
	s12 =	sshll.u32 s18, $0x4;
	s20 =	sshll.u32 s13, $0x4  }
0x10: {  	s23 =	sadd.s32 s11, s16;
	s16 =	sshll.u32 s16, $0x7;
	s17 =	sadd.s32 s11, s5  }
0x11: {  	s19 =	sadd.s32 s6, s12;
	s13 =	sshll.u32 s23, $0x4;
	s23 =	smul.u32 $0xA000, s22  }
0x12: {  	s5 =	sshll.u32 s5, $0x7;
	s9 =	sshll.u32 s17, $0x4;
	[dreg:$0xa] =	wrdreg s19  }
0x13: {  	s17 =	sadd.s32 $0x1C0, s8;
	s24 =	sadd.s32 s6, s13;
	s13 =	rddreg [dreg:$0x2]  }
0x14: {  	s19 =	sadd.s32 $0x35000, s2;
	s9 =	sadd.s32 s6, s9;
	[dreg:$0xd] =	wrdreg s24  }
0x15: {  	s15 =	sadd.s32 s11, s17;
	[dreg:$0x9] =	wrdreg s9;
	s9 =	sadd.s32 s6, s20  }
0x16: {  	s25 =	sshll.u32 s15, $0x4;
	[dreg:$0xb] =	wrdreg s9;
	s9 =	sadd.s32 $0x140, s8  }
0x17: {  	s15 =	rddreg [dreg:$0x3];
	s20 =	sadd.s32 $0x2E00, s2;
	s21 =	sadd.s32 s11, s9  }
0x18: {  	s12 =	sshll.u32 s21, $0x4;
	s21 =	sadd.s32 $0x200, s8;
	s8 =	sadd.s32 $0x240, s8  }
0x19: {  	s12 =	sadd.s32 s6, s12;
	s26 =	sadd.s32 s11, s21;
	s11 =	sadd.s32 s11, s8  }
0x1a: {  	[dreg:$0xc] =	wrdreg s12;
	s12 =	sadd.s32 s6, s25;
	s18 =	sshll.u32 s26, $0x4  }
0x1b: {  	s11 =	sshll.u32 s11, $0x4;
	s25 =	sshrl.u32 s23, $0x2;
	[dreg:$0xe] =	wrdreg s12  }
0x1c: {  	s26 =	sshll.u32 s4, $0x7;
	s4 =	sshll.u32 s10, $0x7;
	s12 =	rddreg [dreg:$0x1]  }
0x1d: {  	s18 =	sadd.s32 s6, s18;
	s6 =	sadd.s32 s6, s11;
	s11 =	smul.u32 $0x50000, s22  }
0x1e: {  	s23 =	sadd.s32 s25, s15;
	s25 =	smul.u32 $0xA2, s0;
	[dreg:$0xf] =	wrdreg s18  }
0x1f: {  	[dreg:$0x10] =	wrdreg s6;
	s18 =	sadd.s32 $0xD000, s2;
	s2 =	sadd.s32 $0x2C00, s2  }
0x20: {  	s0 =	sadd.s32 s4, s13;
	_ =	strace $0x80000047;
	[dreg:$0x11] =	wrdreg s2  }
0x21: {  	s4 =	sshll.u32 s21, $0x7;
	s6 =	sshll.u32 s7, $0x7;
	[dreg:$0x12] =	wrdreg s3  }
0x22: {  	s7 =	sadd.s32 s5, s13;
	s5 =	sshll.u32 s8, $0x7;
	[dreg:$0x13] =	wrdreg s0  }
0x23: {  	s24 =	sshrl.u32 s11, $0x2;
	[dreg:$0x14] =	wrdreg s7;
	s10 =	sadd.s32 s6, s13  }
0x24: {  	s11 =	sshll.u32 s14, $0x7;
	s2 =	sadd.s32 s16, s13;
	[dreg:$0x15] =	wrdreg s10  }
0x25: {  	s14 =	sshll.u32 s9, $0x7;
	s6 =	sadd.s32 s4, s13;
	[dreg:$0x18] =	wrdreg s2  }
0x26: {  	s3 =	sshll.u32 s17, $0x7;
	s7 =	sadd.s32 s5, s13;
	[dreg:$0x1a] =	wrdreg s6  }
0x27: {  	s22 =	sadd.s32 s24, s13;
	s0 =	sadd.s32 s11, s13;
	[dreg:$0x1b] =	wrdreg s7  }
0x28: {  	v0 =	vimm.s32 $0xEFCDAB89;
	v1 =	vimm.s32 $0x67452301;
	s24 =	sadd.s32 s26, s15;
	s26 =	sadd.s32 s14, s13;
	[dreg:$0x16] =	wrdreg s0  }
0x29: {  	v2 =	vimm.s32 $0xDCFE98BA;
	v3 =	vimm.s32 $0x54761032;
	v4 =	vimm.s32 $0xBA98FEDC;
	[dreg:$0x17] =	wrdreg s26;
	s0 =	sadd.s32 s3, s13  }
0x2a: {  	v5 =	vimm.s32 $0x32107654;
	v6 =	vimm.s32 $0xFEDCBA98;
	s8 =	sadd.s32 $0x2000, s22;
	[dreg:$0x19] =	wrdreg s0  }
0x2b: {  	v7 =	vimm.s32 $0x76543210;
	vm0 =	vmmov $0x1;
	vm1 =	vcmask $0x310;
	s9 =	sadd.s32 $0x4000, s22;
	[dreg:$0x1c] =	wrdreg s8  }
0x2c: {  	vm2 =	vcmask $0x710;
	v0 =	vunpack.c.l.s4.s8 v0;
	v1 =	vunpack.c.l.s4.s8 v1;
	s10 =	sadd.s32 $0x6000, s22;
	[dreg:$0x1d] =	wrdreg s9  }
0x2d: {  	s28 =	simm.s32 $0x1A980;
	v2 =	vunpack.c.l.s4.s8 v2;
	v3 =	vunpack.c.l.s4.s8 v3;
	v4 =	vunpack.c.l.s4.s8 v4;
	s11 =	sadd.s32 $0x8000, s22;
	[dreg:$0x1e] =	wrdreg s10  }
0x2e: {  	s29 =	simm.s32 $0x16800;
	v5 =	vunpack.c.l.s4.s8 v5;
	v6 =	vunpack.c.l.s4.s8 v6;
	v0 =	vunpack.c.0.s8.s32 v0;
	s14 =	sadd.s32 $0xA000, s22;
	[dreg:$0x1f] =	wrdreg s11  }
0x2f: {  	s30 =	simm.s32 $0x40;
	v1 =	vunpack.c.0.s8.s32 v1;
	v2 =	vunpack.c.0.s8.s32 v2;
	v3 =	vunpack.c.0.s8.s32 v3;
	s16 =	sadd.s32 $0xC000, s22;
	[smem:$0x7F9] =	sst s14  }
0x30: {  	s31 =	simm.s32 $0x18980;
	v7 =	vunpack.c.l.s4.s8 v7;
	v4 =	vunpack.c.0.s8.s32 v4;
	v5 =	vunpack.c.0.s8.s32 v5;
	s17 =	sadd.s32 $0xE000, s22;
	[smem:$0x7FA] =	sst s16  }
0x31: {  	v1 =	vcombine.low v1, v0;
	v2 =	vcombine.low v3, v2;
	v3 =	vunpack.c.0.s8.s32 v6;
	s4 =	simm.s32 $0x0;
	s21 =	sadd.s32 $0x10000, s22;
	[smem:$0x7FB] =	sst s17  }
0x32: {  	vm3 =	vcmask $0xB10;
	v4 =	vcombine.low v5, v4;
	v5 =	vunpack.c.0.s8.s32 v7;
	s2 =	simm.s32 $0x16880;
	s26 =	sadd.s32 $0x12000, s22;
	[smem:$0x7FC] =	sst s21  }
0x33: {  	v0 =	vimm.f32 $0.0e+00;
	v1 =	vand.u32 $0xF, v1;
	v6 =	vand.u32 $0xF, v3;
	s3 =	simm.s32 $0x16900;
	[smem:$0x7FD] =	sst s26;
	s21 =	simm.s32 $0x16980  }
0x34: {  	v2 =	vand.u32 $0xF, v2;
	v3 =	vand.u32 $0xF, v4;
	v4 =	vcombine.low v6, v5;
	s26 =	simm.s32 $0x3;
	s14 =	simm.s32 $0x1;
	s0 =	simm.s32 $0x2  }
.LBB2_1:
0x35: {  	s5 =	simm.s32 $0x0;
	s6 =	simm.s32 $0x200  }
.LBB2_2:
0x36: {  	p0 =	sne.s32 s6, $0x7E00;
	[tilespmem:s5+$0x1A9F0] =	vst v0  }
0x37: {  	[tilespmem:s5+$0x16980] =	vst v0  }
0x38: {  	[tilespmem:s5+$0x1A980] =	vst v0  }
0x39: {  	[tilespmem:s5+$0x16990] =	vst v0  }
0x3a: {  	[tilespmem:s5+$0x1A990] =	vst v0  }
0x3b: {  	[tilespmem:s5+$0x169A0] =	vst v0  }
0x3c: {  	[tilespmem:s5+$0x1A9A0] =	vst v0  }
0x3d: {  	[tilespmem:s5+$0x169B0] =	vst v0  }
0x3e: {  	[tilespmem:s5+$0x1A9B0] =	vst v0  }
0x3f: {  	[tilespmem:s5+$0x169C0] =	vst v0  }
0x40: {  	[tilespmem:s5+$0x1A9C0] =	vst v0  }
.Ltmp0:
0x41: {  	[tilespmem:s5+$0x169D0] =	vst v0;
	(pc) =	sbr.rel @p0 .LBB2_2-.Ltmp0, $4  }
0x42: {  	[tilespmem:s5+$0x1A9D0] =	vst v0  }
0x43: {  	[tilespmem:s5+$0x169E0] =	vst v0  }
0x44: {  	[tilespmem:s5+$0x1A9E0] =	vst v0  }
0x45: {  	[tilespmem:s5+$0x169F0] =	vst v0;
	s5 =	sshra.s32 s6, $0x2;
	s6 =	sadd.s32 $0x200, s6  }
0x46: {  	[tilespmem:s5+$0x1A9F0] =	vst v0  }
0x47: {  	[tilespmem:s5+$0x16980] =	vst v0  }
0x48: {  	[tilespmem:s5+$0x1A980] =	vst v0  }
0x49: {  	[tilespmem:s5+$0x16990] =	vst v0  }
0x4a: {  	[tilespmem:s5+$0x1A990] =	vst v0  }
0x4b: {  	[tilespmem:s5+$0x169A0] =	vst v0  }
0x4c: {  	[tilespmem:s5+$0x1A9A0] =	vst v0  }
0x4d: {  	[tilespmem:s5+$0x169B0] =	vst v0  }
0x4e: {  	[tilespmem:s5+$0x1A9B0] =	vst v0  }
0x4f: {  	[tilespmem:s5+$0x169C0] =	vst v0  }
0x50: {  	[tilespmem:s5+$0x1A9C0] =	vst v0  }
0x51: {  	[tilespmem:s5+$0x169D0] =	vst v0  }
0x52: {  	[tilespmem:s5+$0x1A9D0] =	vst v0  }
0x53: {  	[tilespmem:s5+$0x169E0] =	vst v0  }
0x54: {  	[tilespmem:s5+$0x1A9E0] =	vst v0  }
0x55: {  	[tilespmem:s5+$0x169F0] =	vst v0  }
0x56: {  	[spmem:s22] =	stream.linear.scatter [tilespmem:s21], [sflag:$0x3], $0x2000, $0x38;
	[tilespmem:$0x1CA00] =	vst v63  }
0x57: {  	_ =	swait.ge [sflag:s26], $0x2000  }
0x58: {  	[sflag:s26] =	ssyncset.done $0x0  }
0x59: {  	s17 =	rddreg [dreg:$0x1c];
	[sflag:s26] =	ssyncadd.s32 $0xFFFFE000  }
0x5a: {  	[spmem:s17] =	stream.linear.scatter [tilespmem:s21], [sflag:$0x3], $0x2000, $0x38;
	[tilespmem:$0x1CA00] =	vst v63  }
0x5b: {  	_ =	swait.ge [sflag:s26], $0x2000  }
0x5c: {  	[sflag:s26] =	ssyncset.done $0x0  }
0x5d: {  	s6 =	rddreg [dreg:$0x1d];
	[sflag:s26] =	ssyncadd.s32 $0xFFFFE000  }
0x5e: {  	[spmem:s6] =	stream.linear.scatter [tilespmem:s21], [sflag:$0x3], $0x2000, $0x38;
	[tilespmem:$0x1CA00] =	vst v63  }
0x5f: {  	_ =	swait.ge [sflag:s26], $0x2000  }
0x60: {  	[sflag:s26] =	ssyncset.done $0x0  }
0x61: {  	s7 =	rddreg [dreg:$0x1e];
	[sflag:s26] =	ssyncadd.s32 $0xFFFFE000  }
0x62: {  	[spmem:s7] =	stream.linear.scatter [tilespmem:s21], [sflag:$0x3], $0x2000, $0x38;
	[tilespmem:$0x1CA00] =	vst v63  }
0x63: {  	_ =	swait.ge [sflag:s26], $0x2000  }
0x64: {  	[sflag:s26] =	ssyncset.done $0x0  }
0x65: {  	s8 =	rddreg [dreg:$0x1f];
	[sflag:s26] =	ssyncadd.s32 $0xFFFFE000  }
0x66: {  	[spmem:s8] =	stream.linear.scatter [tilespmem:s21], [sflag:$0x3], $0x2000, $0x38;
	[tilespmem:$0x1CA00] =	vst v63  }
0x67: {  	_ =	swait.ge [sflag:s26], $0x2000  }
0x68: {  	s9 =	sld [smem:$0x7F9]  }
0x69: {  	[sflag:s26] =	ssyncset.done $0x0  }
0x6a: {  	[sflag:s26] =	ssyncadd.s32 $0xFFFFE000  }
0x6b: {  	[spmem:s9] =	stream.linear.scatter [tilespmem:s21], [sflag:$0x3], $0x2000, $0x38;
	[tilespmem:$0x1CA00] =	vst v63  }
0x6c: {  	_ =	swait.ge [sflag:s26], $0x2000  }
0x6d: {  	s10 =	sld [smem:$0x7FA]  }
0x6e: {  	[sflag:s26] =	ssyncset.done $0x0  }
0x6f: {  	[sflag:s26] =	ssyncadd.s32 $0xFFFFE000  }
0x70: {  	[spmem:s10] =	stream.linear.scatter [tilespmem:s21], [sflag:$0x3], $0x2000, $0x38;
	[tilespmem:$0x1CA00] =	vst v63  }
0x71: {  	_ =	swait.ge [sflag:s26], $0x2000  }
0x72: {  	s11 =	sld [smem:$0x7FB]  }
0x73: {  	[sflag:s26] =	ssyncset.done $0x0  }
0x74: {  	[sflag:s26] =	ssyncadd.s32 $0xFFFFE000  }
0x75: {  	[spmem:s11] =	stream.linear.scatter [tilespmem:s21], [sflag:$0x3], $0x2000, $0x38;
	[tilespmem:$0x1CA00] =	vst v63  }
0x76: {  	_ =	swait.ge [sflag:s26], $0x2000  }
0x77: {  	s16 =	sld [smem:$0x7FC]  }
0x78: {  	[sflag:s26] =	ssyncset.done $0x0  }
0x79: {  	[sflag:s26] =	ssyncadd.s32 $0xFFFFE000  }
0x7a: {  	[spmem:s16] =	stream.linear.scatter [tilespmem:s21], [sflag:$0x3], $0x2000, $0x38;
	[tilespmem:$0x1CA00] =	vst v63  }
0x7b: {  	_ =	swait.ge [sflag:s26], $0x2000  }
0x7c: {  	s17 =	sld [smem:$0x7FD]  }
0x7d: {  	[sflag:s26] =	ssyncset.done $0x0  }
0x7e: {  	[sflag:s26] =	ssyncadd.s32 $0xFFFFE000  }
0x7f: {  	[spmem:s17] =	stream.linear.scatter [tilespmem:s21], [sflag:$0x3], $0x2000, $0x38;
	[tilespmem:$0x1CA00] =	vst v63  }
0x80: {  	_ =	swait.ge [sflag:s26], $0x2000  }
0x81: {  	[sflag:s26] =	ssyncset.done $0x0  }
0x82: {  	[sflag:s26] =	ssyncadd.s32 $0xFFFFE000  }
0x83: {  	[spmem:s23] =	stream.linear.scatter [tilespmem:s28], [sflag:$0x3], $0x2000, $0x38;
	[tilespmem:$0x1CA00] =	vst v63  }
0x84: {  	_ =	swait.ge [sflag:s26], $0x2000  }
0x85: {  	[sflag:s26] =	ssyncset.done $0x0  }
0x86: {  	[sflag:s26] =	ssyncadd.s32 $0xFFFFE000  }
0x87: {  	[spmem:s24] =	stream.linear.scatter [tilespmem:s28], [sflag:$0x3], $0x2000, $0x38;
	[tilespmem:$0x1CA00] =	vst v63  }
0x88: {  	_ =	swait.ge [sflag:s26], $0x2000  }
0x89: {  	s5 =	simm.s32 $0x0;
	[sflag:s26] =	ssyncset.done $0x0  }
0x8a: {  	s7 =	simm.s32 $0x1C980;
	s6 =	rddreg [dreg:$0x11];
	[sflag:s26] =	ssyncadd.s32 $0xFFFFE000  }
0x8b: {  	[tilespmem:s7], [sflag:$0x3] =	stream.linear.gather [hbm4b:s6+s5], $0x80, $0x38;
	[tilespmem:$0x1CA00] =	vst v63  }
0x8c: {  	_ =	swait.ge [sflag:s26], $0x80  }
0x8d: {  	[sflag:s26] =	ssyncset.done $0x0  }
0x8e: {  	[sflag:s26] =	ssyncadd.s32 $0xFFFFFF80  }
0x8f: {  	[bflag:$0x0] =	sbarrier.arrive $0xFFFF  }
0x90: {  	v5 =	vld [tilespmem:$0x1C980]  }
0x91: {  	v6 =	vld [tilespmem:$0x1C990]  }
0x92: {  	v7 =	vld [tilespmem:$0x1C9A0]  }
0x93: {  	v8 =	vld [tilespmem:$0x1C9B0]  }
0x94: {  	v9 =	vld [tilespmem:$0x1C9C0]  }
0x95: {  	v10 =	vld [tilespmem:$0x1C9D0]  }
0x96: {  	v11 =	vld [tilespmem:$0x1C9E0]  }
0x97: {  	s6 =	simm.s32 $0x0;
	v12 =	vld [tilespmem:$0x1C9F0]  }
.LBB2_4:
0x98: {  	s7 =	sadd.s32 s25, s6  }
0x99: {  	s7 =	sshll.u32 s7, $0x3  }
0x9a: {  	s8 =	sadd.s32 s12, s7  }
0x9b: {  	[tilespmem:s29], [sflag:$0x3] =	stream.linear.gather [hbm4b:s8+s5], $0x40, $0x38;
	[tilespmem:$0x1CA00] =	vst v63  }
0x9c: {  	_ =	swait.ge [sflag:s26], $0x40  }
0x9d: {  	[sflag:s26] =	ssyncset.done $0x0  }
0x9e: {  	s9 =	simm.s32 $0x16880;
	s7 =	sadd.s32 s20, s7;
	[sflag:s26] =	ssyncadd.s32 $0xFFFFFFC0  }
0x9f: {  	[tilespmem:s9], [sflag:$0x3] =	stream.linear.gather [hbm4b:s7+s5], $0x40, $0x38;
	[tilespmem:$0x1CA00] =	vst v63  }
0xa0: {  	_ =	swait.ge [sflag:s26], $0x40  }
0xa1: {  	[sflag:s26] =	ssyncset.done $0x0  }
0xa2: {  	[sflag:s26] =	ssyncadd.s32 $0xFFFFFFC0  }
0xa3: {  	[tilespmem:s21], [sflag:$0x1] =	stream.indirect.gather [hbm4b:s18+s30], $0x80, s29, s30, $0xb8;
	[tilespmem:$0x1CA00] =	vst v63  }
0xa4: {  	_ = 	snop  }
0xa5: {  	[tilespmem:s31], [sflag:$0x2] =	stream.indirect.gather [hbm4b:s19+s30], $0x80, s9, s30, $0xb8;
	[tilespmem:$0x1CA00] =	vst v63  }
0xa6: {  	_ =	swait.ge [sflag:s14], $0x2000  }
0xa7: {  	[sflag:s14] =	ssyncset.done $0x0  }
0xa8: {  	[sflag:s14] =	ssyncadd.s32 $0xFFFFE000  }
0xa9: {  	_ =	swait.ge [sflag:s0], $0x2000  }
0xaa: {  	[sflag:s0] =	ssyncset.done $0x0  }
0xab: {  	[sflag:s0] =	ssyncadd.s32 $0xFFFFE000  }
0xac: {  	v13 =	vld [tilespmem:$0x16880]  }
0xad: {  	v14 =	vld [tilespmem:$0x16890]  }
0xae: {  	v15 =	vld [tilespmem:$0x168A0]  }
0xaf: {  	v16 =	vld [tilespmem:$0x168B0];
	_ =	sdelay $0x1  }
0xb0: {  	v13 =	vshrl.u32 v13, $0x3  }
0xb1: {  	[tilespmem:$0x16900] =	vst v13;
	v13 =	vshrl.u32 v14, $0x3  }
0xb2: {  	[tilespmem:$0x16910] =	vst v13;
	v13 =	vshrl.u32 v15, $0x3  }
0xb3: {  	[tilespmem:$0x16920] =	vst v13;
	v13 =	vshrl.u32 v16, $0x3  }
0xb4: {  	s7 =	simm.s32 $0x0;
	[tilespmem:$0x16930] =	vst v13  }
0xb5: {  	v14 =	vld [tilespmem:s7+$0x189F0]  }
0xb6: {  	v20 =	vld [tilespmem:s7+$0x189C0]  }
0xb7: {  	v17 =	vld [tilespmem:s7+$0x169E0]  }
0xb8: {  	v26 =	vld [tilespmem:s7+$0x189E0]  }
0xb9: {  	v15 =	vld [tilespmem:s7+$0x169A0]  }
0xba: {  	v21 =	vld [tilespmem:s7+$0x189D0]  }
0xbb: {  	v18 =	vld [tilespmem:s7+$0x169F0]  }
0xbc: {  	v13 =	vld [tilespmem:s7+$0x169C0]  }
0xbd: {  	v27 =	vld [tilespmem:s7+$0x189A0]  }
0xbe: {  	v25 =	vld [tilespmem:s7+$0x189B0]  }
0xbf: {  	v19 =	vld [tilespmem:s7+$0x169B0]  }
0xc0: {  	v16 =	vld [tilespmem:s7+$0x169D0]  }
0xc1: {  	v23 =	vld [tilespmem:s7+$0x18980];
	v24 =	vadd.f32 v14, v18;
	v22 =	vadd.f32 v20, v13  }
0xc2: {  	s10 =	simm.s32 $0x200;
	s8 =	simm.s32 $0x16880;
	v14 =	vld [tilespmem:s7+$0x16980];
	v27 =	vadd.f32 v27, v15;
	v26 =	vadd.f32 v26, v17  }
.LBB2_5:
0xc3: {  	p0 =	sne.s32 s10, $0x7E00  }
0xc4: {  	v20 =	vld [tilespmem:s7+$0x16990];
	v28 =	vmul.f32 $2.000000030e-01, v24;
	s9 =	sadd.s32 $0x1, s9;
	s11 =	smov.u32 s10;
	s10 =	sadd.s32 $0x200, s10  }
0xc5: {  	v29 =	vld [tilespmem:s7+$0x18990];
	v30 =	vmul.f32 $2.000000030e-01, v27;
	v25 =	vadd.f32 v25, v19;
	v31 =	vmul.f32 $2.000000030e-01, v26  }
0xc6: {  	v32 =	vmul.f32 $2.000000030e-01, v22;
	v21 =	vadd.f32 v21, v16;
	v24 =	vmax.f32 v24, v28  }
0xc7: {  	v27 =	vmax.f32 v27, v30;
	v28 =	vmul.f32 $2.000000030e-01, v25;
	v26 =	vmax.f32 v26, v31  }
0xc8: {  	v22 =	vmax.f32 v22, v32;
	v23 =	vadd.f32 v23, v14;
	v26 =	vmul.f32 v26, v11  }
0xc9: {  	v24 =	vmul.f32 v24, v12;
	v25 =	vmax.f32 v25, v28;
	v28 =	vmul.f32 $2.000000030e-01, v21  }
0xca: {  	v27 =	vmul.f32 v27, v7;
	v29 =	vadd.f32 v29, v20;
	v25 =	vmul.f32 v25, v8  }
0xcb: {  	v30 =	vmul.f32 $2.000000030e-01, v23;
	v24 =	vadd.f32 v24, v26;
	v21 =	vmax.f32 v21, v28  }
0xcc: {  	v26 =	vmul.f32 $2.000000030e-01, v29;
	v21 =	vmul.f32 v21, v10;
	v25 =	vadd.f32 v25, v27  }
0xcd: {  	v22 =	vmul.f32 v22, v9;
	v23 =	vmax.f32 v23, v30;
	v27 =	vperm.xlane v24, v1  }
0xce: {  	v23 =	vmul.f32 v23, v5;
	v26 =	vmax.f32 v29, v26;
	v28 =	vperm.xlane v25, v1  }
0xcf: {  	v21 =	vadd.f32 v21, v22;
	v22 =	vadd.f32 v27, v24;
	v26 =	vmul.f32 v26, v6  }
0xd0: {  	v24 =	vadd.f32 v28, v25  }
0xd1: {  	v25 =	vperm.xlane v21, v1;
	v23 =	vadd.f32 v26, v23;
	v26 =	vperm.xlane v22, v2  }
0xd2: {  	v27 =	vperm.xlane v24, v2  }
0xd3: {  	v21 =	vadd.f32 v25, v21;
	v28 =	vperm.xlane v23, v1;
	v22 =	vadd.f32 v26, v22  }
0xd4: {  	s11 =	sshra.s32 s11, $0x2;
	v24 =	vadd.f32 v27, v24  }
0xd5: {  	v25 =	vperm.xlane v21, v2;
	v23 =	vadd.f32 v28, v23;
	v26 =	vperm.xlane v22, v3  }
0xd6: {  	v27 =	vperm.xlane v24, v3  }
0xd7: {  	v21 =	vadd.f32 v25, v21;
	v28 =	vperm.xlane v23, v2;
	v22 =	vadd.f32 v26, v22  }
0xd8: {  	v24 =	vadd.f32 v27, v24  }
0xd9: {  	v25 =	vperm.xlane v21, v3;
	v23 =	vadd.f32 v28, v23;
	v26 =	vperm.xlane v22, v4  }
0xda: {  	v27 =	vperm.xlane v24, v4  }
0xdb: {  	v21 =	vadd.f32 v25, v21;
	v28 =	vperm.xlane v23, v3;
	v22 =	vadd.f32 v26, v22  }
0xdc: {  	v24 =	vadd.f32 v27, v24  }
0xdd: {  	v25 =	vperm.xlane v21, v4;
	v23 =	vadd.f32 v28, v23;
	v22 =	vmul.f32 $1.442695020e+00, v22  }
0xde: {  	v24 =	vmul.f32 $1.442695020e+00, v24  }
0xdf: {  	v21 =	vadd.f32 v25, v21;
	v26 =	vperm.xlane v23, v4;
	(erf) = vpow2.f32 v22  }
0xe0: {  	(erf) = vpow2.f32 v24  }
0xe1: {  	v21 =	vmul.f32 $1.442695020e+00, v21;
	v22 =	vadd.f32 v26, v23;
	_ =	sdelay $0x1  }
0xe2: {  	v22 =	vmul.f32 $1.442695020e+00, v22;
	[tilespmem:s7+$0x1A9F0] =	vst v0;
	(erf) = vpow2.f32 v21  }
0xe3: {  	[tilespmem:s7+$0x1A9E0] =	vst v0  }
0xe4: {  	[tilespmem:s7+$0x1A9D0] =	vst v0;
	(erf) = vpow2.f32 v22  }
0xe5: {  	[tilespmem:s7+$0x1A9C0] =	vst v0  }
0xe6: {  	[tilespmem:s7+$0x1A9B0] =	vst v0  }
0xe7: {  	[tilespmem:s7+$0x1A9A0] =	vst v0;
	v21 =	vpop (erf)  }
0xe8: {  	v17 =	vmul.f32 v21, v17;
	v18 =	vmul.f32 v21, v18;
	[tilespmem:s7+$0x1A990] =	vst v0;
	v22 =	vpop (erf)  }
0xe9: {  	v23 =	vmul.f32 v22, v15;
	v19 =	vmul.f32 v22, v19;
	[tilespmem:s7+$0x1A980] =	vst v0  }
0xea: {  	[tilespmem:s7+$0x169E0] =	vst v17  }
0xeb: {  	[tilespmem:s7+$0x169A0] =	vst v23;
	v15 =	vpop (erf)  }
0xec: {  	[tilespmem:s7+$0x169B0] =	vst v19;
	v13 =	vmul.f32 v15, v13;
	v16 =	vmul.f32 v15, v16  }
0xed: {  	[tilespmem:s7+$0x169F0] =	vst v18;
	v17 =	vpop (erf)  }
0xee: {  	v14 =	vmul.f32 v17, v14;
	v18 =	vmul.f32 v17, v20;
	v17 =	vnsel vm0, $0x0, v17;
	[tilespmem:s7+$0x169C0] =	vst v13  }
0xef: {  	v13 =	vsel vm1, v17, v22;
	[tilespmem:s7+$0x169D0] =	vst v16  }
0xf0: {  	[tilespmem:s7+$0x16980] =	vst v14;
	v13 =	vsel vm2, v13, v15  }
0xf1: {  	[tilespmem:s7+$0x16990] =	vst v18;
	v13 =	vsel vm3, v13, v21  }
0xf2: {  	v14 =	vld.msk [tilespmem:s8+$0x0], $0x1;
	s8 =	smov.u32 s9;
	_ =	sdelay $0x4  }
0xf3: {  	(v2sf) =	vpush v14, $0x0;
	_ =	sdelay $0xe  }
0xf4: {  	s16 =	spop (v2sf)  }
0xf5: {  	s16 =	sand.u32 $0x7, s16  }
0xf6: {  	s17 =	sadd.s32 $0x1A980, s7;
	s7 =	smov.u32 s11;
	s16 =	sshll.u32 s16, $0x4  }
0xf7: {  	s11 =	sadd.s32 s16, s17  }
0xf8: {  	[tilespmem:s11+$0x0] =	vst v13  }
0xf9: {  	v14 =	vld [tilespmem:s7+$0x189F0]  }
0xfa: {  	v20 =	vld [tilespmem:s7+$0x189C0]  }
0xfb: {  	v17 =	vld [tilespmem:s7+$0x169E0]  }
0xfc: {  	v26 =	vld [tilespmem:s7+$0x189E0]  }
0xfd: {  	v15 =	vld [tilespmem:s7+$0x169A0]  }
0xfe: {  	v21 =	vld [tilespmem:s7+$0x189D0]  }
0xff: {  	v18 =	vld [tilespmem:s7+$0x169F0]  }
0x100: {  	v13 =	vld [tilespmem:s7+$0x169C0]  }
0x101: {  	v27 =	vld [tilespmem:s7+$0x189A0]  }
.Ltmp1:
0x102: {  	v25 =	vld [tilespmem:s7+$0x189B0];
	(pc) =	sbr.rel @p0 .LBB2_5-.Ltmp1, $4  }
0x103: {  	v19 =	vld [tilespmem:s7+$0x169B0]  }
0x104: {  	v16 =	vld [tilespmem:s7+$0x169D0];
	v24 =	vadd.f32 v14, v18  }
0x105: {  	v14 =	vld [tilespmem:s7+$0x16980];
	v22 =	vadd.f32 v20, v13  }
0x106: {  	v26 =	vadd.f32 v26, v17;
	v23 =	vld [tilespmem:s7+$0x18980];
	v27 =	vadd.f32 v27, v15  }
0x107: {  	_ = 	snop  }
0x108: {  	v28 =	vmul.f32 $2.000000030e-01, v24;
	v25 =	vadd.f32 v25, v19  }
0x109: {  	v20 =	vld [tilespmem:s7+$0x16990];
	v30 =	vmul.f32 $2.000000030e-01, v27;
	v31 =	vmul.f32 $2.000000030e-01, v26  }
0x10a: {  	v29 =	vld [tilespmem:s7+$0x18990];
	v32 =	vmul.f32 $2.000000030e-01, v22;
	v21 =	vadd.f32 v21, v16;
	v44 =	vmul.f32 $2.000000030e-01, v25  }
0x10b: {  	v24 =	vmax.f32 v24, v28;
	v27 =	vmax.f32 v27, v30;
	v26 =	vmax.f32 v26, v31  }
0x10c: {  	v24 =	vmul.f32 v24, v12;
	v26 =	vmul.f32 v26, v11;
	v25 =	vmax.f32 v25, v44  }
0x10d: {  	v22 =	vmax.f32 v22, v32;
	v27 =	vmul.f32 v27, v7;
	v25 =	vmul.f32 v25, v8  }
0x10e: {  	v22 =	vmul.f32 v22, v9;
	v23 =	vadd.f32 v23, v14;
	v24 =	vadd.f32 v24, v26  }
0x10f: {  	v45 =	vmul.f32 $2.000000030e-01, v21;
	v29 =	vadd.f32 v29, v20;
	v25 =	vadd.f32 v25, v27  }
0x110: {  	v46 =	vmul.f32 $2.000000030e-01, v23;
	v48 =	vperm.xlane v24, v1  }
0x111: {  	v21 =	vmax.f32 v21, v45;
	v47 =	vmul.f32 $2.000000030e-01, v29;
	v49 =	vperm.xlane v25, v1  }
0x112: {  	v21 =	vmul.f32 v21, v10;
	v23 =	vmax.f32 v23, v46;
	v50 =	vadd.f32 v48, v24  }
0x113: {  	v23 =	vmul.f32 v23, v5;
	v26 =	vmax.f32 v29, v47;
	v51 =	vadd.f32 v49, v25  }
0x114: {  	v21 =	vadd.f32 v21, v22;
	v26 =	vmul.f32 v26, v6;
	v53 =	vperm.xlane v50, v2  }
0x115: {  	v54 =	vperm.xlane v51, v2  }
0x116: {  	v52 =	vperm.xlane v21, v1;
	v23 =	vadd.f32 v26, v23;
	v22 =	vadd.f32 v53, v50  }
0x117: {  	v24 =	vadd.f32 v54, v51  }
0x118: {  	v21 =	vadd.f32 v52, v21;
	v55 =	vperm.xlane v23, v1;
	v26 =	vperm.xlane v22, v3  }
0x119: {  	v27 =	vperm.xlane v24, v3  }
0x11a: {  	v25 =	vperm.xlane v21, v2;
	v23 =	vadd.f32 v55, v23;
	v22 =	vadd.f32 v26, v22  }
0x11b: {  	v24 =	vadd.f32 v27, v24  }
0x11c: {  	v21 =	vadd.f32 v25, v21;
	v28 =	vperm.xlane v23, v2;
	v26 =	vperm.xlane v22, v4  }
0x11d: {  	v27 =	vperm.xlane v24, v4  }
0x11e: {  	v25 =	vperm.xlane v21, v3;
	v23 =	vadd.f32 v28, v23;
	v22 =	vadd.f32 v26, v22  }
0x11f: {  	v24 =	vadd.f32 v27, v24  }
0x120: {  	v21 =	vadd.f32 v25, v21;
	v28 =	vperm.xlane v23, v3;
	v22 =	vmul.f32 $1.442695020e+00, v22  }
0x121: {  	v24 =	vmul.f32 $1.442695020e+00, v24  }
0x122: {  	v25 =	vperm.xlane v21, v4;
	v23 =	vadd.f32 v28, v23;
	(erf) = vpow2.f32 v22  }
0x123: {  	(erf) = vpow2.f32 v24  }
0x124: {  	v21 =	vadd.f32 v25, v21;
	v56 =	vperm.xlane v23, v4;
	_ =	sdelay $0x1  }
0x125: {  	v21 =	vmul.f32 $1.442695020e+00, v21;
	v57 =	vadd.f32 v56, v23;
	_ =	sdelay $0x1  }
0x126: {  	[tilespmem:s7+$0x1A9F0] =	vst v0;
	(erf) = vpow2.f32 v21;
	v22 =	vmul.f32 $1.442695020e+00, v57  }
0x127: {  	[tilespmem:s7+$0x1A9E0] =	vst v0  }
0x128: {  	[tilespmem:s7+$0x1A9D0] =	vst v0;
	(erf) = vpow2.f32 v22  }
0x129: {  	[tilespmem:s7+$0x1A9C0] =	vst v0;
	v58 =	vpop (erf)  }
0x12a: {  	[tilespmem:s7+$0x1A9B0] =	vst v0;
	v59 =	vpop (erf)  }
0x12b: {  	[tilespmem:s7+$0x1A9A0] =	vst v0;
	v15 =	vmul.f32 v59, v15  }
0x12c: {  	[tilespmem:s7+$0x1A990] =	vst v0;
	v17 =	vmul.f32 v58, v17  }
0x12d: {  	[tilespmem:s7+$0x1A980] =	vst v0  }
0x12e: {  	v61 =	vmul.f32 v58, v18;
	[tilespmem:s7+$0x169E0] =	vst v17  }
0x12f: {  	v60 =	vmul.f32 v59, v19;
	[tilespmem:s7+$0x169A0] =	vst v15;
	v15 =	vpop (erf)  }
0x130: {  	[tilespmem:s7+$0x169F0] =	vst v61;
	v13 =	vmul.f32 v15, v13  }
0x131: {  	[tilespmem:s7+$0x169B0] =	vst v60;
	v62 =	vmul.f32 v15, v16;
	v63 =	vpop (erf)  }
0x132: {  	v14 =	vmul.f32 v63, v14;
	[tilespmem:s7+$0x169C0] =	vst v13  }
0x133: {  	v13 =	vmul.f32 v63, v20;
	[tilespmem:s7+$0x169D0] =	vst v62  }
0x134: {  	[tilespmem:s7+$0x16980] =	vst v14  }
0x135: {  	[tilespmem:s7+$0x16990] =	vst v13  }
0x136: {  	v13 =	vld.msk [tilespmem:s8+$0x0], $0x1;
	_ =	sdelay $0x4  }
0x137: {  	(v2sf) =	vpush v13, $0x0;
	_ =	sdelay $0xe  }
0x138: {  	v13 =	vnsel vm0, $0x0, v63;
	s16 =	spop (v2sf)  }
0x139: {  	v13 =	vsel vm1, v13, v59;
	s8 =	sand.u32 $0x7, s16  }
0x13a: {  	s17 =	sadd.s32 $0x1A980, s7;
	v13 =	vsel vm2, v13, v15;
	s8 =	sshll.u32 s8, $0x4  }
0x13b: {  	v13 =	vsel vm3, v13, v58;
	s7 =	sadd.s32 s8, s17  }
0x13c: {  	[tilespmem:s7+$0x0] =	vst v13  }
0x13d: {  	[spmem:s13] =	stream.indirect.scatter.add.f32 [tilespmem:s21], [sflag:$0x3], $0x80, s2, s30, $0xb8;
	[tilespmem:$0x1CA00] =	vst v63  }
0x13e: {  	s6 =	sadd.s32 $0x1, s6;
	_ =	swait.ge [sflag:s26], $0x2000  }
0x13f: {  	p0 =	sne.s32 s6, $0xA2;
	[sflag:s26] =	ssyncset.done $0x0  }
.Ltmp2:
0x140: {  	[sflag:s26] =	ssyncadd.s32 $0xFFFFE000;
	(pc) =	sbr.rel @p0 .LBB2_4-.Ltmp2, $4  }
0x141: {  	[spmem:s15] =	stream.indirect.scatter.add.f32 [tilespmem:s28], [sflag:$0x3], $0x80, s3, s30, $0xb8;
	[tilespmem:$0x1CA00] =	vst v63  }
0x142: {  	_ =	swait.ge [sflag:s26], $0x2000  }
0x143: {  	[sflag:s26] =	ssyncset.done $0x0  }
0x144: {  	[sflag:s26] =	ssyncadd.s32 $0xFFFFE000  }
0x145: {  	[bflag:$0x0] =	sbarrier.arrive $0xFFFF  }
0x146: {  	[tilespmem:s21], [sflag:$0x3] =	stream.linear.gather [spmem:s22], $0x2000, $0x38;
	[tilespmem:$0x1CA00] =	vst v63  }
0x147: {  	_ =	swait.ge [sflag:s26], $0x2000  }
0x148: {  	[sflag:s26] =	ssyncset.done $0x0  }
0x149: {  	s5 =	rddreg [dreg:$0x7];
	[sflag:s26] =	ssyncadd.s32 $0xFFFFE000  }
0x14a: {  	[hbm4b:s5+s1] =	stream.linear.scatter [tilespmem:s21], [sflag:$0x3], $0x2000, $0x38;
	[tilespmem:$0x1CA00] =	vst v63  }
0x14b: {  	_ =	swait.ge [sflag:s26], $0x2000  }
0x14c: {  	[sflag:s26] =	ssyncset.done $0x0  }
0x14d: {  	s9 =	rddreg [dreg:$0x13];
	[sflag:s26] =	ssyncadd.s32 $0xFFFFE000  }
0x14e: {  	[tilespmem:s21], [sflag:$0x3] =	stream.linear.gather [spmem:s9], $0x2000, $0x38;
	[tilespmem:$0x1CA00] =	vst v63  }
0x14f: {  	_ =	swait.ge [sflag:s26], $0x2000  }
0x150: {  	[sflag:s26] =	ssyncset.done $0x0  }
0x151: {  	s10 =	rddreg [dreg:$0x8];
	[sflag:s26] =	ssyncadd.s32 $0xFFFFE000  }
0x152: {  	[hbm4b:s10+s1] =	stream.linear.scatter [tilespmem:s21], [sflag:$0x3], $0x2000, $0x38;
	[tilespmem:$0x1CA00] =	vst v63  }
0x153: {  	_ =	swait.ge [sflag:s26], $0x2000  }
0x154: {  	[sflag:s26] =	ssyncset.done $0x0  }
0x155: {  	s11 =	rddreg [dreg:$0x14];
	[sflag:s26] =	ssyncadd.s32 $0xFFFFE000  }
0x156: {  	[tilespmem:s21], [sflag:$0x3] =	stream.linear.gather [spmem:s11], $0x2000, $0x38;
	[tilespmem:$0x1CA00] =	vst v63  }
0x157: {  	_ =	swait.ge [sflag:s26], $0x2000  }
0x158: {  	[sflag:s26] =	ssyncset.done $0x0  }
0x159: {  	s16 =	rddreg [dreg:$0x9];
	[sflag:s26] =	ssyncadd.s32 $0xFFFFE000  }
0x15a: {  	[hbm4b:s16+s1] =	stream.linear.scatter [tilespmem:s21], [sflag:$0x3], $0x2000, $0x38;
	[tilespmem:$0x1CA00] =	vst v63  }
0x15b: {  	_ =	swait.ge [sflag:s26], $0x2000  }
0x15c: {  	[sflag:s26] =	ssyncset.done $0x0  }
0x15d: {  	s17 =	rddreg [dreg:$0x15];
	[sflag:s26] =	ssyncadd.s32 $0xFFFFE000  }
0x15e: {  	[tilespmem:s21], [sflag:$0x3] =	stream.linear.gather [spmem:s17], $0x2000, $0x38;
	[tilespmem:$0x1CA00] =	vst v63  }
0x15f: {  	_ =	swait.ge [sflag:s26], $0x2000  }
0x160: {  	[sflag:s26] =	ssyncset.done $0x0  }
0x161: {  	s6 =	rddreg [dreg:$0xa];
	[sflag:s26] =	ssyncadd.s32 $0xFFFFE000  }
0x162: {  	[hbm4b:s6+s1] =	stream.linear.scatter [tilespmem:s21], [sflag:$0x3], $0x2000, $0x38;
	[tilespmem:$0x1CA00] =	vst v63  }
0x163: {  	_ =	swait.ge [sflag:s26], $0x2000  }
0x164: {  	[sflag:s26] =	ssyncset.done $0x0  }
0x165: {  	s7 =	rddreg [dreg:$0x16];
	[sflag:s26] =	ssyncadd.s32 $0xFFFFE000  }
0x166: {  	[tilespmem:s21], [sflag:$0x3] =	stream.linear.gather [spmem:s7], $0x2000, $0x38;
	[tilespmem:$0x1CA00] =	vst v63  }
0x167: {  	_ =	swait.ge [sflag:s26], $0x2000  }
0x168: {  	[sflag:s26] =	ssyncset.done $0x0  }
0x169: {  	s8 =	rddreg [dreg:$0xb];
	[sflag:s26] =	ssyncadd.s32 $0xFFFFE000  }
0x16a: {  	[hbm4b:s8+s1] =	stream.linear.scatter [tilespmem:s21], [sflag:$0x3], $0x2000, $0x38;
	[tilespmem:$0x1CA00] =	vst v63  }
0x16b: {  	_ =	swait.ge [sflag:s26], $0x2000  }
0x16c: {  	[sflag:s26] =	ssyncset.done $0x0  }
0x16d: {  	s9 =	rddreg [dreg:$0x17];
	[sflag:s26] =	ssyncadd.s32 $0xFFFFE000  }
0x16e: {  	[tilespmem:s21], [sflag:$0x3] =	stream.linear.gather [spmem:s9], $0x2000, $0x38;
	[tilespmem:$0x1CA00] =	vst v63  }
0x16f: {  	_ =	swait.ge [sflag:s26], $0x2000  }
0x170: {  	[sflag:s26] =	ssyncset.done $0x0  }
0x171: {  	s10 =	rddreg [dreg:$0xc];
	[sflag:s26] =	ssyncadd.s32 $0xFFFFE000  }
0x172: {  	[hbm4b:s10+s1] =	stream.linear.scatter [tilespmem:s21], [sflag:$0x3], $0x2000, $0x38;
	[tilespmem:$0x1CA00] =	vst v63  }
0x173: {  	_ =	swait.ge [sflag:s26], $0x2000  }
0x174: {  	[sflag:s26] =	ssyncset.done $0x0  }
0x175: {  	s11 =	rddreg [dreg:$0x18];
	[sflag:s26] =	ssyncadd.s32 $0xFFFFE000  }
0x176: {  	[tilespmem:s21], [sflag:$0x3] =	stream.linear.gather [spmem:s11], $0x2000, $0x38;
	[tilespmem:$0x1CA00] =	vst v63  }
0x177: {  	_ =	swait.ge [sflag:s26], $0x2000  }
0x178: {  	[sflag:s26] =	ssyncset.done $0x0  }
0x179: {  	s16 =	rddreg [dreg:$0xd];
	[sflag:s26] =	ssyncadd.s32 $0xFFFFE000  }
0x17a: {  	[hbm4b:s16+s1] =	stream.linear.scatter [tilespmem:s21], [sflag:$0x3], $0x2000, $0x38;
	[tilespmem:$0x1CA00] =	vst v63  }
0x17b: {  	_ =	swait.ge [sflag:s26], $0x2000  }
0x17c: {  	[sflag:s26] =	ssyncset.done $0x0  }
0x17d: {  	s17 =	rddreg [dreg:$0x19];
	[sflag:s26] =	ssyncadd.s32 $0xFFFFE000  }
0x17e: {  	[tilespmem:s21], [sflag:$0x3] =	stream.linear.gather [spmem:s17], $0x2000, $0x38;
	[tilespmem:$0x1CA00] =	vst v63  }
0x17f: {  	_ =	swait.ge [sflag:s26], $0x2000  }
0x180: {  	[sflag:s26] =	ssyncset.done $0x0  }
0x181: {  	s6 =	rddreg [dreg:$0xe];
	[sflag:s26] =	ssyncadd.s32 $0xFFFFE000  }
0x182: {  	[hbm4b:s6+s1] =	stream.linear.scatter [tilespmem:s21], [sflag:$0x3], $0x2000, $0x38;
	[tilespmem:$0x1CA00] =	vst v63  }
0x183: {  	_ =	swait.ge [sflag:s26], $0x2000  }
0x184: {  	[sflag:s26] =	ssyncset.done $0x0  }
0x185: {  	s7 =	rddreg [dreg:$0x1a];
	[sflag:s26] =	ssyncadd.s32 $0xFFFFE000  }
0x186: {  	[tilespmem:s21], [sflag:$0x3] =	stream.linear.gather [spmem:s7], $0x2000, $0x38;
	[tilespmem:$0x1CA00] =	vst v63  }
0x187: {  	_ =	swait.ge [sflag:s26], $0x2000  }
0x188: {  	[sflag:s26] =	ssyncset.done $0x0  }
0x189: {  	s8 =	rddreg [dreg:$0xf];
	[sflag:s26] =	ssyncadd.s32 $0xFFFFE000  }
0x18a: {  	[hbm4b:s8+s1] =	stream.linear.scatter [tilespmem:s21], [sflag:$0x3], $0x2000, $0x38;
	[tilespmem:$0x1CA00] =	vst v63  }
0x18b: {  	_ =	swait.ge [sflag:s26], $0x2000  }
0x18c: {  	[sflag:s26] =	ssyncset.done $0x0  }
0x18d: {  	s9 =	rddreg [dreg:$0x1b];
	[sflag:s26] =	ssyncadd.s32 $0xFFFFE000  }
0x18e: {  	[tilespmem:s21], [sflag:$0x3] =	stream.linear.gather [spmem:s9], $0x2000, $0x38;
	[tilespmem:$0x1CA00] =	vst v63  }
0x18f: {  	_ =	swait.ge [sflag:s26], $0x2000  }
0x190: {  	[sflag:s26] =	ssyncset.done $0x0  }
0x191: {  	s10 =	rddreg [dreg:$0x10];
	[sflag:s26] =	ssyncadd.s32 $0xFFFFE000  }
0x192: {  	[hbm4b:s10+s1] =	stream.linear.scatter [tilespmem:s21], [sflag:$0x3], $0x2000, $0x38;
	[tilespmem:$0x1CA00] =	vst v63  }
0x193: {  	_ =	swait.ge [sflag:s26], $0x2000  }
0x194: {  	[sflag:s26] =	ssyncset.done $0x0  }
0x195: {  	[sflag:s26] =	ssyncadd.s32 $0xFFFFE000  }
0x196: {  	[tilespmem:s28], [sflag:$0x3] =	stream.linear.gather [spmem:s23], $0x2000, $0x38;
	[tilespmem:$0x1CA00] =	vst v63  }
0x197: {  	_ =	swait.ge [sflag:s26], $0x2000  }
0x198: {  	[sflag:s26] =	ssyncset.done $0x0  }
0x199: {  	s11 =	rddreg [dreg:$0x5];
	[sflag:s26] =	ssyncadd.s32 $0xFFFFE000  }
0x19a: {  	[hbm4b:s11+s1] =	stream.linear.scatter [tilespmem:s28], [sflag:$0x3], $0x2000, $0x38;
	[tilespmem:$0x1CA00] =	vst v63  }
0x19b: {  	_ =	swait.ge [sflag:s26], $0x2000  }
0x19c: {  	[sflag:s26] =	ssyncset.done $0x0  }
0x19d: {  	[sflag:s26] =	ssyncadd.s32 $0xFFFFE000  }
0x19e: {  	[tilespmem:s28], [sflag:$0x3] =	stream.linear.gather [spmem:s24], $0x2000, $0x38;
	[tilespmem:$0x1CA00] =	vst v63  }
0x19f: {  	_ =	swait.ge [sflag:s26], $0x2000  }
0x1a0: {  	[sflag:s26] =	ssyncset.done $0x0  }
0x1a1: {  	s16 =	rddreg [dreg:$0x6];
	[sflag:s26] =	ssyncadd.s32 $0xFFFFE000  }
0x1a2: {  	[hbm4b:s16+s1] =	stream.linear.scatter [tilespmem:s28], [sflag:$0x3], $0x2000, $0x38;
	[tilespmem:$0x1CA00] =	vst v63  }
0x1a3: {  	_ =	swait.ge [sflag:s26], $0x2000  }
0x1a4: {  	s4 =	sadd.s32 $0x1, s4;
	s17 =	rddreg [dreg:$0x12]  }
0x1a5: {  	p0 =	sne.s32 s4, s17  }
.Ltmp3:
0x1a6: {  	_ = 	snop;
	(pc) =	sbr.rel @p0 .LBB2_1-.Ltmp3, $3  }
0x1a7: {  	_ =	sdelay $0x1  }
0x1a8: {  	[sflag:s26] =	ssyncset.done $0x0  }
0x1a9: {  	[sflag:s26] =	ssyncadd.s32 $0xFFFFE000  }
0x1aa: {  	_ =	sfence.sel $0x180000  }
0x1ab: {  	[bflag:$0x0] =	sbarrier.arrive $0xFFFF  }
0x1ac: {  	_ =	strace $0x90000047  }
0x1ad: {  	s0 =	stileid.u32;
	[bflag:$0x2] =	sbarrier.arrive $0xFFFF  }
0x1ae: {  	p0 =	sne.s32 s0, $0x0;
	s0 =	rddreg [dreg:$0x4]  }
0x1af: {  	s0 =	sadd.s32 @!p0 $0x100000, s0  }
0x1b0: {  	[sflag:s0] =	ssyncadd.tile.s32 @!p0 $0x1;
	_ =	shalt  }
.Lfunc_end2:
_tile_overlayer_lowered:
.L_overlay_start_2:
0x1b1: {  	(tag) =	ssettag $0x2  }
0x1b2: {  	s0 =	rddreg [dreg:$0x0];
	s2 =	stileid.u32  }
0x1b3: {  	s1 =	rddreg [dreg:$0x1];
	p0 =	sne.s32 s2, $0x0  }
0x1b4: {  	s3 =	rddreg [dreg:$0x2];
	[bflag:$0x3] =	sbarrier.arrive $0xFFFF;
	s2 =	simm.s32 @!p0 $0x1C03  }
0x1b5: {  	[timem:s3], [sflag:s2] =	dma.local @!p0 [hbm:s0], s1  }
0x1b6: {  	s0 =	simm.s32 @!p0 $0x3  }
0x1b7: {  	_ =	swait.ge @!p0 [sflag:s0], s1  }
0x1b8: {  	s1 =	ssub.s32 @!p0 $0x0, s1;
	[sflag:s0] =	ssyncset.done @!p0 $0x0  }
0x1b9: {  	[sflag:s0] =	ssyncadd.s32 @!p0 s1  }
0x1ba: {  	[bflag:$0x3] =	sbarrier.arrive $0xFFFF  }
0x1bb: {  	_ =	shalt  }

</sc_bundles>
